<compile_context>
chip_gen: v7x
topology: tpu7x:2x2x1
jax: 0.10.2.dev20260603
libtpu: 0.0.44.dev20260713+nightly
codegen_flags: <defaults>
</compile_context>

<pallas_src>
import functools

import jax
import jax.numpy as jnp
from jax import lax
from jax.experimental import pallas as pl
from jax.experimental.pallas import tpu as pltpu
from jax.experimental.pallas import tpu_sc as plsc

EMBED_DIM = 16
BATCH = 16384
NTEAMS = 100000
NUM_CORES = 2
NUM_SUBCORES = 16
NUM_WORKERS = NUM_CORES * NUM_SUBCORES
BPW = BATCH // NUM_WORKERS
EPS = 1e-5


def _sc_gather_body(idx1_hbm, idx2_hbm, ttf_hbm, t1_hbm, t2_hbm,
                    idx1_v, idx2_v, idxs1_v, idxs2_v, rows1_v, rows2_v,
                    sem1, sem2):
    wid = lax.axis_index("s") * NUM_CORES + lax.axis_index("c")
    base = wid * BPW
    pltpu.sync_copy(idx1_hbm.at[pl.ds(base, BPW)], idx1_v)
    pltpu.sync_copy(idx2_hbm.at[pl.ds(base, BPW)], idx2_v)

    def build(k, _):
        v1 = idx1_v[pl.ds(k * 16, 16)]
        v2 = idx2_v[pl.ds(k * 16, 16)]
        for j in range(EMBED_DIM):
            idxs1_v[j, pl.ds(k * 16, 16)] = v1 + (j * NTEAMS)
            idxs2_v[j, pl.ds(k * 16, 16)] = v2 + (j * NTEAMS)
        return 0

    lax.fori_loop(0, BPW // 16, build, 0, unroll=2)

    half = BPW // 2
    copies = []
    for j in range(EMBED_DIM):
        for h in range(2):
            copies.append(pltpu.async_copy(
                ttf_hbm.at[idxs1_v.at[j, pl.ds(h * half, half)]],
                rows1_v.at[j, pl.ds(h * half, half)], sem1))
            copies.append(pltpu.async_copy(
                ttf_hbm.at[idxs2_v.at[j, pl.ds(h * half, half)]],
                rows2_v.at[j, pl.ds(h * half, half)], sem2))
    for cp in copies:
        cp.wait()
    pltpu.sync_copy(rows1_v, t1_hbm.at[:, pl.ds(base, BPW)])
    pltpu.sync_copy(rows2_v, t2_hbm.at[:, pl.ds(base, BPW)])


@jax.jit
def _sc_gather(idx1, idx2, ttf):
    mesh = plsc.VectorSubcoreMesh(core_axis_name="c", subcore_axis_name="s")
    fn = functools.partial(
        pl.kernel,
        mesh=mesh,
        out_type=[
            jax.ShapeDtypeStruct((EMBED_DIM, BATCH), jnp.float32),
            jax.ShapeDtypeStruct((EMBED_DIM, BATCH), jnp.float32),
        ],
        scratch_types=[
            pltpu.VMEM((BPW,), jnp.int32),
            pltpu.VMEM((BPW,), jnp.int32),
            pltpu.VMEM((EMBED_DIM, BPW), jnp.int32),
            pltpu.VMEM((EMBED_DIM, BPW), jnp.int32),
            pltpu.VMEM((EMBED_DIM, BPW), jnp.float32),
            pltpu.VMEM((EMBED_DIM, BPW), jnp.float32),
            pltpu.SemaphoreType.DMA,
            pltpu.SemaphoreType.DMA,
        ],
        compiler_params=pltpu.CompilerParams(use_tc_tiling_on_sc=False,
                                             needs_layout_passes=False),
    )(_sc_gather_body)
    return fn(idx1, idx2, ttf)


def _tc_classifier_body(t1_ref, t2_ref, sd_ref, par_ref, scal_ref, out_ref):
    inv_b = 1.0 / BATCH
    t1 = t1_ref[...].reshape(EMBED_DIM, 128, 128)
    t2 = t2_ref[...].reshape(EMBED_DIM, 128, 128)
    sd = sd_ref[...]

    m1 = jnp.sum(t1, axis=(1, 2), keepdims=True) * inv_b
    m2 = jnp.sum(t2, axis=(1, 2), keepdims=True) * inv_b
    c1 = t1 - m1
    c2 = t2 - m2
    v1 = jnp.sum(c1 * c1, axis=(1, 2), keepdims=True) * inv_b
    v2 = jnp.sum(c2 * c2, axis=(1, 2), keepdims=True) * inv_b

    par = par_ref[...]
    g1 = par[:, 0:1].reshape(EMBED_DIM, 1, 1)
    g2 = par[:, 1:2].reshape(EMBED_DIM, 1, 1)
    b1 = par[:, 2:3]
    b2 = par[:, 3:4]
    w1 = par[:, 4:5].reshape(EMBED_DIM, 1, 1)
    w2 = par[:, 5:6].reshape(EMBED_DIM, 1, 1)
    gsd = scal_ref[0, 0]
    bsd = scal_ref[0, 1]
    wsd = scal_ref[0, 2]
    bias = scal_ref[0, 3]

    sw1 = g1 * jax.lax.rsqrt(v1 + EPS) * w1
    sw2 = g2 * jax.lax.rsqrt(v2 + EPS) * w2

    msd = jnp.sum(sd) * inv_b
    csd = sd - msd
    vsd = jnp.sum(csd * csd) * inv_b
    swsd = gsd * jax.lax.rsqrt(vsd + EPS) * wsd

    const = (jnp.sum(b1 * par[:, 4:5]) + jnp.sum(b2 * par[:, 5:6])
             + bsd * wsd + bias)
    logits = (jnp.sum(c1 * sw1, axis=0) + jnp.sum(c2 * sw2, axis=0)
              + csd * swsd + const)
    out_ref[...] = 1.0 / (1.0 + jnp.exp(-logits))


@jax.jit
def _tc_classifier(t1p, t2p, sd, par, scal):
    return pl.pallas_call(
        _tc_classifier_body,
        out_shape=jax.ShapeDtypeStruct((128, 128), jnp.float32),
    )(t1p, t2p, sd, par, scal)


def kernel(idsTensor, table, gamma, beta, W, b):
    idx1 = idsTensor[:, 0].astype(jnp.int32)
    idx2 = idsTensor[:, 1].astype(jnp.int32)
    sd = idsTensor[:, 2].reshape(128, 128)
    ttf = table.T.reshape(EMBED_DIM * NTEAMS)
    t1, t2 = _sc_gather(idx1, idx2, ttf)
    t1p = t1.reshape(2048, 128)
    t2p = t2.reshape(2048, 128)
    par = jnp.stack(
        [gamma[:EMBED_DIM], gamma[EMBED_DIM:2 * EMBED_DIM],
         beta[:EMBED_DIM], beta[EMBED_DIM:2 * EMBED_DIM],
         W[0, :EMBED_DIM], W[0, EMBED_DIM:2 * EMBED_DIM]], axis=1)
    scal = jnp.stack(
        [gamma[2 * EMBED_DIM], beta[2 * EMBED_DIM], W[0, 2 * EMBED_DIM],
         b[0]]).reshape(1, 4)
    out = _tc_classifier(t1p, t2p, sd, par, scal)
    return out.reshape(BATCH, 1)

# --- scband reference (transcript-rebuilt; emitter-appended) ---
"""Pipeline reference for scband-binary-classification-model-50818053046877 (READ-ONLY COPY).

The authoritative reference and input builder live on the scoring server;
editing this copy changes nothing except your own understanding.
"""

import jax, jax.numpy as jnp
import numpy as np

NUM_TEAMS = 100000
EMBED_DIM = 16
BATCH = 16384
FEAT = EMBED_DIM * 2 + 1

def setup_inputs(seed: int = 0) -> dict:
    key = jax.random.key(seed)
    k1, k2, k3, k4, k5, k6 = jax.random.split(key, 6)
    # idsTensor: columns 0,1 are team ids (integer-valued floats), column 2 is score diff
    idsTensor = jax.random.randint(k1, (BATCH, 3), 0, NUM_TEAMS).astype(jnp.float32)
    # learned parameters
    table = jax.random.normal(k2, (NUM_TEAMS, EMBED_DIM), dtype=jnp.float32)
    gamma = jnp.ones((FEAT,), dtype=jnp.float32)
    beta = jnp.zeros((FEAT,), dtype=jnp.float32)
    W = jax.random.normal(k3, (1, FEAT), dtype=jnp.float32) * (1.0 / np.sqrt(FEAT))
    b = jnp.zeros((1,), dtype=jnp.float32)
    return {"idsTensor": idsTensor, "table": table, "gamma": gamma, "beta": beta, "W": W, "b": b}

def reference(idsTensor, table, gamma, beta, W, b):
    idx1 = idsTensor[:, 0].astype(jnp.int32)
    idx2 = idsTensor[:, 1].astype(jnp.int32)
    team1 = jnp.take(table, idx1, axis=0)
    team2 = jnp.take(table, idx2, axis=0)
    score_diff = idsTensor[:, 2:3]
    features = jnp.concatenate([team1, team2, score_diff], axis=1)
    # BatchNorm1d in training mode: batch statistics, biased variance, eps=1e-5
    mean = jnp.mean(features, axis=0)
    var = jnp.var(features, axis=0)
    features = (features - mean) / jnp.sqrt(var + 1e-5) * gamma + beta
    # Dropout is identity in deterministic/eval reference
    logits = features @ W.T + b
    return jax.nn.sigmoid(logits)

if __name__ == "__main__":
    import jax
    _d = setup_inputs()
    print(jax.jit(kernel)(*tuple(_d.values())))

</pallas_src>

<mosaic_0001>
#map = affine_map<(d0, d1) -> (0)>
#map1 = affine_map<(d0, d1) -> (0, 0)>
module attributes {stable_mosaic.version = 14 : i64} {
  func.func @_sc_gather_body(%arg0: i32, %arg1: i32, %arg2: memref<16384xi32, #tpu.memory_space<hbm>>, %arg3: memref<16384xi32, #tpu.memory_space<hbm>>, %arg4: memref<1600000xf32, #tpu.memory_space<hbm>>, %arg5: memref<16x16384xf32, #tpu.memory_space<hbm>>, %arg6: memref<16x16384xf32, #tpu.memory_space<hbm>>, %arg7: memref<512xi32, #tpu.memory_space<vmem>>, %arg8: memref<512xi32, #tpu.memory_space<vmem>>, %arg9: memref<16x512xi32, #tpu.memory_space<vmem>>, %arg10: memref<16x512xi32, #tpu.memory_space<vmem>>, %arg11: memref<16x512xf32, #tpu.memory_space<vmem>>, %arg12: memref<16x512xf32, #tpu.memory_space<vmem>>, %arg13: memref<!tpu.dma_semaphore, #tpu.memory_space<semaphore_mem>>, %arg14: memref<!tpu.dma_semaphore, #tpu.memory_space<semaphore_mem>>) attributes {dimension_semantics = [#tpu.dimension_semantics<core_parallel>, #tpu.dimension_semantics<subcore_parallel>], iteration_bounds = array<i64: 2, 16>, scalar_prefetch = 0 : i64, scratch_operands = 8 : i64, tpu.core_type = #tpu.core_type<sc_vector_subcore>, window_params = [{transform_indices = #map}, {transform_indices = #map}, {transform_indices = #map}, {transform_indices = #map1}, {transform_indices = #map1}]} {
    %mul3A = arith.constant 2 : i32
    %mul3A_0 = arith.muli %arg1, %mul3A : i32
    %add3A = arith.addi %mul3A_0, %arg0 : i32
    %mul3A_1 = arith.constant 512 : i32
    %mul3A_2 = arith.muli %add3A, %mul3A_1 : i32
    "tpu.region"() ({
      %run_scoped3A = tpu.sem_alloc : memref<!tpu.dma_semaphore, #tpu.memory_space<semaphore_mem>>
      %dma_start3A_1287 = tpu.memref_slice %arg2[%mul3A_2] : memref<16384xi32, #tpu.memory_space<hbm>> -> memref<512xi32, #tpu.memory_space<hbm>>
      %dma_start3A_1288 = tpu.memref_slice %arg2[%mul3A_2] : memref<16384xi32, #tpu.memory_space<hbm>> -> memref<512xi32, #tpu.memory_space<hbm>>
      tpu.enqueue_dma source(%dma_start3A_1288 : memref<512xi32, #tpu.memory_space<hbm>>) target(%arg7 : memref<512xi32, #tpu.memory_space<vmem>>) target_semaphore(%run_scoped3A : memref<!tpu.dma_semaphore, #tpu.memory_space<semaphore_mem>>)
      %dma_wait3A_1289 = tpu.memref_slice %arg2[%mul3A_2] : memref<16384xi32, #tpu.memory_space<hbm>> -> memref<512xi32, #tpu.memory_space<hbm>>
      %dma_wait3A_1290 = tpu.memref_slice %arg2[%mul3A_2] : memref<16384xi32, #tpu.memory_space<hbm>> -> memref<512xi32, #tpu.memory_space<hbm>>
      tpu.wait_dma2 semaphore(%run_scoped3A : memref<!tpu.dma_semaphore, #tpu.memory_space<semaphore_mem>>) src(%dma_wait3A_1290 : memref<512xi32, #tpu.memory_space<hbm>>) dst(%arg7 : memref<512xi32, #tpu.memory_space<vmem>>)
      tpu.yield
    }) : () -> ()
    "tpu.region"() ({
      %run_scoped3A = tpu.sem_alloc : memref<!tpu.dma_semaphore, #tpu.memory_space<semaphore_mem>>
      %dma_start3A_1287 = tpu.memref_slice %arg3[%mul3A_2] : memref<16384xi32, #tpu.memory_space<hbm>> -> memref<512xi32, #tpu.memory_space<hbm>>
      %dma_start3A_1288 = tpu.memref_slice %arg3[%mul3A_2] : memref<16384xi32, #tpu.memory_space<hbm>> -> memref<512xi32, #tpu.memory_space<hbm>>
      tpu.enqueue_dma source(%dma_start3A_1288 : memref<512xi32, #tpu.memory_space<hbm>>) target(%arg8 : memref<512xi32, #tpu.memory_space<vmem>>) target_semaphore(%run_scoped3A : memref<!tpu.dma_semaphore, #tpu.memory_space<semaphore_mem>>)
      %dma_wait3A_1289 = tpu.memref_slice %arg3[%mul3A_2] : memref<16384xi32, #tpu.memory_space<hbm>> -> memref<512xi32, #tpu.memory_space<hbm>>
      %dma_wait3A_1290 = tpu.memref_slice %arg3[%mul3A_2] : memref<16384xi32, #tpu.memory_space<hbm>> -> memref<512xi32, #tpu.memory_space<hbm>>
      tpu.wait_dma2 semaphore(%run_scoped3A : memref<!tpu.dma_semaphore, #tpu.memory_space<semaphore_mem>>) src(%dma_wait3A_1290 : memref<512xi32, #tpu.memory_space<hbm>>) dst(%arg8 : memref<512xi32, #tpu.memory_space<vmem>>)
      tpu.yield
    }) : () -> ()
    %scan3A = arith.constant 0 : i32
    %scan3A_3 = arith.constant 0 : i32
    %scan3A_4 = arith.constant 32 : i32
    %scan3A_5 = arith.addi %scan3A_3, %scan3A_4 : i32
    %scan3A_6 = arith.constant 2 : i32
    %scan3A_7 = scf.for %scan3A_1287 = %scan3A_3 to %scan3A_5 step %scan3A_6 iter_args(%scan3A_1288 = %scan3A) -> (i32)  : i32 {
      %mul3A_1289 = arith.constant 16 : i32
      %mul3A_1290 = arith.muli %scan3A_1287, %mul3A_1289 : i32
      %get3A = arith.index_cast %mul3A_1290 : i32 to index
      %get3A_1291 = tpu.vector_load %arg7[%get3A] {strides = array<i32>} : memref<512xi32, #tpu.memory_space<vmem>>, vector<16xi32>,
      %mul3A_1292 = arith.constant 16 : i32
      %mul3A_1293 = arith.muli %scan3A_1287, %mul3A_1292 : i32
      %get3A_1294 = arith.index_cast %mul3A_1293 : i32 to index
      %get3A_1295 = tpu.vector_load %arg8[%get3A_1294] {strides = array<i32>} : memref<512xi32, #tpu.memory_space<vmem>>, vector<16xi32>,
      %add3A_1296 = arith.constant 0 : i32
      %add3A_1297 = vector.broadcast %add3A_1296 : i32 to vector<16xi32>
      %add3A_1298 = arith.addi %get3A_1291, %add3A_1297 : vector<16xi32>
      %mul3A_1299 = arith.constant 16 : i32
      %mul3A_1300 = arith.muli %scan3A_1287, %mul3A_1299 : i32
      %swap3A = arith.constant 0 : i32
      %swap3A_1301 = arith.index_cast %swap3A : i32 to index
      %swap3A_1302 = arith.index_cast %mul3A_1300 : i32 to index
      %swap3A_1303 = tpu.vector_load %arg9[%swap3A_1301, %swap3A_1302] {strides = array<i32>} : memref<16x512xi32, #tpu.memory_space<vmem>>, vector<16xi32>,
      tpu.vector_store %arg9[%swap3A_1301, %swap3A_1302], %add3A_1298 {strides = array<i32>} : memref<16x512xi32, #tpu.memory_space<vmem>>, vector<16xi32>,
      %add3A_1304 = arith.constant 0 : i32
      %add3A_1305 = vector.broadcast %add3A_1304 : i32 to vector<16xi32>
      %add3A_1306 = arith.addi %get3A_1295, %add3A_1305 : vector<16xi32>
      %mul3A_1307 = arith.constant 16 : i32
      %mul3A_1308 = arith.muli %scan3A_1287, %mul3A_1307 : i32
      %swap3A_1309 = arith.constant 0 : i32
      %swap3A_1310 = arith.index_cast %swap3A_1309 : i32 to index
      %swap3A_1311 = arith.index_cast %mul3A_1308 : i32 to index
      %swap3A_1312 = tpu.vector_load %arg10[%swap3A_1310, %swap3A_1311] {strides = array<i32>} : memref<16x512xi32, #tpu.memory_space<vmem>>, vector<16xi32>,
      tpu.vector_store %arg10[%swap3A_1310, %swap3A_1311], %add3A_1306 {strides = array<i32>} : memref<16x512xi32, #tpu.memory_space<vmem>>, vector<16xi32>,
      %add3A_1313 = arith.constant 100000 : i32
      %add3A_1314 = vector.broadcast %add3A_1313 : i32 to vector<16xi32>
      %add3A_1315 = arith.addi %get3A_1291, %add3A_1314 : vector<16xi32>
      %mul3A_1316 = arith.constant 16 : i32
      %mul3A_1317 = arith.muli %scan3A_1287, %mul3A_1316 : i32
      %swap3A_1318 = arith.constant 1 : i32
      %swap3A_1319 = arith.index_cast %swap3A_1318 : i32 to index
      %swap3A_1320 = arith.index_cast %mul3A_1317 : i32 to index
      %swap3A_1321 = tpu.vector_load %arg9[%swap3A_1319, %swap3A_1320] {strides = array<i32>} : memref<16x512xi32, #tpu.memory_space<vmem>>, vector<16xi32>,
      tpu.vector_store %arg9[%swap3A_1319, %swap3A_1320], %add3A_1315 {strides = array<i32>} : memref<16x512xi32, #tpu.memory_space<vmem>>, vector<16xi32>,
      %add3A_1322 = arith.constant 100000 : i32
      %add3A_1323 = vector.broadcast %add3A_1322 : i32 to vector<16xi32>
      %add3A_1324 = arith.addi %get3A_1295, %add3A_1323 : vector<16xi32>
      %mul3A_1325 = arith.constant 16 : i32
      %mul3A_1326 = arith.muli %scan3A_1287, %mul3A_1325 : i32
      %swap3A_1327 = arith.constant 1 : i32
      %swap3A_1328 = arith.index_cast %swap3A_1327 : i32 to index
      %swap3A_1329 = arith.index_cast %mul3A_1326 : i32 to index
      %swap3A_1330 = tpu.vector_load %arg10[%swap3A_1328, %swap3A_1329] {strides = array<i32>} : memref<16x512xi32, #tpu.memory_space<vmem>>, vector<16xi32>,
      tpu.vector_store %arg10[%swap3A_1328, %swap3A_1329], %add3A_1324 {strides = array<i32>} : memref<16x512xi32, #tpu.memory_space<vmem>>, vector<16xi32>,
      %add3A_1331 = arith.constant 200000 : i32
      %add3A_1332 = vector.broadcast %add3A_1331 : i32 to vector<16xi32>
      %add3A_1333 = arith.addi %get3A_1291, %add3A_1332 : vector<16xi32>
      %mul3A_1334 = arith.constant 16 : i32
      %mul3A_1335 = arith.muli %scan3A_1287, %mul3A_1334 : i32
      %swap3A_1336 = arith.constant 2 : i32
      %swap3A_1337 = arith.index_cast %swap3A_1336 : i32 to index
      %swap3A_1338 = arith.index_cast %mul3A_1335 : i32 to index
      %swap3A_1339 = tpu.vector_load %arg9[%swap3A_1337, %swap3A_1338] {strides = array<i32>} : memref<16x512xi32, #tpu.memory_space<vmem>>, vector<16xi32>,
      tpu.vector_store %arg9[%swap3A_1337, %swap3A_1338], %add3A_1333 {strides = array<i32>} : memref<16x512xi32, #tpu.memory_space<vmem>>, vector<16xi32>,
      %add3A_1340 = arith.constant 200000 : i32
      %add3A_1341 = vector.broadcast %add3A_1340 : i32 to vector<16xi32>
      %add3A_1342 = arith.addi %get3A_1295, %add3A_1341 : vector<16xi32>
      %mul3A_1343 = arith.constant 16 : i32
      %mul3A_1344 = arith.muli %scan3A_1287, %mul3A_1343 : i32
      %swap3A_1345 = arith.constant 2 : i32
      %swap3A_1346 = arith.index_cast %swap3A_1345 : i32 to index
      %swap3A_1347 = arith.index_cast %mul3A_1344 : i32 to index
      %swap3A_1348 = tpu.vector_load %arg10[%swap3A_1346, %swap3A_1347] {strides = array<i32>} : memref<16x512xi32, #tpu.memory_space<vmem>>, vector<16xi32>,
      tpu.vector_store %arg10[%swap3A_1346, %swap3A_1347], %add3A_1342 {strides = array<i32>} : memref<16x512xi32, #tpu.memory_space<vmem>>, vector<16xi32>,
      %add3A_1349 = arith.constant 300000 : i32
      %add3A_1350 = vector.broadcast %add3A_1349 : i32 to vector<16xi32>
      %add3A_1351 = arith.addi %get3A_1291, %add3A_1350 : vector<16xi32>
      %mul3A_1352 = arith.constant 16 : i32
      %mul3A_1353 = arith.muli %scan3A_1287, %mul3A_1352 : i32
      %swap3A_1354 = arith.constant 3 : i32
      %swap3A_1355 = arith.index_cast %swap3A_1354 : i32 to index
      %swap3A_1356 = arith.index_cast %mul3A_1353 : i32 to index
      %swap3A_1357 = tpu.vector_load %arg9[%swap3A_1355, %swap3A_1356] {strides = array<i32>} : memref<16x512xi32, #tpu.memory_space<vmem>>, vector<16xi32>,
      tpu.vector_store %arg9[%swap3A_1355, %swap3A_1356], %add3A_1351 {strides = array<i32>} : memref<16x512xi32, #tpu.memory_space<vmem>>, vector<16xi32>,
      %add3A_1358 = arith.constant 300000 : i32
      %add3A_1359 = vector.broadcast %add3A_1358 : i32 to vector<16xi32>
      %add3A_1360 = arith.addi %get3A_1295, %add3A_1359 : vector<16xi32>
      %mul3A_1361 = arith.constant 16 : i32
      %mul3A_1362 = arith.muli %scan3A_1287, %mul3A_1361 : i32
      %swap3A_1363 = arith.constant 3 : i32
      %swap3A_1364 = arith.index_cast %swap3A_1363 : i32 to index
      %swap3A_1365 = arith.index_cast %mul3A_1362 : i32 to index
      %swap3A_1366 = tpu.vector_load %arg10[%swap3A_1364, %swap3A_1365] {strides = array<i32>} : memref<16x512xi32, #tpu.memory_space<vmem>>, vector<16xi32>,
      tpu.vector_store %arg10[%swap3A_1364, %swap3A_1365], %add3A_1360 {strides = array<i32>} : memref<16x512xi32, #tpu.memory_space<vmem>>, vector<16xi32>,
      %add3A_1367 = arith.constant 400000 : i32
      %add3A_1368 = vector.broadcast %add3A_1367 : i32 to vector<16xi32>
      %add3A_1369 = arith.addi %get3A_1291, %add3A_1368 : vector<16xi32>
      %mul3A_1370 = arith.constant 16 : i32
      %mul3A_1371 = arith.muli %scan3A_1287, %mul3A_1370 : i32
      %swap3A_1372 = arith.constant 4 : i32
      %swap3A_1373 = arith.index_cast %swap3A_1372 : i32 to index
      %swap3A_1374 = arith.index_cast %mul3A_1371 : i32 to index
      %swap3A_1375 = tpu.vector_load %arg9[%swap3A_1373, %swap3A_1374] {strides = array<i32>} : memref<16x512xi32, #tpu.memory_space<vmem>>, vector<16xi32>,
      tpu.vector_store %arg9[%swap3A_1373, %swap3A_1374], %add3A_1369 {strides = array<i32>} : memref<16x512xi32, #tpu.memory_space<vmem>>, vector<16xi32>,
      %add3A_1376 = arith.constant 400000 : i32
      %add3A_1377 = vector.broadcast %add3A_1376 : i32 to vector<16xi32>
      %add3A_1378 = arith.addi %get3A_1295, %add3A_1377 : vector<16xi32>
      %mul3A_1379 = arith.constant 16 : i32
      %mul3A_1380 = arith.muli %scan3A_1287, %mul3A_1379 : i32
      %swap3A_1381 = arith.constant 4 : i32
      %swap3A_1382 = arith.index_cast %swap3A_1381 : i32 to index
      %swap3A_1383 = arith.index_cast %mul3A_1380 : i32 to index
      %swap3A_1384 = tpu.vector_load %arg10[%swap3A_1382, %swap3A_1383] {strides = array<i32>} : memref<16x512xi32, #tpu.memory_space<vmem>>, vector<16xi32>,
      tpu.vector_store %arg10[%swap3A_1382, %swap3A_1383], %add3A_1378 {strides = array<i32>} : memref<16x512xi32, #tpu.memory_space<vmem>>, vector<16xi32>,
      %add3A_1385 = arith.constant 500000 : i32
      %add3A_1386 = vector.broadcast %add3A_1385 : i32 to vector<16xi32>
      %add3A_1387 = arith.addi %get3A_1291, %add3A_1386 : vector<16xi32>
      %mul3A_1388 = arith.constant 16 : i32
      %mul3A_1389 = arith.muli %scan3A_1287, %mul3A_1388 : i32
      %swap3A_1390 = arith.constant 5 : i32
      %swap3A_1391 = arith.index_cast %swap3A_1390 : i32 to index
      %swap3A_1392 = arith.index_cast %mul3A_1389 : i32 to index
      %swap3A_1393 = tpu.vector_load %arg9[%swap3A_1391, %swap3A_1392] {strides = array<i32>} : memref<16x512xi32, #tpu.memory_space<vmem>>, vector<16xi32>,
      tpu.vector_store %arg9[%swap3A_1391, %swap3A_1392], %add3A_1387 {strides = array<i32>} : memref<16x512xi32, #tpu.memory_space<vmem>>, vector<16xi32>,
      %add3A_1394 = arith.constant 500000 : i32
      %add3A_1395 = vector.broadcast %add3A_1394 : i32 to vector<16xi32>
      %add3A_1396 = arith.addi %get3A_1295, %add3A_1395 : vector<16xi32>
      %mul3A_1397 = arith.constant 16 : i32
      %mul3A_1398 = arith.muli %scan3A_1287, %mul3A_1397 : i32
      %swap3A_1399 = arith.constant 5 : i32
      %swap3A_1400 = arith.index_cast %swap3A_1399 : i32 to index
      %swap3A_1401 = arith.index_cast %mul3A_1398 : i32 to index
      %swap3A_1402 = tpu.vector_load %arg10[%swap3A_1400, %swap3A_1401] {strides = array<i32>} : memref<16x512xi32, #tpu.memory_space<vmem>>, vector<16xi32>,
      tpu.vector_store %arg10[%swap3A_1400, %swap3A_1401], %add3A_1396 {strides = array<i32>} : memref<16x512xi32, #tpu.memory_space<vmem>>, vector<16xi32>,
      %add3A_1403 = arith.constant 600000 : i32
      %add3A_1404 = vector.broadcast %add3A_1403 : i32 to vector<16xi32>
      %add3A_1405 = arith.addi %get3A_1291, %add3A_1404 : vector<16xi32>
      %mul3A_1406 = arith.constant 16 : i32
      %mul3A_1407 = arith.muli %scan3A_1287, %mul3A_1406 : i32
      %swap3A_1408 = arith.constant 6 : i32
      %swap3A_1409 = arith.index_cast %swap3A_1408 : i32 to index
      %swap3A_1410 = arith.index_cast %mul3A_1407 : i32 to index
      %swap3A_1411 = tpu.vector_load %arg9[%swap3A_1409, %swap3A_1410] {strides = array<i32>} : memref<16x512xi32, #tpu.memory_space<vmem>>, vector<16xi32>,
      tpu.vector_store %arg9[%swap3A_1409, %swap3A_1410], %add3A_1405 {strides = array<i32>} : memref<16x512xi32, #tpu.memory_space<vmem>>, vector<16xi32>,
      %add3A_1412 = arith.constant 600000 : i32
      %add3A_1413 = vector.broadcast %add3A_1412 : i32 to vector<16xi32>
      %add3A_1414 = arith.addi %get3A_1295, %add3A_1413 : vector<16xi32>
      %mul3A_1415 = arith.constant 16 : i32
      %mul3A_1416 = arith.muli %scan3A_1287, %mul3A_1415 : i32
      %swap3A_1417 = arith.constant 6 : i32
      %swap3A_1418 = arith.index_cast %swap3A_1417 : i32 to index
      %swap3A_1419 = arith.index_cast %mul3A_1416 : i32 to index
      %swap3A_1420 = tpu.vector_load %arg10[%swap3A_1418, %swap3A_1419] {strides = array<i32>} : memref<16x512xi32, #tpu.memory_space<vmem>>, vector<16xi32>,
      tpu.vector_store %arg10[%swap3A_1418, %swap3A_1419], %add3A_1414 {strides = array<i32>} : memref<16x512xi32, #tpu.memory_space<vmem>>, vector<16xi32>,
      %add3A_1421 = arith.constant 700000 : i32
      %add3A_1422 = vector.broadcast %add3A_1421 : i32 to vector<16xi32>
      %add3A_1423 = arith.addi %get3A_1291, %add3A_1422 : vector<16xi32>
      %mul3A_1424 = arith.constant 16 : i32
      %mul3A_1425 = arith.muli %scan3A_1287, %mul3A_1424 : i32
      %swap3A_1426 = arith.constant 7 : i32
      %swap3A_1427 = arith.index_cast %swap3A_1426 : i32 to index
      %swap3A_1428 = arith.index_cast %mul3A_1425 : i32 to index
      %swap3A_1429 = tpu.vector_load %arg9[%swap3A_1427, %swap3A_1428] {strides = array<i32>} : memref<16x512xi32, #tpu.memory_space<vmem>>, vector<16xi32>,
      tpu.vector_store %arg9[%swap3A_1427, %swap3A_1428], %add3A_1423 {strides = array<i32>} : memref<16x512xi32, #tpu.memory_space<vmem>>, vector<16xi32>,
      %add3A_1430 = arith.constant 700000 : i32
      %add3A_1431 = vector.broadcast %add3A_1430 : i32 to vector<16xi32>
      %add3A_1432 = arith.addi %get3A_1295, %add3A_1431 : vector<16xi32>
      %mul3A_1433 = arith.constant 16 : i32
      %mul3A_1434 = arith.muli %scan3A_1287, %mul3A_1433 : i32
      %swap3A_1435 = arith.constant 7 : i32
      %swap3A_1436 = arith.index_cast %swap3A_1435 : i32 to index
      %swap3A_1437 = arith.index_cast %mul3A_1434 : i32 to index
      %swap3A_1438 = tpu.vector_load %arg10[%swap3A_1436, %swap3A_1437] {strides = array<i32>} : memref<16x512xi32, #tpu.memory_space<vmem>>, vector<16xi32>,
      tpu.vector_store %arg10[%swap3A_1436, %swap3A_1437], %add3A_1432 {strides = array<i32>} : memref<16x512xi32, #tpu.memory_space<vmem>>, vector<16xi32>,
      %add3A_1439 = arith.constant 800000 : i32
      %add3A_1440 = vector.broadcast %add3A_1439 : i32 to vector<16xi32>
      %add3A_1441 = arith.addi %get3A_1291, %add3A_1440 : vector<16xi32>
      %mul3A_1442 = arith.constant 16 : i32
      %mul3A_1443 = arith.muli %scan3A_1287, %mul3A_1442 : i32
      %swap3A_1444 = arith.constant 8 : i32
      %swap3A_1445 = arith.index_cast %swap3A_1444 : i32 to index
      %swap3A_1446 = arith.index_cast %mul3A_1443 : i32 to index
      %swap3A_1447 = tpu.vector_load %arg9[%swap3A_1445, %swap3A_1446] {strides = array<i32>} : memref<16x512xi32, #tpu.memory_space<vmem>>, vector<16xi32>,
      tpu.vector_store %arg9[%swap3A_1445, %swap3A_1446], %add3A_1441 {strides = array<i32>} : memref<16x512xi32, #tpu.memory_space<vmem>>, vector<16xi32>,
      %add3A_1448 = arith.constant 800000 : i32
      %add3A_1449 = vector.broadcast %add3A_1448 : i32 to vector<16xi32>
      %add3A_1450 = arith.addi %get3A_1295, %add3A_1449 : vector<16xi32>
      %mul3A_1451 = arith.constant 16 : i32
      %mul3A_1452 = arith.muli %scan3A_1287, %mul3A_1451 : i32
      %swap3A_1453 = arith.constant 8 : i32
      %swap3A_1454 = arith.index_cast %swap3A_1453 : i32 to index
      %swap3A_1455 = arith.index_cast %mul3A_1452 : i32 to index
      %swap3A_1456 = tpu.vector_load %arg10[%swap3A_1454, %swap3A_1455] {strides = array<i32>} : memref<16x512xi32, #tpu.memory_space<vmem>>, vector<16xi32>,
      tpu.vector_store %arg10[%swap3A_1454, %swap3A_1455], %add3A_1450 {strides = array<i32>} : memref<16x512xi32, #tpu.memory_space<vmem>>, vector<16xi32>,
      %add3A_1457 = arith.constant 900000 : i32
      %add3A_1458 = vector.broadcast %add3A_1457 : i32 to vector<16xi32>
      %add3A_1459 = arith.addi %get3A_1291, %add3A_1458 : vector<16xi32>
      %mul3A_1460 = arith.constant 16 : i32
      %mul3A_1461 = arith.muli %scan3A_1287, %mul3A_1460 : i32
      %swap3A_1462 = arith.constant 9 : i32
      %swap3A_1463 = arith.index_cast %swap3A_1462 : i32 to index
      %swap3A_1464 = arith.index_cast %mul3A_1461 : i32 to index
      %swap3A_1465 = tpu.vector_load %arg9[%swap3A_1463, %swap3A_1464] {strides = array<i32>} : memref<16x512xi32, #tpu.memory_space<vmem>>, vector<16xi32>,
      tpu.vector_store %arg9[%swap3A_1463, %swap3A_1464], %add3A_1459 {strides = array<i32>} : memref<16x512xi32, #tpu.memory_space<vmem>>, vector<16xi32>,
      %add3A_1466 = arith.constant 900000 : i32
      %add3A_1467 = vector.broadcast %add3A_1466 : i32 to vector<16xi32>
      %add3A_1468 = arith.addi %get3A_1295, %add3A_1467 : vector<16xi32>
      %mul3A_1469 = arith.constant 16 : i32
      %mul3A_1470 = arith.muli %scan3A_1287, %mul3A_1469 : i32
      %swap3A_1471 = arith.constant 9 : i32
      %swap3A_1472 = arith.index_cast %swap3A_1471 : i32 to index
      %swap3A_1473 = arith.index_cast %mul3A_1470 : i32 to index
      %swap3A_1474 = tpu.vector_load %arg10[%swap3A_1472, %swap3A_1473] {strides = array<i32>} : memref<16x512xi32, #tpu.memory_space<vmem>>, vector<16xi32>,
      tpu.vector_store %arg10[%swap3A_1472, %swap3A_1473], %add3A_1468 {strides = array<i32>} : memref<16x512xi32, #tpu.memory_space<vmem>>, vector<16xi32>,
      %add3A_1475 = arith.constant 1000000 : i32
      %add3A_1476 = vector.broadcast %add3A_1475 : i32 to vector<16xi32>
      %add3A_1477 = arith.addi %get3A_1291, %add3A_1476 : vector<16xi32>
      %mul3A_1478 = arith.constant 16 : i32
      %mul3A_1479 = arith.muli %scan3A_1287, %mul3A_1478 : i32
      %swap3A_1480 = arith.constant 10 : i32
      %swap3A_1481 = arith.index_cast %swap3A_1480 : i32 to index
      %swap3A_1482 = arith.index_cast %mul3A_1479 : i32 to index
      %swap3A_1483 = tpu.vector_load %arg9[%swap3A_1481, %swap3A_1482] {strides = array<i32>} : memref<16x512xi32, #tpu.memory_space<vmem>>, vector<16xi32>,
      tpu.vector_store %arg9[%swap3A_1481, %swap3A_1482], %add3A_1477 {strides = array<i32>} : memref<16x512xi32, #tpu.memory_space<vmem>>, vector<16xi32>,
      %add3A_1484 = arith.constant 1000000 : i32
      %add3A_1485 = vector.broadcast %add3A_1484 : i32 to vector<16xi32>
      %add3A_1486 = arith.addi %get3A_1295, %add3A_1485 : vector<16xi32>
      %mul3A_1487 = arith.constant 16 : i32
      %mul3A_1488 = arith.muli %scan3A_1287, %mul3A_1487 : i32
      %swap3A_1489 = arith.constant 10 : i32
      %swap3A_1490 = arith.index_cast %swap3A_1489 : i32 to index
      %swap3A_1491 = arith.index_cast %mul3A_1488 : i32 to index
      %swap3A_1492 = tpu.vector_load %arg10[%swap3A_1490, %swap3A_1491] {strides = array<i32>} : memref<16x512xi32, #tpu.memory_space<vmem>>, vector<16xi32>,
      tpu.vector_store %arg10[%swap3A_1490, %swap3A_1491], %add3A_1486 {strides = array<i32>} : memref<16x512xi32, #tpu.memory_space<vmem>>, vector<16xi32>,
      %add3A_1493 = arith.constant 1100000 : i32
      %add3A_1494 = vector.broadcast %add3A_1493 : i32 to vector<16xi32>
      %add3A_1495 = arith.addi %get3A_1291, %add3A_1494 : vector<16xi32>
      %mul3A_1496 = arith.constant 16 : i32
      %mul3A_1497 = arith.muli %scan3A_1287, %mul3A_1496 : i32
      %swap3A_1498 = arith.constant 11 : i32
      %swap3A_1499 = arith.index_cast %swap3A_1498 : i32 to index
      %swap3A_1500 = arith.index_cast %mul3A_1497 : i32 to index
      %swap3A_1501 = tpu.vector_load %arg9[%swap3A_1499, %swap3A_1500] {strides = array<i32>} : memref<16x512xi32, #tpu.memory_space<vmem>>, vector<16xi32>,
      tpu.vector_store %arg9[%swap3A_1499, %swap3A_1500], %add3A_1495 {strides = array<i32>} : memref<16x512xi32, #tpu.memory_space<vmem>>, vector<16xi32>,
      %add3A_1502 = arith.constant 1100000 : i32
      %add3A_1503 = vector.broadcast %add3A_1502 : i32 to vector<16xi32>
      %add3A_1504 = arith.addi %get3A_1295, %add3A_1503 : vector<16xi32>
      %mul3A_1505 = arith.constant 16 : i32
      %mul3A_1506 = arith.muli %scan3A_1287, %mul3A_1505 : i32
      %swap3A_1507 = arith.constant 11 : i32
      %swap3A_1508 = arith.index_cast %swap3A_1507 : i32 to index
      %swap3A_1509 = arith.index_cast %mul3A_1506 : i32 to index
      %swap3A_1510 = tpu.vector_load %arg10[%swap3A_1508, %swap3A_1509] {strides = array<i32>} : memref<16x512xi32, #tpu.memory_space<vmem>>, vector<16xi32>,
      tpu.vector_store %arg10[%swap3A_1508, %swap3A_1509], %add3A_1504 {strides = array<i32>} : memref<16x512xi32, #tpu.memory_space<vmem>>, vector<16xi32>,
      %add3A_1511 = arith.constant 1200000 : i32
      %add3A_1512 = vector.broadcast %add3A_1511 : i32 to vector<16xi32>
      %add3A_1513 = arith.addi %get3A_1291, %add3A_1512 : vector<16xi32>
      %mul3A_1514 = arith.constant 16 : i32
      %mul3A_1515 = arith.muli %scan3A_1287, %mul3A_1514 : i32
      %swap3A_1516 = arith.constant 12 : i32
      %swap3A_1517 = arith.index_cast %swap3A_1516 : i32 to index
      %swap3A_1518 = arith.index_cast %mul3A_1515 : i32 to index
      %swap3A_1519 = tpu.vector_load %arg9[%swap3A_1517, %swap3A_1518] {strides = array<i32>} : memref<16x512xi32, #tpu.memory_space<vmem>>, vector<16xi32>,
      tpu.vector_store %arg9[%swap3A_1517, %swap3A_1518], %add3A_1513 {strides = array<i32>} : memref<16x512xi32, #tpu.memory_space<vmem>>, vector<16xi32>,
      %add3A_1520 = arith.constant 1200000 : i32
      %add3A_1521 = vector.broadcast %add3A_1520 : i32 to vector<16xi32>
      %add3A_1522 = arith.addi %get3A_1295, %add3A_1521 : vector<16xi32>
      %mul3A_1523 = arith.constant 16 : i32
      %mul3A_1524 = arith.muli %scan3A_1287, %mul3A_1523 : i32
      %swap3A_1525 = arith.constant 12 : i32
      %swap3A_1526 = arith.index_cast %swap3A_1525 : i32 to index
      %swap3A_1527 = arith.index_cast %mul3A_1524 : i32 to index
      %swap3A_1528 = tpu.vector_load %arg10[%swap3A_1526, %swap3A_1527] {strides = array<i32>} : memref<16x512xi32, #tpu.memory_space<vmem>>, vector<16xi32>,
      tpu.vector_store %arg10[%swap3A_1526, %swap3A_1527], %add3A_1522 {strides = array<i32>} : memref<16x512xi32, #tpu.memory_space<vmem>>, vector<16xi32>,
      %add3A_1529 = arith.constant 1300000 : i32
      %add3A_1530 = vector.broadcast %add3A_1529 : i32 to vector<16xi32>
      %add3A_1531 = arith.addi %get3A_1291, %add3A_1530 : vector<16xi32>
      %mul3A_1532 = arith.constant 16 : i32
      %mul3A_1533 = arith.muli %scan3A_1287, %mul3A_1532 : i32
      %swap3A_1534 = arith.constant 13 : i32
      %swap3A_1535 = arith.index_cast %swap3A_1534 : i32 to index
      %swap3A_1536 = arith.index_cast %mul3A_1533 : i32 to index
      %swap3A_1537 = tpu.vector_load %arg9[%swap3A_1535, %swap3A_1536] {strides = array<i32>} : memref<16x512xi32, #tpu.memory_space<vmem>>, vector<16xi32>,
      tpu.vector_store %arg9[%swap3A_1535, %swap3A_1536], %add3A_1531 {strides = array<i32>} : memref<16x512xi32, #tpu.memory_space<vmem>>, vector<16xi32>,
      %add3A_1538 = arith.constant 1300000 : i32
      %add3A_1539 = vector.broadcast %add3A_1538 : i32 to vector<16xi32>
      %add3A_1540 = arith.addi %get3A_1295, %add3A_1539 : vector<16xi32>
      %mul3A_1541 = arith.constant 16 : i32
      %mul3A_1542 = arith.muli %scan3A_1287, %mul3A_1541 : i32
      %swap3A_1543 = arith.constant 13 : i32
      %swap3A_1544 = arith.index_cast %swap3A_1543 : i32 to index
      %swap3A_1545 = arith.index_cast %mul3A_1542 : i32 to index
      %swap3A_1546 = tpu.vector_load %arg10[%swap3A_1544, %swap3A_1545] {strides = array<i32>} : memref<16x512xi32, #tpu.memory_space<vmem>>, vector<16xi32>,
      tpu.vector_store %arg10[%swap3A_1544, %swap3A_1545], %add3A_1540 {strides = array<i32>} : memref<16x512xi32, #tpu.memory_space<vmem>>, vector<16xi32>,
      %add3A_1547 = arith.constant 1400000 : i32
      %add3A_1548 = vector.broadcast %add3A_1547 : i32 to vector<16xi32>
      %add3A_1549 = arith.addi %get3A_1291, %add3A_1548 : vector<16xi32>
      %mul3A_1550 = arith.constant 16 : i32
      %mul3A_1551 = arith.muli %scan3A_1287, %mul3A_1550 : i32
      %swap3A_1552 = arith.constant 14 : i32
      %swap3A_1553 = arith.index_cast %swap3A_1552 : i32 to index
      %swap3A_1554 = arith.index_cast %mul3A_1551 : i32 to index
      %swap3A_1555 = tpu.vector_load %arg9[%swap3A_1553, %swap3A_1554] {strides = array<i32>} : memref<16x512xi32, #tpu.memory_space<vmem>>, vector<16xi32>,
      tpu.vector_store %arg9[%swap3A_1553, %swap3A_1554], %add3A_1549 {strides = array<i32>} : memref<16x512xi32, #tpu.memory_space<vmem>>, vector<16xi32>,
      %add3A_1556 = arith.constant 1400000 : i32
      %add3A_1557 = vector.broadcast %add3A_1556 : i32 to vector<16xi32>
      %add3A_1558 = arith.addi %get3A_1295, %add3A_1557 : vector<16xi32>
      %mul3A_1559 = arith.constant 16 : i32
      %mul3A_1560 = arith.muli %scan3A_1287, %mul3A_1559 : i32
      %swap3A_1561 = arith.constant 14 : i32
      %swap3A_1562 = arith.index_cast %swap3A_1561 : i32 to index
      %swap3A_1563 = arith.index_cast %mul3A_1560 : i32 to index
      %swap3A_1564 = tpu.vector_load %arg10[%swap3A_1562, %swap3A_1563] {strides = array<i32>} : memref<16x512xi32, #tpu.memory_space<vmem>>, vector<16xi32>,
      tpu.vector_store %arg10[%swap3A_1562, %swap3A_1563], %add3A_1558 {strides = array<i32>} : memref<16x512xi32, #tpu.memory_space<vmem>>, vector<16xi32>,
      %add3A_1565 = arith.constant 1500000 : i32
      %add3A_1566 = vector.broadcast %add3A_1565 : i32 to vector<16xi32>
      %add3A_1567 = arith.addi %get3A_1291, %add3A_1566 : vector<16xi32>
      %mul3A_1568 = arith.constant 16 : i32
      %mul3A_1569 = arith.muli %scan3A_1287, %mul3A_1568 : i32
      %swap3A_1570 = arith.constant 15 : i32
      %swap3A_1571 = arith.index_cast %swap3A_1570 : i32 to index
      %swap3A_1572 = arith.index_cast %mul3A_1569 : i32 to index
      %swap3A_1573 = tpu.vector_load %arg9[%swap3A_1571, %swap3A_1572] {strides = array<i32>} : memref<16x512xi32, #tpu.memory_space<vmem>>, vector<16xi32>,
      tpu.vector_store %arg9[%swap3A_1571, %swap3A_1572], %add3A_1567 {strides = array<i32>} : memref<16x512xi32, #tpu.memory_space<vmem>>, vector<16xi32>,
      %add3A_1574 = arith.constant 1500000 : i32
      %add3A_1575 = vector.broadcast %add3A_1574 : i32 to vector<16xi32>
      %add3A_1576 = arith.addi %get3A_1295, %add3A_1575 : vector<16xi32>
      %mul3A_1577 = arith.constant 16 : i32
      %mul3A_1578 = arith.muli %scan3A_1287, %mul3A_1577 : i32
      %swap3A_1579 = arith.constant 15 : i32
      %swap3A_1580 = arith.index_cast %swap3A_1579 : i32 to index
      %swap3A_1581 = arith.index_cast %mul3A_1578 : i32 to index
      %swap3A_1582 = tpu.vector_load %arg10[%swap3A_1580, %swap3A_1581] {strides = array<i32>} : memref<16x512xi32, #tpu.memory_space<vmem>>, vector<16xi32>,
      tpu.vector_store %arg10[%swap3A_1580, %swap3A_1581], %add3A_1576 {strides = array<i32>} : memref<16x512xi32, #tpu.memory_space<vmem>>, vector<16xi32>,
      %scan3A_1583 = arith.constant 0 : i32
      %scan3A_1584 = arith.constant 1 : i32
      %scan3A_1585 = arith.addi %scan3A_1287, %scan3A_1584 : i32
      %mul3A_1586 = arith.constant 16 : i32
      %mul3A_1587 = arith.muli %scan3A_1585, %mul3A_1586 : i32
      %get3A_1588 = arith.index_cast %mul3A_1587 : i32 to index
      %get3A_1589 = tpu.vector_load %arg7[%get3A_1588] {strides = array<i32>} : memref<512xi32, #tpu.memory_space<vmem>>, vector<16xi32>,
      %mul3A_1590 = arith.constant 16 : i32
      %mul3A_1591 = arith.muli %scan3A_1585, %mul3A_1590 : i32
      %get3A_1592 = arith.index_cast %mul3A_1591 : i32 to index
      %get3A_1593 = tpu.vector_load %arg8[%get3A_1592] {strides = array<i32>} : memref<512xi32, #tpu.memory_space<vmem>>, vector<16xi32>,
      %add3A_1594 = arith.constant 0 : i32
      %add3A_1595 = vector.broadcast %add3A_1594 : i32 to vector<16xi32>
      %add3A_1596 = arith.addi %get3A_1589, %add3A_1595 : vector<16xi32>
      %mul3A_1597 = arith.constant 16 : i32
      %mul3A_1598 = arith.muli %scan3A_1585, %mul3A_1597 : i32
      %swap3A_1599 = arith.constant 0 : i32
      %swap3A_1600 = arith.index_cast %swap3A_1599 : i32 to index
      %swap3A_1601 = arith.index_cast %mul3A_1598 : i32 to index
      %swap3A_1602 = tpu.vector_load %arg9[%swap3A_1600, %swap3A_1601] {strides = array<i32>} : memref<16x512xi32, #tpu.memory_space<vmem>>, vector<16xi32>,
      tpu.vector_store %arg9[%swap3A_1600, %swap3A_1601], %add3A_1596 {strides = array<i32>} : memref<16x512xi32, #tpu.memory_space<vmem>>, vector<16xi32>,
      %add3A_1603 = arith.constant 0 : i32
      %add3A_1604 = vector.broadcast %add3A_1603 : i32 to vector<16xi32>
      %add3A_1605 = arith.addi %get3A_1593, %add3A_1604 : vector<16xi32>
      %mul3A_1606 = arith.constant 16 : i32
      %mul3A_1607 = arith.muli %scan3A_1585, %mul3A_1606 : i32
      %swap3A_1608 = arith.constant 0 : i32
      %swap3A_1609 = arith.index_cast %swap3A_1608 : i32 to index
      %swap3A_1610 = arith.index_cast %mul3A_1607 : i32 to index
      %swap3A_1611 = tpu.vector_load %arg10[%swap3A_1609, %swap3A_1610] {strides = array<i32>} : memref<16x512xi32, #tpu.memory_space<vmem>>, vector<16xi32>,
      tpu.vector_store %arg10[%swap3A_1609, %swap3A_1610], %add3A_1605 {strides = array<i32>} : memref<16x512xi32, #tpu.memory_space<vmem>>, vector<16xi32>,
      %add3A_1612 = arith.constant 100000 : i32
      %add3A_1613 = vector.broadcast %add3A_1612 : i32 to vector<16xi32>
      %add3A_1614 = arith.addi %get3A_1589, %add3A_1613 : vector<16xi32>
      %mul3A_1615 = arith.constant 16 : i32
      %mul3A_1616 = arith.muli %scan3A_1585, %mul3A_1615 : i32
      %swap3A_1617 = arith.constant 1 : i32
      %swap3A_1618 = arith.index_cast %swap3A_1617 : i32 to index
      %swap3A_1619 = arith.index_cast %mul3A_1616 : i32 to index
      %swap3A_1620 = tpu.vector_load %arg9[%swap3A_1618, %swap3A_1619] {strides = array<i32>} : memref<16x512xi32, #tpu.memory_space<vmem>>, vector<16xi32>,
      tpu.vector_store %arg9[%swap3A_1618, %swap3A_1619], %add3A_1614 {strides = array<i32>} : memref<16x512xi32, #tpu.memory_space<vmem>>, vector<16xi32>,
      %add3A_1621 = arith.constant 100000 : i32
      %add3A_1622 = vector.broadcast %add3A_1621 : i32 to vector<16xi32>
      %add3A_1623 = arith.addi %get3A_1593, %add3A_1622 : vector<16xi32>
      %mul3A_1624 = arith.constant 16 : i32
      %mul3A_1625 = arith.muli %scan3A_1585, %mul3A_1624 : i32
      %swap3A_1626 = arith.constant 1 : i32
      %swap3A_1627 = arith.index_cast %swap3A_1626 : i32 to index
      %swap3A_1628 = arith.index_cast %mul3A_1625 : i32 to index
      %swap3A_1629 = tpu.vector_load %arg10[%swap3A_1627, %swap3A_1628] {strides = array<i32>} : memref<16x512xi32, #tpu.memory_space<vmem>>, vector<16xi32>,
      tpu.vector_store %arg10[%swap3A_1627, %swap3A_1628], %add3A_1623 {strides = array<i32>} : memref<16x512xi32, #tpu.memory_space<vmem>>, vector<16xi32>,
      %add3A_1630 = arith.constant 200000 : i32
      %add3A_1631 = vector.broadcast %add3A_1630 : i32 to vector<16xi32>
      %add3A_1632 = arith.addi %get3A_1589, %add3A_1631 : vector<16xi32>
      %mul3A_1633 = arith.constant 16 : i32
      %mul3A_1634 = arith.muli %scan3A_1585, %mul3A_1633 : i32
      %swap3A_1635 = arith.constant 2 : i32
      %swap3A_1636 = arith.index_cast %swap3A_1635 : i32 to index
      %swap3A_1637 = arith.index_cast %mul3A_1634 : i32 to index
      %swap3A_1638 = tpu.vector_load %arg9[%swap3A_1636, %swap3A_1637] {strides = array<i32>} : memref<16x512xi32, #tpu.memory_space<vmem>>, vector<16xi32>,
      tpu.vector_store %arg9[%swap3A_1636, %swap3A_1637], %add3A_1632 {strides = array<i32>} : memref<16x512xi32, #tpu.memory_space<vmem>>, vector<16xi32>,
      %add3A_1639 = arith.constant 200000 : i32
      %add3A_1640 = vector.broadcast %add3A_1639 : i32 to vector<16xi32>
      %add3A_1641 = arith.addi %get3A_1593, %add3A_1640 : vector<16xi32>
      %mul3A_1642 = arith.constant 16 : i32
      %mul3A_1643 = arith.muli %scan3A_1585, %mul3A_1642 : i32
      %swap3A_1644 = arith.constant 2 : i32
      %swap3A_1645 = arith.index_cast %swap3A_1644 : i32 to index
      %swap3A_1646 = arith.index_cast %mul3A_1643 : i32 to index
      %swap3A_1647 = tpu.vector_load %arg10[%swap3A_1645, %swap3A_1646] {strides = array<i32>} : memref<16x512xi32, #tpu.memory_space<vmem>>, vector<16xi32>,
      tpu.vector_store %arg10[%swap3A_1645, %swap3A_1646], %add3A_1641 {strides = array<i32>} : memref<16x512xi32, #tpu.memory_space<vmem>>, vector<16xi32>,
      %add3A_1648 = arith.constant 300000 : i32
      %add3A_1649 = vector.broadcast %add3A_1648 : i32 to vector<16xi32>
      %add3A_1650 = arith.addi %get3A_1589, %add3A_1649 : vector<16xi32>
      %mul3A_1651 = arith.constant 16 : i32
      %mul3A_1652 = arith.muli %scan3A_1585, %mul3A_1651 : i32
      %swap3A_1653 = arith.constant 3 : i32
      %swap3A_1654 = arith.index_cast %swap3A_1653 : i32 to index
      %swap3A_1655 = arith.index_cast %mul3A_1652 : i32 to index
      %swap3A_1656 = tpu.vector_load %arg9[%swap3A_1654, %swap3A_1655] {strides = array<i32>} : memref<16x512xi32, #tpu.memory_space<vmem>>, vector<16xi32>,
      tpu.vector_store %arg9[%swap3A_1654, %swap3A_1655], %add3A_1650 {strides = array<i32>} : memref<16x512xi32, #tpu.memory_space<vmem>>, vector<16xi32>,
      %add3A_1657 = arith.constant 300000 : i32
      %add3A_1658 = vector.broadcast %add3A_1657 : i32 to vector<16xi32>
      %add3A_1659 = arith.addi %get3A_1593, %add3A_1658 : vector<16xi32>
      %mul3A_1660 = arith.constant 16 : i32
      %mul3A_1661 = arith.muli %scan3A_1585, %mul3A_1660 : i32
      %swap3A_1662 = arith.constant 3 : i32
      %swap3A_1663 = arith.index_cast %swap3A_1662 : i32 to index
      %swap3A_1664 = arith.index_cast %mul3A_1661 : i32 to index
      %swap3A_1665 = tpu.vector_load %arg10[%swap3A_1663, %swap3A_1664] {strides = array<i32>} : memref<16x512xi32, #tpu.memory_space<vmem>>, vector<16xi32>,
      tpu.vector_store %arg10[%swap3A_1663, %swap3A_1664], %add3A_1659 {strides = array<i32>} : memref<16x512xi32, #tpu.memory_space<vmem>>, vector<16xi32>,
      %add3A_1666 = arith.constant 400000 : i32
      %add3A_1667 = vector.broadcast %add3A_1666 : i32 to vector<16xi32>
      %add3A_1668 = arith.addi %get3A_1589, %add3A_1667 : vector<16xi32>
      %mul3A_1669 = arith.constant 16 : i32
      %mul3A_1670 = arith.muli %scan3A_1585, %mul3A_1669 : i32
      %swap3A_1671 = arith.constant 4 : i32
      %swap3A_1672 = arith.index_cast %swap3A_1671 : i32 to index
      %swap3A_1673 = arith.index_cast %mul3A_1670 : i32 to index
      %swap3A_1674 = tpu.vector_load %arg9[%swap3A_1672, %swap3A_1673] {strides = array<i32>} : memref<16x512xi32, #tpu.memory_space<vmem>>, vector<16xi32>,
      tpu.vector_store %arg9[%swap3A_1672, %swap3A_1673], %add3A_1668 {strides = array<i32>} : memref<16x512xi32, #tpu.memory_space<vmem>>, vector<16xi32>,
      %add3A_1675 = arith.constant 400000 : i32
      %add3A_1676 = vector.broadcast %add3A_1675 : i32 to vector<16xi32>
      %add3A_1677 = arith.addi %get3A_1593, %add3A_1676 : vector<16xi32>
      %mul3A_1678 = arith.constant 16 : i32
      %mul3A_1679 = arith.muli %scan3A_1585, %mul3A_1678 : i32
      %swap3A_1680 = arith.constant 4 : i32
      %swap3A_1681 = arith.index_cast %swap3A_1680 : i32 to index
      %swap3A_1682 = arith.index_cast %mul3A_1679 : i32 to index
      %swap3A_1683 = tpu.vector_load %arg10[%swap3A_1681, %swap3A_1682] {strides = array<i32>} : memref<16x512xi32, #tpu.memory_space<vmem>>, vector<16xi32>,
      tpu.vector_store %arg10[%swap3A_1681, %swap3A_1682], %add3A_1677 {strides = array<i32>} : memref<16x512xi32, #tpu.memory_space<vmem>>, vector<16xi32>,
      %add3A_1684 = arith.constant 500000 : i32
      %add3A_1685 = vector.broadcast %add3A_1684 : i32 to vector<16xi32>
      %add3A_1686 = arith.addi %get3A_1589, %add3A_1685 : vector<16xi32>
      %mul3A_1687 = arith.constant 16 : i32
      %mul3A_1688 = arith.muli %scan3A_1585, %mul3A_1687 : i32
      %swap3A_1689 = arith.constant 5 : i32
      %swap3A_1690 = arith.index_cast %swap3A_1689 : i32 to index
      %swap3A_1691 = arith.index_cast %mul3A_1688 : i32 to index
      %swap3A_1692 = tpu.vector_load %arg9[%swap3A_1690, %swap3A_1691] {strides = array<i32>} : memref<16x512xi32, #tpu.memory_space<vmem>>, vector<16xi32>,
      tpu.vector_store %arg9[%swap3A_1690, %swap3A_1691], %add3A_1686 {strides = array<i32>} : memref<16x512xi32, #tpu.memory_space<vmem>>, vector<16xi32>,
      %add3A_1693 = arith.constant 500000 : i32
      %add3A_1694 = vector.broadcast %add3A_1693 : i32 to vector<16xi32>
      %add3A_1695 = arith.addi %get3A_1593, %add3A_1694 : vector<16xi32>
      %mul3A_1696 = arith.constant 16 : i32
      %mul3A_1697 = arith.muli %scan3A_1585, %mul3A_1696 : i32
      %swap3A_1698 = arith.constant 5 : i32
      %swap3A_1699 = arith.index_cast %swap3A_1698 : i32 to index
      %swap3A_1700 = arith.index_cast %mul3A_1697 : i32 to index
      %swap3A_1701 = tpu.vector_load %arg10[%swap3A_1699, %swap3A_1700] {strides = array<i32>} : memref<16x512xi32, #tpu.memory_space<vmem>>, vector<16xi32>,
      tpu.vector_store %arg10[%swap3A_1699, %swap3A_1700], %add3A_1695 {strides = array<i32>} : memref<16x512xi32, #tpu.memory_space<vmem>>, vector<16xi32>,
      %add3A_1702 = arith.constant 600000 : i32
      %add3A_1703 = vector.broadcast %add3A_1702 : i32 to vector<16xi32>
      %add3A_1704 = arith.addi %get3A_1589, %add3A_1703 : vector<16xi32>
      %mul3A_1705 = arith.constant 16 : i32
      %mul3A_1706 = arith.muli %scan3A_1585, %mul3A_1705 : i32
      %swap3A_1707 = arith.constant 6 : i32
      %swap3A_1708 = arith.index_cast %swap3A_1707 : i32 to index
      %swap3A_1709 = arith.index_cast %mul3A_1706 : i32 to index
      %swap3A_1710 = tpu.vector_load %arg9[%swap3A_1708, %swap3A_1709] {strides = array<i32>} : memref<16x512xi32, #tpu.memory_space<vmem>>, vector<16xi32>,
      tpu.vector_store %arg9[%swap3A_1708, %swap3A_1709], %add3A_1704 {strides = array<i32>} : memref<16x512xi32, #tpu.memory_space<vmem>>, vector<16xi32>,
      %add3A_1711 = arith.constant 600000 : i32
      %add3A_1712 = vector.broadcast %add3A_1711 : i32 to vector<16xi32>
      %add3A_1713 = arith.addi %get3A_1593, %add3A_1712 : vector<16xi32>
      %mul3A_1714 = arith.constant 16 : i32
      %mul3A_1715 = arith.muli %scan3A_1585, %mul3A_1714 : i32
      %swap3A_1716 = arith.constant 6 : i32
      %swap3A_1717 = arith.index_cast %swap3A_1716 : i32 to index
      %swap3A_1718 = arith.index_cast %mul3A_1715 : i32 to index
      %swap3A_1719 = tpu.vector_load %arg10[%swap3A_1717, %swap3A_1718] {strides = array<i32>} : memref<16x512xi32, #tpu.memory_space<vmem>>, vector<16xi32>,
      tpu.vector_store %arg10[%swap3A_1717, %swap3A_1718], %add3A_1713 {strides = array<i32>} : memref<16x512xi32, #tpu.memory_space<vmem>>, vector<16xi32>,
      %add3A_1720 = arith.constant 700000 : i32
      %add3A_1721 = vector.broadcast %add3A_1720 : i32 to vector<16xi32>
      %add3A_1722 = arith.addi %get3A_1589, %add3A_1721 : vector<16xi32>
      %mul3A_1723 = arith.constant 16 : i32
      %mul3A_1724 = arith.muli %scan3A_1585, %mul3A_1723 : i32
      %swap3A_1725 = arith.constant 7 : i32
      %swap3A_1726 = arith.index_cast %swap3A_1725 : i32 to index
      %swap3A_1727 = arith.index_cast %mul3A_1724 : i32 to index
      %swap3A_1728 = tpu.vector_load %arg9[%swap3A_1726, %swap3A_1727] {strides = array<i32>} : memref<16x512xi32, #tpu.memory_space<vmem>>, vector<16xi32>,
      tpu.vector_store %arg9[%swap3A_1726, %swap3A_1727], %add3A_1722 {strides = array<i32>} : memref<16x512xi32, #tpu.memory_space<vmem>>, vector<16xi32>,
      %add3A_1729 = arith.constant 700000 : i32
      %add3A_1730 = vector.broadcast %add3A_1729 : i32 to vector<16xi32>
      %add3A_1731 = arith.addi %get3A_1593, %add3A_1730 : vector<16xi32>
      %mul3A_1732 = arith.constant 16 : i32
      %mul3A_1733 = arith.muli %scan3A_1585, %mul3A_1732 : i32
      %swap3A_1734 = arith.constant 7 : i32
      %swap3A_1735 = arith.index_cast %swap3A_1734 : i32 to index
      %swap3A_1736 = arith.index_cast %mul3A_1733 : i32 to index
      %swap3A_1737 = tpu.vector_load %arg10[%swap3A_1735, %swap3A_1736] {strides = array<i32>} : memref<16x512xi32, #tpu.memory_space<vmem>>, vector<16xi32>,
      tpu.vector_store %arg10[%swap3A_1735, %swap3A_1736], %add3A_1731 {strides = array<i32>} : memref<16x512xi32, #tpu.memory_space<vmem>>, vector<16xi32>,
      %add3A_1738 = arith.constant 800000 : i32
      %add3A_1739 = vector.broadcast %add3A_1738 : i32 to vector<16xi32>
      %add3A_1740 = arith.addi %get3A_1589, %add3A_1739 : vector<16xi32>
      %mul3A_1741 = arith.constant 16 : i32
      %mul3A_1742 = arith.muli %scan3A_1585, %mul3A_1741 : i32
      %swap3A_1743 = arith.constant 8 : i32
      %swap3A_1744 = arith.index_cast %swap3A_1743 : i32 to index
      %swap3A_1745 = arith.index_cast %mul3A_1742 : i32 to index
      %swap3A_1746 = tpu.vector_load %arg9[%swap3A_1744, %swap3A_1745] {strides = array<i32>} : memref<16x512xi32, #tpu.memory_space<vmem>>, vector<16xi32>,
      tpu.vector_store %arg9[%swap3A_1744, %swap3A_1745], %add3A_1740 {strides = array<i32>} : memref<16x512xi32, #tpu.memory_space<vmem>>, vector<16xi32>,
      %add3A_1747 = arith.constant 800000 : i32
      %add3A_1748 = vector.broadcast %add3A_1747 : i32 to vector<16xi32>
      %add3A_1749 = arith.addi %get3A_1593, %add3A_1748 : vector<16xi32>
      %mul3A_1750 = arith.constant 16 : i32
      %mul3A_1751 = arith.muli %scan3A_1585, %mul3A_1750 : i32
      %swap3A_1752 = arith.constant 8 : i32
      %swap3A_1753 = arith.index_cast %swap3A_1752 : i32 to index
      %swap3A_1754 = arith.index_cast %mul3A_1751 : i32 to index
      %swap3A_1755 = tpu.vector_load %arg10[%swap3A_1753, %swap3A_1754] {strides = array<i32>} : memref<16x512xi32, #tpu.memory_space<vmem>>, vector<16xi32>,
      tpu.vector_store %arg10[%swap3A_1753, %swap3A_1754], %add3A_1749 {strides = array<i32>} : memref<16x512xi32, #tpu.memory_space<vmem>>, vector<16xi32>,
      %add3A_1756 = arith.constant 900000 : i32
      %add3A_1757 = vector.broadcast %add3A_1756 : i32 to vector<16xi32>
      %add3A_1758 = arith.addi %get3A_1589, %add3A_1757 : vector<16xi32>
      %mul3A_1759 = arith.constant 16 : i32
      %mul3A_1760 = arith.muli %scan3A_1585, %mul3A_1759 : i32
      %swap3A_1761 = arith.constant 9 : i32
      %swap3A_1762 = arith.index_cast %swap3A_1761 : i32 to index
      %swap3A_1763 = arith.index_cast %mul3A_1760 : i32 to index
      %swap3A_1764 = tpu.vector_load %arg9[%swap3A_1762, %swap3A_1763] {strides = array<i32>} : memref<16x512xi32, #tpu.memory_space<vmem>>, vector<16xi32>,
      tpu.vector_store %arg9[%swap3A_1762, %swap3A_1763], %add3A_1758 {strides = array<i32>} : memref<16x512xi32, #tpu.memory_space<vmem>>, vector<16xi32>,
      %add3A_1765 = arith.constant 900000 : i32
      %add3A_1766 = vector.broadcast %add3A_1765 : i32 to vector<16xi32>
      %add3A_1767 = arith.addi %get3A_1593, %add3A_1766 : vector<16xi32>
      %mul3A_1768 = arith.constant 16 : i32
      %mul3A_1769 = arith.muli %scan3A_1585, %mul3A_1768 : i32
      %swap3A_1770 = arith.constant 9 : i32
      %swap3A_1771 = arith.index_cast %swap3A_1770 : i32 to index
      %swap3A_1772 = arith.index_cast %mul3A_1769 : i32 to index
      %swap3A_1773 = tpu.vector_load %arg10[%swap3A_1771, %swap3A_1772] {strides = array<i32>} : memref<16x512xi32, #tpu.memory_space<vmem>>, vector<16xi32>,
      tpu.vector_store %arg10[%swap3A_1771, %swap3A_1772], %add3A_1767 {strides = array<i32>} : memref<16x512xi32, #tpu.memory_space<vmem>>, vector<16xi32>,
      %add3A_1774 = arith.constant 1000000 : i32
      %add3A_1775 = vector.broadcast %add3A_1774 : i32 to vector<16xi32>
      %add3A_1776 = arith.addi %get3A_1589, %add3A_1775 : vector<16xi32>
      %mul3A_1777 = arith.constant 16 : i32
      %mul3A_1778 = arith.muli %scan3A_1585, %mul3A_1777 : i32
      %swap3A_1779 = arith.constant 10 : i32
      %swap3A_1780 = arith.index_cast %swap3A_1779 : i32 to index
      %swap3A_1781 = arith.index_cast %mul3A_1778 : i32 to index
      %swap3A_1782 = tpu.vector_load %arg9[%swap3A_1780, %swap3A_1781] {strides = array<i32>} : memref<16x512xi32, #tpu.memory_space<vmem>>, vector<16xi32>,
      tpu.vector_store %arg9[%swap3A_1780, %swap3A_1781], %add3A_1776 {strides = array<i32>} : memref<16x512xi32, #tpu.memory_space<vmem>>, vector<16xi32>,
      %add3A_1783 = arith.constant 1000000 : i32
      %add3A_1784 = vector.broadcast %add3A_1783 : i32 to vector<16xi32>
      %add3A_1785 = arith.addi %get3A_1593, %add3A_1784 : vector<16xi32>
      %mul3A_1786 = arith.constant 16 : i32
      %mul3A_1787 = arith.muli %scan3A_1585, %mul3A_1786 : i32
      %swap3A_1788 = arith.constant 10 : i32
      %swap3A_1789 = arith.index_cast %swap3A_1788 : i32 to index
      %swap3A_1790 = arith.index_cast %mul3A_1787 : i32 to index
      %swap3A_1791 = tpu.vector_load %arg10[%swap3A_1789, %swap3A_1790] {strides = array<i32>} : memref<16x512xi32, #tpu.memory_space<vmem>>, vector<16xi32>,
      tpu.vector_store %arg10[%swap3A_1789, %swap3A_1790], %add3A_1785 {strides = array<i32>} : memref<16x512xi32, #tpu.memory_space<vmem>>, vector<16xi32>,
      %add3A_1792 = arith.constant 1100000 : i32
      %add3A_1793 = vector.broadcast %add3A_1792 : i32 to vector<16xi32>
      %add3A_1794 = arith.addi %get3A_1589, %add3A_1793 : vector<16xi32>
      %mul3A_1795 = arith.constant 16 : i32
      %mul3A_1796 = arith.muli %scan3A_1585, %mul3A_1795 : i32
      %swap3A_1797 = arith.constant 11 : i32
      %swap3A_1798 = arith.index_cast %swap3A_1797 : i32 to index
      %swap3A_1799 = arith.index_cast %mul3A_1796 : i32 to index
      %swap3A_1800 = tpu.vector_load %arg9[%swap3A_1798, %swap3A_1799] {strides = array<i32>} : memref<16x512xi32, #tpu.memory_space<vmem>>, vector<16xi32>,
      tpu.vector_store %arg9[%swap3A_1798, %swap3A_1799], %add3A_1794 {strides = array<i32>} : memref<16x512xi32, #tpu.memory_space<vmem>>, vector<16xi32>,
      %add3A_1801 = arith.constant 1100000 : i32
      %add3A_1802 = vector.broadcast %add3A_1801 : i32 to vector<16xi32>
      %add3A_1803 = arith.addi %get3A_1593, %add3A_1802 : vector<16xi32>
      %mul3A_1804 = arith.constant 16 : i32
      %mul3A_1805 = arith.muli %scan3A_1585, %mul3A_1804 : i32
      %swap3A_1806 = arith.constant 11 : i32
      %swap3A_1807 = arith.index_cast %swap3A_1806 : i32 to index
      %swap3A_1808 = arith.index_cast %mul3A_1805 : i32 to index
      %swap3A_1809 = tpu.vector_load %arg10[%swap3A_1807, %swap3A_1808] {strides = array<i32>} : memref<16x512xi32, #tpu.memory_space<vmem>>, vector<16xi32>,
      tpu.vector_store %arg10[%swap3A_1807, %swap3A_1808], %add3A_1803 {strides = array<i32>} : memref<16x512xi32, #tpu.memory_space<vmem>>, vector<16xi32>,
      %add3A_1810 = arith.constant 1200000 : i32
      %add3A_1811 = vector.broadcast %add3A_1810 : i32 to vector<16xi32>
      %add3A_1812 = arith.addi %get3A_1589, %add3A_1811 : vector<16xi32>
      %mul3A_1813 = arith.constant 16 : i32
      %mul3A_1814 = arith.muli %scan3A_1585, %mul3A_1813 : i32
      %swap3A_1815 = arith.constant 12 : i32
      %swap3A_1816 = arith.index_cast %swap3A_1815 : i32 to index
      %swap3A_1817 = arith.index_cast %mul3A_1814 : i32 to index
      %swap3A_1818 = tpu.vector_load %arg9[%swap3A_1816, %swap3A_1817] {strides = array<i32>} : memref<16x512xi32, #tpu.memory_space<vmem>>, vector<16xi32>,
      tpu.vector_store %arg9[%swap3A_1816, %swap3A_1817], %add3A_1812 {strides = array<i32>} : memref<16x512xi32, #tpu.memory_space<vmem>>, vector<16xi32>,
      %add3A_1819 = arith.constant 1200000 : i32
      %add3A_1820 = vector.broadcast %add3A_1819 : i32 to vector<16xi32>
      %add3A_1821 = arith.addi %get3A_1593, %add3A_1820 : vector<16xi32>
      %mul3A_1822 = arith.constant 16 : i32
      %mul3A_1823 = arith.muli %scan3A_1585, %mul3A_1822 : i32
      %swap3A_1824 = arith.constant 12 : i32
      %swap3A_1825 = arith.index_cast %swap3A_1824 : i32 to index
      %swap3A_1826 = arith.index_cast %mul3A_1823 : i32 to index
      %swap3A_1827 = tpu.vector_load %arg10[%swap3A_1825, %swap3A_1826] {strides = array<i32>} : memref<16x512xi32, #tpu.memory_space<vmem>>, vector<16xi32>,
      tpu.vector_store %arg10[%swap3A_1825, %swap3A_1826], %add3A_1821 {strides = array<i32>} : memref<16x512xi32, #tpu.memory_space<vmem>>, vector<16xi32>,
      %add3A_1828 = arith.constant 1300000 : i32
      %add3A_1829 = vector.broadcast %add3A_1828 : i32 to vector<16xi32>
      %add3A_1830 = arith.addi %get3A_1589, %add3A_1829 : vector<16xi32>
      %mul3A_1831 = arith.constant 16 : i32
      %mul3A_1832 = arith.muli %scan3A_1585, %mul3A_1831 : i32
      %swap3A_1833 = arith.constant 13 : i32
      %swap3A_1834 = arith.index_cast %swap3A_1833 : i32 to index
      %swap3A_1835 = arith.index_cast %mul3A_1832 : i32 to index
      %swap3A_1836 = tpu.vector_load %arg9[%swap3A_1834, %swap3A_1835] {strides = array<i32>} : memref<16x512xi32, #tpu.memory_space<vmem>>, vector<16xi32>,
      tpu.vector_store %arg9[%swap3A_1834, %swap3A_1835], %add3A_1830 {strides = array<i32>} : memref<16x512xi32, #tpu.memory_space<vmem>>, vector<16xi32>,
      %add3A_1837 = arith.constant 1300000 : i32
      %add3A_1838 = vector.broadcast %add3A_1837 : i32 to vector<16xi32>
      %add3A_1839 = arith.addi %get3A_1593, %add3A_1838 : vector<16xi32>
      %mul3A_1840 = arith.constant 16 : i32
      %mul3A_1841 = arith.muli %scan3A_1585, %mul3A_1840 : i32
      %swap3A_1842 = arith.constant 13 : i32
      %swap3A_1843 = arith.index_cast %swap3A_1842 : i32 to index
      %swap3A_1844 = arith.index_cast %mul3A_1841 : i32 to index
      %swap3A_1845 = tpu.vector_load %arg10[%swap3A_1843, %swap3A_1844] {strides = array<i32>} : memref<16x512xi32, #tpu.memory_space<vmem>>, vector<16xi32>,
      tpu.vector_store %arg10[%swap3A_1843, %swap3A_1844], %add3A_1839 {strides = array<i32>} : memref<16x512xi32, #tpu.memory_space<vmem>>, vector<16xi32>,
      %add3A_1846 = arith.constant 1400000 : i32
      %add3A_1847 = vector.broadcast %add3A_1846 : i32 to vector<16xi32>
      %add3A_1848 = arith.addi %get3A_1589, %add3A_1847 : vector<16xi32>
      %mul3A_1849 = arith.constant 16 : i32
      %mul3A_1850 = arith.muli %scan3A_1585, %mul3A_1849 : i32
      %swap3A_1851 = arith.constant 14 : i32
      %swap3A_1852 = arith.index_cast %swap3A_1851 : i32 to index
      %swap3A_1853 = arith.index_cast %mul3A_1850 : i32 to index
      %swap3A_1854 = tpu.vector_load %arg9[%swap3A_1852, %swap3A_1853] {strides = array<i32>} : memref<16x512xi32, #tpu.memory_space<vmem>>, vector<16xi32>,
      tpu.vector_store %arg9[%swap3A_1852, %swap3A_1853], %add3A_1848 {strides = array<i32>} : memref<16x512xi32, #tpu.memory_space<vmem>>, vector<16xi32>,
      %add3A_1855 = arith.constant 1400000 : i32
      %add3A_1856 = vector.broadcast %add3A_1855 : i32 to vector<16xi32>
      %add3A_1857 = arith.addi %get3A_1593, %add3A_1856 : vector<16xi32>
      %mul3A_1858 = arith.constant 16 : i32
      %mul3A_1859 = arith.muli %scan3A_1585, %mul3A_1858 : i32
      %swap3A_1860 = arith.constant 14 : i32
      %swap3A_1861 = arith.index_cast %swap3A_1860 : i32 to index
      %swap3A_1862 = arith.index_cast %mul3A_1859 : i32 to index
      %swap3A_1863 = tpu.vector_load %arg10[%swap3A_1861, %swap3A_1862] {strides = array<i32>} : memref<16x512xi32, #tpu.memory_space<vmem>>, vector<16xi32>,
      tpu.vector_store %arg10[%swap3A_1861, %swap3A_1862], %add3A_1857 {strides = array<i32>} : memref<16x512xi32, #tpu.memory_space<vmem>>, vector<16xi32>,
      %add3A_1864 = arith.constant 1500000 : i32
      %add3A_1865 = vector.broadcast %add3A_1864 : i32 to vector<16xi32>
      %add3A_1866 = arith.addi %get3A_1589, %add3A_1865 : vector<16xi32>
      %mul3A_1867 = arith.constant 16 : i32
      %mul3A_1868 = arith.muli %scan3A_1585, %mul3A_1867 : i32
      %swap3A_1869 = arith.constant 15 : i32
      %swap3A_1870 = arith.index_cast %swap3A_1869 : i32 to index
      %swap3A_1871 = arith.index_cast %mul3A_1868 : i32 to index
      %swap3A_1872 = tpu.vector_load %arg9[%swap3A_1870, %swap3A_1871] {strides = array<i32>} : memref<16x512xi32, #tpu.memory_space<vmem>>, vector<16xi32>,
      tpu.vector_store %arg9[%swap3A_1870, %swap3A_1871], %add3A_1866 {strides = array<i32>} : memref<16x512xi32, #tpu.memory_space<vmem>>, vector<16xi32>,
      %add3A_1873 = arith.constant 1500000 : i32
      %add3A_1874 = vector.broadcast %add3A_1873 : i32 to vector<16xi32>
      %add3A_1875 = arith.addi %get3A_1593, %add3A_1874 : vector<16xi32>
      %mul3A_1876 = arith.constant 16 : i32
      %mul3A_1877 = arith.muli %scan3A_1585, %mul3A_1876 : i32
      %swap3A_1878 = arith.constant 15 : i32
      %swap3A_1879 = arith.index_cast %swap3A_1878 : i32 to index
      %swap3A_1880 = arith.index_cast %mul3A_1877 : i32 to index
      %swap3A_1881 = tpu.vector_load %arg10[%swap3A_1879, %swap3A_1880] {strides = array<i32>} : memref<16x512xi32, #tpu.memory_space<vmem>>, vector<16xi32>,
      tpu.vector_store %arg10[%swap3A_1879, %swap3A_1880], %add3A_1875 {strides = array<i32>} : memref<16x512xi32, #tpu.memory_space<vmem>>, vector<16xi32>,
      %scan3A_1882 = arith.constant 0 : i32
      scf.yield %scan3A_1882 : i32
    }
    %scan3A_8 = arith.constant 32 : i32
    %dma_start3A = arith.constant 0 : i32
    %dma_start3A_9 = arith.constant 0 : i32
    %dma_start3A_10 = arith.constant 0 : i32
    %dma_start3A_11 = tpu.memref_slice %arg11[%dma_start3A_9, %dma_start3A_10] : memref<16x512xf32, #tpu.memory_space<vmem>> -> memref<1x256xf32, #tpu.memory_space<vmem>>
    %dma_start3A_12 = tpu.memref_squeeze %dma_start3A_11 : memref<1x256xf32, #tpu.memory_space<vmem>> -> memref<256xf32, #tpu.memory_space<vmem>>
    %dma_start3A_13 = arith.constant 0 : i32
    %dma_start3A_14 = tpu.memref_slice %arg9[%dma_start3A, %dma_start3A_13] : memref<16x512xi32, #tpu.memory_space<vmem>> -> memref<1x256xi32, #tpu.memory_space<vmem>>
    %dma_start3A_15 = tpu.memref_squeeze %dma_start3A_14 : memref<1x256xi32, #tpu.memory_space<vmem>> -> memref<256xi32, #tpu.memory_space<vmem>>
    %dma_start3A_16 = arith.constant 0 : i32
    %dma_start3A_17 = tpu.memref_slice %arg4[%dma_start3A_16] : memref<1600000xf32, #tpu.memory_space<hbm>> -> memref<1600000xf32, #tpu.memory_space<hbm>>
    tpu.enqueue_indirect_dma source(%dma_start3A_17 : memref<1600000xf32, #tpu.memory_space<hbm>>) target(%dma_start3A_12 : memref<256xf32, #tpu.memory_space<vmem>>) offsets(%dma_start3A_15 : memref<256xi32, #tpu.memory_space<vmem>>) semaphore(%arg13 : memref<!tpu.dma_semaphore, #tpu.memory_space<semaphore_mem>>)
    %dma_start3A_18 = arith.constant 0 : i32
    %dma_start3A_19 = arith.constant 0 : i32
    %dma_start3A_20 = arith.constant 0 : i32
    %dma_start3A_21 = tpu.memref_slice %arg12[%dma_start3A_19, %dma_start3A_20] : memref<16x512xf32, #tpu.memory_space<vmem>> -> memref<1x256xf32, #tpu.memory_space<vmem>>
    %dma_start3A_22 = tpu.memref_squeeze %dma_start3A_21 : memref<1x256xf32, #tpu.memory_space<vmem>> -> memref<256xf32, #tpu.memory_space<vmem>>
    %dma_start3A_23 = arith.constant 0 : i32
    %dma_start3A_24 = tpu.memref_slice %arg10[%dma_start3A_18, %dma_start3A_23] : memref<16x512xi32, #tpu.memory_space<vmem>> -> memref<1x256xi32, #tpu.memory_space<vmem>>
    %dma_start3A_25 = tpu.memref_squeeze %dma_start3A_24 : memref<1x256xi32, #tpu.memory_space<vmem>> -> memref<256xi32, #tpu.memory_space<vmem>>
    %dma_start3A_26 = arith.constant 0 : i32
    %dma_start3A_27 = tpu.memref_slice %arg4[%dma_start3A_26] : memref<1600000xf32, #tpu.memory_space<hbm>> -> memref<1600000xf32, #tpu.memory_space<hbm>>
    tpu.enqueue_indirect_dma source(%dma_start3A_27 : memref<1600000xf32, #tpu.memory_space<hbm>>) target(%dma_start3A_22 : memref<256xf32, #tpu.memory_space<vmem>>) offsets(%dma_start3A_25 : memref<256xi32, #tpu.memory_space<vmem>>) semaphore(%arg14 : memref<!tpu.dma_semaphore, #tpu.memory_space<semaphore_mem>>)
    %dma_start3A_28 = arith.constant 0 : i32
    %dma_start3A_29 = arith.constant 0 : i32
    %dma_start3A_30 = arith.constant 256 : i32
    %dma_start3A_31 = tpu.memref_slice %arg11[%dma_start3A_29, %dma_start3A_30] : memref<16x512xf32, #tpu.memory_space<vmem>> -> memref<1x256xf32, #tpu.memory_space<vmem>>
    %dma_start3A_32 = tpu.memref_squeeze %dma_start3A_31 : memref<1x256xf32, #tpu.memory_space<vmem>> -> memref<256xf32, #tpu.memory_space<vmem>>
    %dma_start3A_33 = arith.constant 256 : i32
    %dma_start3A_34 = tpu.memref_slice %arg9[%dma_start3A_28, %dma_start3A_33] : memref<16x512xi32, #tpu.memory_space<vmem>> -> memref<1x256xi32, #tpu.memory_space<vmem>>
    %dma_start3A_35 = tpu.memref_squeeze %dma_start3A_34 : memref<1x256xi32, #tpu.memory_space<vmem>> -> memref<256xi32, #tpu.memory_space<vmem>>
    %dma_start3A_36 = arith.constant 0 : i32
    %dma_start3A_37 = tpu.memref_slice %arg4[%dma_start3A_36] : memref<1600000xf32, #tpu.memory_space<hbm>> -> memref<1600000xf32, #tpu.memory_space<hbm>>
    tpu.enqueue_indirect_dma source(%dma_start3A_37 : memref<1600000xf32, #tpu.memory_space<hbm>>) target(%dma_start3A_32 : memref<256xf32, #tpu.memory_space<vmem>>) offsets(%dma_start3A_35 : memref<256xi32, #tpu.memory_space<vmem>>) semaphore(%arg13 : memref<!tpu.dma_semaphore, #tpu.memory_space<semaphore_mem>>)
    %dma_start3A_38 = arith.constant 0 : i32
    %dma_start3A_39 = arith.constant 0 : i32
    %dma_start3A_40 = arith.constant 256 : i32
    %dma_start3A_41 = tpu.memref_slice %arg12[%dma_start3A_39, %dma_start3A_40] : memref<16x512xf32, #tpu.memory_space<vmem>> -> memref<1x256xf32, #tpu.memory_space<vmem>>
    %dma_start3A_42 = tpu.memref_squeeze %dma_start3A_41 : memref<1x256xf32, #tpu.memory_space<vmem>> -> memref<256xf32, #tpu.memory_space<vmem>>
    %dma_start3A_43 = arith.constant 256 : i32
    %dma_start3A_44 = tpu.memref_slice %arg10[%dma_start3A_38, %dma_start3A_43] : memref<16x512xi32, #tpu.memory_space<vmem>> -> memref<1x256xi32, #tpu.memory_space<vmem>>
    %dma_start3A_45 = tpu.memref_squeeze %dma_start3A_44 : memref<1x256xi32, #tpu.memory_space<vmem>> -> memref<256xi32, #tpu.memory_space<vmem>>
    %dma_start3A_46 = arith.constant 0 : i32
    %dma_start3A_47 = tpu.memref_slice %arg4[%dma_start3A_46] : memref<1600000xf32, #tpu.memory_space<hbm>> -> memref<1600000xf32, #tpu.memory_space<hbm>>
    tpu.enqueue_indirect_dma source(%dma_start3A_47 : memref<1600000xf32, #tpu.memory_space<hbm>>) target(%dma_start3A_42 : memref<256xf32, #tpu.memory_space<vmem>>) offsets(%dma_start3A_45 : memref<256xi32, #tpu.memory_space<vmem>>) semaphore(%arg14 : memref<!tpu.dma_semaphore, #tpu.memory_space<semaphore_mem>>)
    %dma_start3A_48 = arith.constant 1 : i32
    %dma_start3A_49 = arith.constant 1 : i32
    %dma_start3A_50 = arith.constant 0 : i32
    %dma_start3A_51 = tpu.memref_slice %arg11[%dma_start3A_49, %dma_start3A_50] : memref<16x512xf32, #tpu.memory_space<vmem>> -> memref<1x256xf32, #tpu.memory_space<vmem>>
    %dma_start3A_52 = tpu.memref_squeeze %dma_start3A_51 : memref<1x256xf32, #tpu.memory_space<vmem>> -> memref<256xf32, #tpu.memory_space<vmem>>
    %dma_start3A_53 = arith.constant 0 : i32
    %dma_start3A_54 = tpu.memref_slice %arg9[%dma_start3A_48, %dma_start3A_53] : memref<16x512xi32, #tpu.memory_space<vmem>> -> memref<1x256xi32, #tpu.memory_space<vmem>>
    %dma_start3A_55 = tpu.memref_squeeze %dma_start3A_54 : memref<1x256xi32, #tpu.memory_space<vmem>> -> memref<256xi32, #tpu.memory_space<vmem>>
    %dma_start3A_56 = arith.constant 0 : i32
    %dma_start3A_57 = tpu.memref_slice %arg4[%dma_start3A_56] : memref<1600000xf32, #tpu.memory_space<hbm>> -> memref<1600000xf32, #tpu.memory_space<hbm>>
    tpu.enqueue_indirect_dma source(%dma_start3A_57 : memref<1600000xf32, #tpu.memory_space<hbm>>) target(%dma_start3A_52 : memref<256xf32, #tpu.memory_space<vmem>>) offsets(%dma_start3A_55 : memref<256xi32, #tpu.memory_space<vmem>>) semaphore(%arg13 : memref<!tpu.dma_semaphore, #tpu.memory_space<semaphore_mem>>)
    %dma_start3A_58 = arith.constant 1 : i32
    %dma_start3A_59 = arith.constant 1 : i32
    %dma_start3A_60 = arith.constant 0 : i32
    %dma_start3A_61 = tpu.memref_slice %arg12[%dma_start3A_59, %dma_start3A_60] : memref<16x512xf32, #tpu.memory_space<vmem>> -> memref<1x256xf32, #tpu.memory_space<vmem>>
    %dma_start3A_62 = tpu.memref_squeeze %dma_start3A_61 : memref<1x256xf32, #tpu.memory_space<vmem>> -> memref<256xf32, #tpu.memory_space<vmem>>
    %dma_start3A_63 = arith.constant 0 : i32
    %dma_start3A_64 = tpu.memref_slice %arg10[%dma_start3A_58, %dma_start3A_63] : memref<16x512xi32, #tpu.memory_space<vmem>> -> memref<1x256xi32, #tpu.memory_space<vmem>>
    %dma_start3A_65 = tpu.memref_squeeze %dma_start3A_64 : memref<1x256xi32, #tpu.memory_space<vmem>> -> memref<256xi32, #tpu.memory_space<vmem>>
    %dma_start3A_66 = arith.constant 0 : i32
    %dma_start3A_67 = tpu.memref_slice %arg4[%dma_start3A_66] : memref<1600000xf32, #tpu.memory_space<hbm>> -> memref<1600000xf32, #tpu.memory_space<hbm>>
    tpu.enqueue_indirect_dma source(%dma_start3A_67 : memref<1600000xf32, #tpu.memory_space<hbm>>) target(%dma_start3A_62 : memref<256xf32, #tpu.memory_space<vmem>>) offsets(%dma_start3A_65 : memref<256xi32, #tpu.memory_space<vmem>>) semaphore(%arg14 : memref<!tpu.dma_semaphore, #tpu.memory_space<semaphore_mem>>)
    %dma_start3A_68 = arith.constant 1 : i32
    %dma_start3A_69 = arith.constant 1 : i32
    %dma_start3A_70 = arith.constant 256 : i32
    %dma_start3A_71 = tpu.memref_slice %arg11[%dma_start3A_69, %dma_start3A_70] : memref<16x512xf32, #tpu.memory_space<vmem>> -> memref<1x256xf32, #tpu.memory_space<vmem>>
    %dma_start3A_72 = tpu.memref_squeeze %dma_start3A_71 : memref<1x256xf32, #tpu.memory_space<vmem>> -> memref<256xf32, #tpu.memory_space<vmem>>
    %dma_start3A_73 = arith.constant 256 : i32
    %dma_start3A_74 = tpu.memref_slice %arg9[%dma_start3A_68, %dma_start3A_73] : memref<16x512xi32, #tpu.memory_space<vmem>> -> memref<1x256xi32, #tpu.memory_space<vmem>>
    %dma_start3A_75 = tpu.memref_squeeze %dma_start3A_74 : memref<1x256xi32, #tpu.memory_space<vmem>> -> memref<256xi32, #tpu.memory_space<vmem>>
    %dma_start3A_76 = arith.constant 0 : i32
    %dma_start3A_77 = tpu.memref_slice %arg4[%dma_start3A_76] : memref<1600000xf32, #tpu.memory_space<hbm>> -> memref<1600000xf32, #tpu.memory_space<hbm>>
    tpu.enqueue_indirect_dma source(%dma_start3A_77 : memref<1600000xf32, #tpu.memory_space<hbm>>) target(%dma_start3A_72 : memref<256xf32, #tpu.memory_space<vmem>>) offsets(%dma_start3A_75 : memref<256xi32, #tpu.memory_space<vmem>>) semaphore(%arg13 : memref<!tpu.dma_semaphore, #tpu.memory_space<semaphore_mem>>)
    %dma_start3A_78 = arith.constant 1 : i32
    %dma_start3A_79 = arith.constant 1 : i32
    %dma_start3A_80 = arith.constant 256 : i32
    %dma_start3A_81 = tpu.memref_slice %arg12[%dma_start3A_79, %dma_start3A_80] : memref<16x512xf32, #tpu.memory_space<vmem>> -> memref<1x256xf32, #tpu.memory_space<vmem>>
    %dma_start3A_82 = tpu.memref_squeeze %dma_start3A_81 : memref<1x256xf32, #tpu.memory_space<vmem>> -> memref<256xf32, #tpu.memory_space<vmem>>
    %dma_start3A_83 = arith.constant 256 : i32
    %dma_start3A_84 = tpu.memref_slice %arg10[%dma_start3A_78, %dma_start3A_83] : memref<16x512xi32, #tpu.memory_space<vmem>> -> memref<1x256xi32, #tpu.memory_space<vmem>>
    %dma_start3A_85 = tpu.memref_squeeze %dma_start3A_84 : memref<1x256xi32, #tpu.memory_space<vmem>> -> memref<256xi32, #tpu.memory_space<vmem>>
    %dma_start3A_86 = arith.constant 0 : i32
    %dma_start3A_87 = tpu.memref_slice %arg4[%dma_start3A_86] : memref<1600000xf32, #tpu.memory_space<hbm>> -> memref<1600000xf32, #tpu.memory_space<hbm>>
    tpu.enqueue_indirect_dma source(%dma_start3A_87 : memref<1600000xf32, #tpu.memory_space<hbm>>) target(%dma_start3A_82 : memref<256xf32, #tpu.memory_space<vmem>>) offsets(%dma_start3A_85 : memref<256xi32, #tpu.memory_space<vmem>>) semaphore(%arg14 : memref<!tpu.dma_semaphore, #tpu.memory_space<semaphore_mem>>)
    %dma_start3A_88 = arith.constant 2 : i32
    %dma_start3A_89 = arith.constant 2 : i32
    %dma_start3A_90 = arith.constant 0 : i32
    %dma_start3A_91 = tpu.memref_slice %arg11[%dma_start3A_89, %dma_start3A_90] : memref<16x512xf32, #tpu.memory_space<vmem>> -> memref<1x256xf32, #tpu.memory_space<vmem>>
    %dma_start3A_92 = tpu.memref_squeeze %dma_start3A_91 : memref<1x256xf32, #tpu.memory_space<vmem>> -> memref<256xf32, #tpu.memory_space<vmem>>
    %dma_start3A_93 = arith.constant 0 : i32
    %dma_start3A_94 = tpu.memref_slice %arg9[%dma_start3A_88, %dma_start3A_93] : memref<16x512xi32, #tpu.memory_space<vmem>> -> memref<1x256xi32, #tpu.memory_space<vmem>>
    %dma_start3A_95 = tpu.memref_squeeze %dma_start3A_94 : memref<1x256xi32, #tpu.memory_space<vmem>> -> memref<256xi32, #tpu.memory_space<vmem>>
    %dma_start3A_96 = arith.constant 0 : i32
    %dma_start3A_97 = tpu.memref_slice %arg4[%dma_start3A_96] : memref<1600000xf32, #tpu.memory_space<hbm>> -> memref<1600000xf32, #tpu.memory_space<hbm>>
    tpu.enqueue_indirect_dma source(%dma_start3A_97 : memref<1600000xf32, #tpu.memory_space<hbm>>) target(%dma_start3A_92 : memref<256xf32, #tpu.memory_space<vmem>>) offsets(%dma_start3A_95 : memref<256xi32, #tpu.memory_space<vmem>>) semaphore(%arg13 : memref<!tpu.dma_semaphore, #tpu.memory_space<semaphore_mem>>)
    %dma_start3A_98 = arith.constant 2 : i32
    %dma_start3A_99 = arith.constant 2 : i32
    %dma_start3A_100 = arith.constant 0 : i32
    %dma_start3A_101 = tpu.memref_slice %arg12[%dma_start3A_99, %dma_start3A_100] : memref<16x512xf32, #tpu.memory_space<vmem>> -> memref<1x256xf32, #tpu.memory_space<vmem>>
    %dma_start3A_102 = tpu.memref_squeeze %dma_start3A_101 : memref<1x256xf32, #tpu.memory_space<vmem>> -> memref<256xf32, #tpu.memory_space<vmem>>
    %dma_start3A_103 = arith.constant 0 : i32
    %dma_start3A_104 = tpu.memref_slice %arg10[%dma_start3A_98, %dma_start3A_103] : memref<16x512xi32, #tpu.memory_space<vmem>> -> memref<1x256xi32, #tpu.memory_space<vmem>>
    %dma_start3A_105 = tpu.memref_squeeze %dma_start3A_104 : memref<1x256xi32, #tpu.memory_space<vmem>> -> memref<256xi32, #tpu.memory_space<vmem>>
    %dma_start3A_106 = arith.constant 0 : i32
    %dma_start3A_107 = tpu.memref_slice %arg4[%dma_start3A_106] : memref<1600000xf32, #tpu.memory_space<hbm>> -> memref<1600000xf32, #tpu.memory_space<hbm>>
    tpu.enqueue_indirect_dma source(%dma_start3A_107 : memref<1600000xf32, #tpu.memory_space<hbm>>) target(%dma_start3A_102 : memref<256xf32, #tpu.memory_space<vmem>>) offsets(%dma_start3A_105 : memref<256xi32, #tpu.memory_space<vmem>>) semaphore(%arg14 : memref<!tpu.dma_semaphore, #tpu.memory_space<semaphore_mem>>)
    %dma_start3A_108 = arith.constant 2 : i32
    %dma_start3A_109 = arith.constant 2 : i32
    %dma_start3A_110 = arith.constant 256 : i32
    %dma_start3A_111 = tpu.memref_slice %arg11[%dma_start3A_109, %dma_start3A_110] : memref<16x512xf32, #tpu.memory_space<vmem>> -> memref<1x256xf32, #tpu.memory_space<vmem>>
    %dma_start3A_112 = tpu.memref_squeeze %dma_start3A_111 : memref<1x256xf32, #tpu.memory_space<vmem>> -> memref<256xf32, #tpu.memory_space<vmem>>
    %dma_start3A_113 = arith.constant 256 : i32
    %dma_start3A_114 = tpu.memref_slice %arg9[%dma_start3A_108, %dma_start3A_113] : memref<16x512xi32, #tpu.memory_space<vmem>> -> memref<1x256xi32, #tpu.memory_space<vmem>>
    %dma_start3A_115 = tpu.memref_squeeze %dma_start3A_114 : memref<1x256xi32, #tpu.memory_space<vmem>> -> memref<256xi32, #tpu.memory_space<vmem>>
    %dma_start3A_116 = arith.constant 0 : i32
    %dma_start3A_117 = tpu.memref_slice %arg4[%dma_start3A_116] : memref<1600000xf32, #tpu.memory_space<hbm>> -> memref<1600000xf32, #tpu.memory_space<hbm>>
    tpu.enqueue_indirect_dma source(%dma_start3A_117 : memref<1600000xf32, #tpu.memory_space<hbm>>) target(%dma_start3A_112 : memref<256xf32, #tpu.memory_space<vmem>>) offsets(%dma_start3A_115 : memref<256xi32, #tpu.memory_space<vmem>>) semaphore(%arg13 : memref<!tpu.dma_semaphore, #tpu.memory_space<semaphore_mem>>)
    %dma_start3A_118 = arith.constant 2 : i32
    %dma_start3A_119 = arith.constant 2 : i32
    %dma_start3A_120 = arith.constant 256 : i32
    %dma_start3A_121 = tpu.memref_slice %arg12[%dma_start3A_119, %dma_start3A_120] : memref<16x512xf32, #tpu.memory_space<vmem>> -> memref<1x256xf32, #tpu.memory_space<vmem>>
    %dma_start3A_122 = tpu.memref_squeeze %dma_start3A_121 : memref<1x256xf32, #tpu.memory_space<vmem>> -> memref<256xf32, #tpu.memory_space<vmem>>
    %dma_start3A_123 = arith.constant 256 : i32
    %dma_start3A_124 = tpu.memref_slice %arg10[%dma_start3A_118, %dma_start3A_123] : memref<16x512xi32, #tpu.memory_space<vmem>> -> memref<1x256xi32, #tpu.memory_space<vmem>>
    %dma_start3A_125 = tpu.memref_squeeze %dma_start3A_124 : memref<1x256xi32, #tpu.memory_space<vmem>> -> memref<256xi32, #tpu.memory_space<vmem>>
    %dma_start3A_126 = arith.constant 0 : i32
    %dma_start3A_127 = tpu.memref_slice %arg4[%dma_start3A_126] : memref<1600000xf32, #tpu.memory_space<hbm>> -> memref<1600000xf32, #tpu.memory_space<hbm>>
    tpu.enqueue_indirect_dma source(%dma_start3A_127 : memref<1600000xf32, #tpu.memory_space<hbm>>) target(%dma_start3A_122 : memref<256xf32, #tpu.memory_space<vmem>>) offsets(%dma_start3A_125 : memref<256xi32, #tpu.memory_space<vmem>>) semaphore(%arg14 : memref<!tpu.dma_semaphore, #tpu.memory_space<semaphore_mem>>)
    %dma_start3A_128 = arith.constant 3 : i32
    %dma_start3A_129 = arith.constant 3 : i32
    %dma_start3A_130 = arith.constant 0 : i32
    %dma_start3A_131 = tpu.memref_slice %arg11[%dma_start3A_129, %dma_start3A_130] : memref<16x512xf32, #tpu.memory_space<vmem>> -> memref<1x256xf32, #tpu.memory_space<vmem>>
    %dma_start3A_132 = tpu.memref_squeeze %dma_start3A_131 : memref<1x256xf32, #tpu.memory_space<vmem>> -> memref<256xf32, #tpu.memory_space<vmem>>
    %dma_start3A_133 = arith.constant 0 : i32
    %dma_start3A_134 = tpu.memref_slice %arg9[%dma_start3A_128, %dma_start3A_133] : memref<16x512xi32, #tpu.memory_space<vmem>> -> memref<1x256xi32, #tpu.memory_space<vmem>>
    %dma_start3A_135 = tpu.memref_squeeze %dma_start3A_134 : memref<1x256xi32, #tpu.memory_space<vmem>> -> memref<256xi32, #tpu.memory_space<vmem>>
    %dma_start3A_136 = arith.constant 0 : i32
    %dma_start3A_137 = tpu.memref_slice %arg4[%dma_start3A_136] : memref<1600000xf32, #tpu.memory_space<hbm>> -> memref<1600000xf32, #tpu.memory_space<hbm>>
    tpu.enqueue_indirect_dma source(%dma_start3A_137 : memref<1600000xf32, #tpu.memory_space<hbm>>) target(%dma_start3A_132 : memref<256xf32, #tpu.memory_space<vmem>>) offsets(%dma_start3A_135 : memref<256xi32, #tpu.memory_space<vmem>>) semaphore(%arg13 : memref<!tpu.dma_semaphore, #tpu.memory_space<semaphore_mem>>)
    %dma_start3A_138 = arith.constant 3 : i32
    %dma_start3A_139 = arith.constant 3 : i32
    %dma_start3A_140 = arith.constant 0 : i32
    %dma_start3A_141 = tpu.memref_slice %arg12[%dma_start3A_139, %dma_start3A_140] : memref<16x512xf32, #tpu.memory_space<vmem>> -> memref<1x256xf32, #tpu.memory_space<vmem>>
    %dma_start3A_142 = tpu.memref_squeeze %dma_start3A_141 : memref<1x256xf32, #tpu.memory_space<vmem>> -> memref<256xf32, #tpu.memory_space<vmem>>
    %dma_start3A_143 = arith.constant 0 : i32
    %dma_start3A_144 = tpu.memref_slice %arg10[%dma_start3A_138, %dma_start3A_143] : memref<16x512xi32, #tpu.memory_space<vmem>> -> memref<1x256xi32, #tpu.memory_space<vmem>>
    %dma_start3A_145 = tpu.memref_squeeze %dma_start3A_144 : memref<1x256xi32, #tpu.memory_space<vmem>> -> memref<256xi32, #tpu.memory_space<vmem>>
    %dma_start3A_146 = arith.constant 0 : i32
    %dma_start3A_147 = tpu.memref_slice %arg4[%dma_start3A_146] : memref<1600000xf32, #tpu.memory_space<hbm>> -> memref<1600000xf32, #tpu.memory_space<hbm>>
    tpu.enqueue_indirect_dma source(%dma_start3A_147 : memref<1600000xf32, #tpu.memory_space<hbm>>) target(%dma_start3A_142 : memref<256xf32, #tpu.memory_space<vmem>>) offsets(%dma_start3A_145 : memref<256xi32, #tpu.memory_space<vmem>>) semaphore(%arg14 : memref<!tpu.dma_semaphore, #tpu.memory_space<semaphore_mem>>)
    %dma_start3A_148 = arith.constant 3 : i32
    %dma_start3A_149 = arith.constant 3 : i32
    %dma_start3A_150 = arith.constant 256 : i32
    %dma_start3A_151 = tpu.memref_slice %arg11[%dma_start3A_149, %dma_start3A_150] : memref<16x512xf32, #tpu.memory_space<vmem>> -> memref<1x256xf32, #tpu.memory_space<vmem>>
    %dma_start3A_152 = tpu.memref_squeeze %dma_start3A_151 : memref<1x256xf32, #tpu.memory_space<vmem>> -> memref<256xf32, #tpu.memory_space<vmem>>
    %dma_start3A_153 = arith.constant 256 : i32
    %dma_start3A_154 = tpu.memref_slice %arg9[%dma_start3A_148, %dma_start3A_153] : memref<16x512xi32, #tpu.memory_space<vmem>> -> memref<1x256xi32, #tpu.memory_space<vmem>>
    %dma_start3A_155 = tpu.memref_squeeze %dma_start3A_154 : memref<1x256xi32, #tpu.memory_space<vmem>> -> memref<256xi32, #tpu.memory_space<vmem>>
    %dma_start3A_156 = arith.constant 0 : i32
    %dma_start3A_157 = tpu.memref_slice %arg4[%dma_start3A_156] : memref<1600000xf32, #tpu.memory_space<hbm>> -> memref<1600000xf32, #tpu.memory_space<hbm>>
    tpu.enqueue_indirect_dma source(%dma_start3A_157 : memref<1600000xf32, #tpu.memory_space<hbm>>) target(%dma_start3A_152 : memref<256xf32, #tpu.memory_space<vmem>>) offsets(%dma_start3A_155 : memref<256xi32, #tpu.memory_space<vmem>>) semaphore(%arg13 : memref<!tpu.dma_semaphore, #tpu.memory_space<semaphore_mem>>)
    %dma_start3A_158 = arith.constant 3 : i32
    %dma_start3A_159 = arith.constant 3 : i32
    %dma_start3A_160 = arith.constant 256 : i32
    %dma_start3A_161 = tpu.memref_slice %arg12[%dma_start3A_159, %dma_start3A_160] : memref<16x512xf32, #tpu.memory_space<vmem>> -> memref<1x256xf32, #tpu.memory_space<vmem>>
    %dma_start3A_162 = tpu.memref_squeeze %dma_start3A_161 : memref<1x256xf32, #tpu.memory_space<vmem>> -> memref<256xf32, #tpu.memory_space<vmem>>
    %dma_start3A_163 = arith.constant 256 : i32
    %dma_start3A_164 = tpu.memref_slice %arg10[%dma_start3A_158, %dma_start3A_163] : memref<16x512xi32, #tpu.memory_space<vmem>> -> memref<1x256xi32, #tpu.memory_space<vmem>>
    %dma_start3A_165 = tpu.memref_squeeze %dma_start3A_164 : memref<1x256xi32, #tpu.memory_space<vmem>> -> memref<256xi32, #tpu.memory_space<vmem>>
    %dma_start3A_166 = arith.constant 0 : i32
    %dma_start3A_167 = tpu.memref_slice %arg4[%dma_start3A_166] : memref<1600000xf32, #tpu.memory_space<hbm>> -> memref<1600000xf32, #tpu.memory_space<hbm>>
    tpu.enqueue_indirect_dma source(%dma_start3A_167 : memref<1600000xf32, #tpu.memory_space<hbm>>) target(%dma_start3A_162 : memref<256xf32, #tpu.memory_space<vmem>>) offsets(%dma_start3A_165 : memref<256xi32, #tpu.memory_space<vmem>>) semaphore(%arg14 : memref<!tpu.dma_semaphore, #tpu.memory_space<semaphore_mem>>)
    %dma_start3A_168 = arith.constant 4 : i32
    %dma_start3A_169 = arith.constant 4 : i32
    %dma_start3A_170 = arith.constant 0 : i32
    %dma_start3A_171 = tpu.memref_slice %arg11[%dma_start3A_169, %dma_start3A_170] : memref<16x512xf32, #tpu.memory_space<vmem>> -> memref<1x256xf32, #tpu.memory_space<vmem>>
    %dma_start3A_172 = tpu.memref_squeeze %dma_start3A_171 : memref<1x256xf32, #tpu.memory_space<vmem>> -> memref<256xf32, #tpu.memory_space<vmem>>
    %dma_start3A_173 = arith.constant 0 : i32
    %dma_start3A_174 = tpu.memref_slice %arg9[%dma_start3A_168, %dma_start3A_173] : memref<16x512xi32, #tpu.memory_space<vmem>> -> memref<1x256xi32, #tpu.memory_space<vmem>>
    %dma_start3A_175 = tpu.memref_squeeze %dma_start3A_174 : memref<1x256xi32, #tpu.memory_space<vmem>> -> memref<256xi32, #tpu.memory_space<vmem>>
    %dma_start3A_176 = arith.constant 0 : i32
    %dma_start3A_177 = tpu.memref_slice %arg4[%dma_start3A_176] : memref<1600000xf32, #tpu.memory_space<hbm>> -> memref<1600000xf32, #tpu.memory_space<hbm>>
    tpu.enqueue_indirect_dma source(%dma_start3A_177 : memref<1600000xf32, #tpu.memory_space<hbm>>) target(%dma_start3A_172 : memref<256xf32, #tpu.memory_space<vmem>>) offsets(%dma_start3A_175 : memref<256xi32, #tpu.memory_space<vmem>>) semaphore(%arg13 : memref<!tpu.dma_semaphore, #tpu.memory_space<semaphore_mem>>)
    %dma_start3A_178 = arith.constant 4 : i32
    %dma_start3A_179 = arith.constant 4 : i32
    %dma_start3A_180 = arith.constant 0 : i32
    %dma_start3A_181 = tpu.memref_slice %arg12[%dma_start3A_179, %dma_start3A_180] : memref<16x512xf32, #tpu.memory_space<vmem>> -> memref<1x256xf32, #tpu.memory_space<vmem>>
    %dma_start3A_182 = tpu.memref_squeeze %dma_start3A_181 : memref<1x256xf32, #tpu.memory_space<vmem>> -> memref<256xf32, #tpu.memory_space<vmem>>
    %dma_start3A_183 = arith.constant 0 : i32
    %dma_start3A_184 = tpu.memref_slice %arg10[%dma_start3A_178, %dma_start3A_183] : memref<16x512xi32, #tpu.memory_space<vmem>> -> memref<1x256xi32, #tpu.memory_space<vmem>>
    %dma_start3A_185 = tpu.memref_squeeze %dma_start3A_184 : memref<1x256xi32, #tpu.memory_space<vmem>> -> memref<256xi32, #tpu.memory_space<vmem>>
    %dma_start3A_186 = arith.constant 0 : i32
    %dma_start3A_187 = tpu.memref_slice %arg4[%dma_start3A_186] : memref<1600000xf32, #tpu.memory_space<hbm>> -> memref<1600000xf32, #tpu.memory_space<hbm>>
    tpu.enqueue_indirect_dma source(%dma_start3A_187 : memref<1600000xf32, #tpu.memory_space<hbm>>) target(%dma_start3A_182 : memref<256xf32, #tpu.memory_space<vmem>>) offsets(%dma_start3A_185 : memref<256xi32, #tpu.memory_space<vmem>>) semaphore(%arg14 : memref<!tpu.dma_semaphore, #tpu.memory_space<semaphore_mem>>)
    %dma_start3A_188 = arith.constant 4 : i32
    %dma_start3A_189 = arith.constant 4 : i32
    %dma_start3A_190 = arith.constant 256 : i32
    %dma_start3A_191 = tpu.memref_slice %arg11[%dma_start3A_189, %dma_start3A_190] : memref<16x512xf32, #tpu.memory_space<vmem>> -> memref<1x256xf32, #tpu.memory_space<vmem>>
    %dma_start3A_192 = tpu.memref_squeeze %dma_start3A_191 : memref<1x256xf32, #tpu.memory_space<vmem>> -> memref<256xf32, #tpu.memory_space<vmem>>
    %dma_start3A_193 = arith.constant 256 : i32
    %dma_start3A_194 = tpu.memref_slice %arg9[%dma_start3A_188, %dma_start3A_193] : memref<16x512xi32, #tpu.memory_space<vmem>> -> memref<1x256xi32, #tpu.memory_space<vmem>>
    %dma_start3A_195 = tpu.memref_squeeze %dma_start3A_194 : memref<1x256xi32, #tpu.memory_space<vmem>> -> memref<256xi32, #tpu.memory_space<vmem>>
    %dma_start3A_196 = arith.constant 0 : i32
    %dma_start3A_197 = tpu.memref_slice %arg4[%dma_start3A_196] : memref<1600000xf32, #tpu.memory_space<hbm>> -> memref<1600000xf32, #tpu.memory_space<hbm>>
    tpu.enqueue_indirect_dma source(%dma_start3A_197 : memref<1600000xf32, #tpu.memory_space<hbm>>) target(%dma_start3A_192 : memref<256xf32, #tpu.memory_space<vmem>>) offsets(%dma_start3A_195 : memref<256xi32, #tpu.memory_space<vmem>>) semaphore(%arg13 : memref<!tpu.dma_semaphore, #tpu.memory_space<semaphore_mem>>)
    %dma_start3A_198 = arith.constant 4 : i32
    %dma_start3A_199 = arith.constant 4 : i32
    %dma_start3A_200 = arith.constant 256 : i32
    %dma_start3A_201 = tpu.memref_slice %arg12[%dma_start3A_199, %dma_start3A_200] : memref<16x512xf32, #tpu.memory_space<vmem>> -> memref<1x256xf32, #tpu.memory_space<vmem>>
    %dma_start3A_202 = tpu.memref_squeeze %dma_start3A_201 : memref<1x256xf32, #tpu.memory_space<vmem>> -> memref<256xf32, #tpu.memory_space<vmem>>
    %dma_start3A_203 = arith.constant 256 : i32
    %dma_start3A_204 = tpu.memref_slice %arg10[%dma_start3A_198, %dma_start3A_203] : memref<16x512xi32, #tpu.memory_space<vmem>> -> memref<1x256xi32, #tpu.memory_space<vmem>>
    %dma_start3A_205 = tpu.memref_squeeze %dma_start3A_204 : memref<1x256xi32, #tpu.memory_space<vmem>> -> memref<256xi32, #tpu.memory_space<vmem>>
    %dma_start3A_206 = arith.constant 0 : i32
    %dma_start3A_207 = tpu.memref_slice %arg4[%dma_start3A_206] : memref<1600000xf32, #tpu.memory_space<hbm>> -> memref<1600000xf32, #tpu.memory_space<hbm>>
    tpu.enqueue_indirect_dma source(%dma_start3A_207 : memref<1600000xf32, #tpu.memory_space<hbm>>) target(%dma_start3A_202 : memref<256xf32, #tpu.memory_space<vmem>>) offsets(%dma_start3A_205 : memref<256xi32, #tpu.memory_space<vmem>>) semaphore(%arg14 : memref<!tpu.dma_semaphore, #tpu.memory_space<semaphore_mem>>)
    %dma_start3A_208 = arith.constant 5 : i32
    %dma_start3A_209 = arith.constant 5 : i32
    %dma_start3A_210 = arith.constant 0 : i32
    %dma_start3A_211 = tpu.memref_slice %arg11[%dma_start3A_209, %dma_start3A_210] : memref<16x512xf32, #tpu.memory_space<vmem>> -> memref<1x256xf32, #tpu.memory_space<vmem>>
    %dma_start3A_212 = tpu.memref_squeeze %dma_start3A_211 : memref<1x256xf32, #tpu.memory_space<vmem>> -> memref<256xf32, #tpu.memory_space<vmem>>
    %dma_start3A_213 = arith.constant 0 : i32
    %dma_start3A_214 = tpu.memref_slice %arg9[%dma_start3A_208, %dma_start3A_213] : memref<16x512xi32, #tpu.memory_space<vmem>> -> memref<1x256xi32, #tpu.memory_space<vmem>>
    %dma_start3A_215 = tpu.memref_squeeze %dma_start3A_214 : memref<1x256xi32, #tpu.memory_space<vmem>> -> memref<256xi32, #tpu.memory_space<vmem>>
    %dma_start3A_216 = arith.constant 0 : i32
    %dma_start3A_217 = tpu.memref_slice %arg4[%dma_start3A_216] : memref<1600000xf32, #tpu.memory_space<hbm>> -> memref<1600000xf32, #tpu.memory_space<hbm>>
    tpu.enqueue_indirect_dma source(%dma_start3A_217 : memref<1600000xf32, #tpu.memory_space<hbm>>) target(%dma_start3A_212 : memref<256xf32, #tpu.memory_space<vmem>>) offsets(%dma_start3A_215 : memref<256xi32, #tpu.memory_space<vmem>>) semaphore(%arg13 : memref<!tpu.dma_semaphore, #tpu.memory_space<semaphore_mem>>)
    %dma_start3A_218 = arith.constant 5 : i32
    %dma_start3A_219 = arith.constant 5 : i32
    %dma_start3A_220 = arith.constant 0 : i32
    %dma_start3A_221 = tpu.memref_slice %arg12[%dma_start3A_219, %dma_start3A_220] : memref<16x512xf32, #tpu.memory_space<vmem>> -> memref<1x256xf32, #tpu.memory_space<vmem>>
    %dma_start3A_222 = tpu.memref_squeeze %dma_start3A_221 : memref<1x256xf32, #tpu.memory_space<vmem>> -> memref<256xf32, #tpu.memory_space<vmem>>
    %dma_start3A_223 = arith.constant 0 : i32
    %dma_start3A_224 = tpu.memref_slice %arg10[%dma_start3A_218, %dma_start3A_223] : memref<16x512xi32, #tpu.memory_space<vmem>> -> memref<1x256xi32, #tpu.memory_space<vmem>>
    %dma_start3A_225 = tpu.memref_squeeze %dma_start3A_224 : memref<1x256xi32, #tpu.memory_space<vmem>> -> memref<256xi32, #tpu.memory_space<vmem>>
    %dma_start3A_226 = arith.constant 0 : i32
    %dma_start3A_227 = tpu.memref_slice %arg4[%dma_start3A_226] : memref<1600000xf32, #tpu.memory_space<hbm>> -> memref<1600000xf32, #tpu.memory_space<hbm>>
    tpu.enqueue_indirect_dma source(%dma_start3A_227 : memref<1600000xf32, #tpu.memory_space<hbm>>) target(%dma_start3A_222 : memref<256xf32, #tpu.memory_space<vmem>>) offsets(%dma_start3A_225 : memref<256xi32, #tpu.memory_space<vmem>>) semaphore(%arg14 : memref<!tpu.dma_semaphore, #tpu.memory_space<semaphore_mem>>)
    %dma_start3A_228 = arith.constant 5 : i32
    %dma_start3A_229 = arith.constant 5 : i32
    %dma_start3A_230 = arith.constant 256 : i32
    %dma_start3A_231 = tpu.memref_slice %arg11[%dma_start3A_229, %dma_start3A_230] : memref<16x512xf32, #tpu.memory_space<vmem>> -> memref<1x256xf32, #tpu.memory_space<vmem>>
    %dma_start3A_232 = tpu.memref_squeeze %dma_start3A_231 : memref<1x256xf32, #tpu.memory_space<vmem>> -> memref<256xf32, #tpu.memory_space<vmem>>
    %dma_start3A_233 = arith.constant 256 : i32
    %dma_start3A_234 = tpu.memref_slice %arg9[%dma_start3A_228, %dma_start3A_233] : memref<16x512xi32, #tpu.memory_space<vmem>> -> memref<1x256xi32, #tpu.memory_space<vmem>>
    %dma_start3A_235 = tpu.memref_squeeze %dma_start3A_234 : memref<1x256xi32, #tpu.memory_space<vmem>> -> memref<256xi32, #tpu.memory_space<vmem>>
    %dma_start3A_236 = arith.constant 0 : i32
    %dma_start3A_237 = tpu.memref_slice %arg4[%dma_start3A_236] : memref<1600000xf32, #tpu.memory_space<hbm>> -> memref<1600000xf32, #tpu.memory_space<hbm>>
    tpu.enqueue_indirect_dma source(%dma_start3A_237 : memref<1600000xf32, #tpu.memory_space<hbm>>) target(%dma_start3A_232 : memref<256xf32, #tpu.memory_space<vmem>>) offsets(%dma_start3A_235 : memref<256xi32, #tpu.memory_space<vmem>>) semaphore(%arg13 : memref<!tpu.dma_semaphore, #tpu.memory_space<semaphore_mem>>)
    %dma_start3A_238 = arith.constant 5 : i32
    %dma_start3A_239 = arith.constant 5 : i32
    %dma_start3A_240 = arith.constant 256 : i32
    %dma_start3A_241 = tpu.memref_slice %arg12[%dma_start3A_239, %dma_start3A_240] : memref<16x512xf32, #tpu.memory_space<vmem>> -> memref<1x256xf32, #tpu.memory_space<vmem>>
    %dma_start3A_242 = tpu.memref_squeeze %dma_start3A_241 : memref<1x256xf32, #tpu.memory_space<vmem>> -> memref<256xf32, #tpu.memory_space<vmem>>
    %dma_start3A_243 = arith.constant 256 : i32
    %dma_start3A_244 = tpu.memref_slice %arg10[%dma_start3A_238, %dma_start3A_243] : memref<16x512xi32, #tpu.memory_space<vmem>> -> memref<1x256xi32, #tpu.memory_space<vmem>>
    %dma_start3A_245 = tpu.memref_squeeze %dma_start3A_244 : memref<1x256xi32, #tpu.memory_space<vmem>> -> memref<256xi32, #tpu.memory_space<vmem>>
    %dma_start3A_246 = arith.constant 0 : i32
    %dma_start3A_247 = tpu.memref_slice %arg4[%dma_start3A_246] : memref<1600000xf32, #tpu.memory_space<hbm>> -> memref<1600000xf32, #tpu.memory_space<hbm>>
    tpu.enqueue_indirect_dma source(%dma_start3A_247 : memref<1600000xf32, #tpu.memory_space<hbm>>) target(%dma_start3A_242 : memref<256xf32, #tpu.memory_space<vmem>>) offsets(%dma_start3A_245 : memref<256xi32, #tpu.memory_space<vmem>>) semaphore(%arg14 : memref<!tpu.dma_semaphore, #tpu.memory_space<semaphore_mem>>)
    %dma_start3A_248 = arith.constant 6 : i32
    %dma_start3A_249 = arith.constant 6 : i32
    %dma_start3A_250 = arith.constant 0 : i32
    %dma_start3A_251 = tpu.memref_slice %arg11[%dma_start3A_249, %dma_start3A_250] : memref<16x512xf32, #tpu.memory_space<vmem>> -> memref<1x256xf32, #tpu.memory_space<vmem>>
    %dma_start3A_252 = tpu.memref_squeeze %dma_start3A_251 : memref<1x256xf32, #tpu.memory_space<vmem>> -> memref<256xf32, #tpu.memory_space<vmem>>
    %dma_start3A_253 = arith.constant 0 : i32
    %dma_start3A_254 = tpu.memref_slice %arg9[%dma_start3A_248, %dma_start3A_253] : memref<16x512xi32, #tpu.memory_space<vmem>> -> memref<1x256xi32, #tpu.memory_space<vmem>>
    %dma_start3A_255 = tpu.memref_squeeze %dma_start3A_254 : memref<1x256xi32, #tpu.memory_space<vmem>> -> memref<256xi32, #tpu.memory_space<vmem>>
    %dma_start3A_256 = arith.constant 0 : i32
    %dma_start3A_257 = tpu.memref_slice %arg4[%dma_start3A_256] : memref<1600000xf32, #tpu.memory_space<hbm>> -> memref<1600000xf32, #tpu.memory_space<hbm>>
    tpu.enqueue_indirect_dma source(%dma_start3A_257 : memref<1600000xf32, #tpu.memory_space<hbm>>) target(%dma_start3A_252 : memref<256xf32, #tpu.memory_space<vmem>>) offsets(%dma_start3A_255 : memref<256xi32, #tpu.memory_space<vmem>>) semaphore(%arg13 : memref<!tpu.dma_semaphore, #tpu.memory_space<semaphore_mem>>)
    %dma_start3A_258 = arith.constant 6 : i32
    %dma_start3A_259 = arith.constant 6 : i32
    %dma_start3A_260 = arith.constant 0 : i32
    %dma_start3A_261 = tpu.memref_slice %arg12[%dma_start3A_259, %dma_start3A_260] : memref<16x512xf32, #tpu.memory_space<vmem>> -> memref<1x256xf32, #tpu.memory_space<vmem>>
    %dma_start3A_262 = tpu.memref_squeeze %dma_start3A_261 : memref<1x256xf32, #tpu.memory_space<vmem>> -> memref<256xf32, #tpu.memory_space<vmem>>
    %dma_start3A_263 = arith.constant 0 : i32
    %dma_start3A_264 = tpu.memref_slice %arg10[%dma_start3A_258, %dma_start3A_263] : memref<16x512xi32, #tpu.memory_space<vmem>> -> memref<1x256xi32, #tpu.memory_space<vmem>>
    %dma_start3A_265 = tpu.memref_squeeze %dma_start3A_264 : memref<1x256xi32, #tpu.memory_space<vmem>> -> memref<256xi32, #tpu.memory_space<vmem>>
    %dma_start3A_266 = arith.constant 0 : i32
    %dma_start3A_267 = tpu.memref_slice %arg4[%dma_start3A_266] : memref<1600000xf32, #tpu.memory_space<hbm>> -> memref<1600000xf32, #tpu.memory_space<hbm>>
    tpu.enqueue_indirect_dma source(%dma_start3A_267 : memref<1600000xf32, #tpu.memory_space<hbm>>) target(%dma_start3A_262 : memref<256xf32, #tpu.memory_space<vmem>>) offsets(%dma_start3A_265 : memref<256xi32, #tpu.memory_space<vmem>>) semaphore(%arg14 : memref<!tpu.dma_semaphore, #tpu.memory_space<semaphore_mem>>)
    %dma_start3A_268 = arith.constant 6 : i32
    %dma_start3A_269 = arith.constant 6 : i32
    %dma_start3A_270 = arith.constant 256 : i32
    %dma_start3A_271 = tpu.memref_slice %arg11[%dma_start3A_269, %dma_start3A_270] : memref<16x512xf32, #tpu.memory_space<vmem>> -> memref<1x256xf32, #tpu.memory_space<vmem>>
    %dma_start3A_272 = tpu.memref_squeeze %dma_start3A_271 : memref<1x256xf32, #tpu.memory_space<vmem>> -> memref<256xf32, #tpu.memory_space<vmem>>
    %dma_start3A_273 = arith.constant 256 : i32
    %dma_start3A_274 = tpu.memref_slice %arg9[%dma_start3A_268, %dma_start3A_273] : memref<16x512xi32, #tpu.memory_space<vmem>> -> memref<1x256xi32, #tpu.memory_space<vmem>>
    %dma_start3A_275 = tpu.memref_squeeze %dma_start3A_274 : memref<1x256xi32, #tpu.memory_space<vmem>> -> memref<256xi32, #tpu.memory_space<vmem>>
    %dma_start3A_276 = arith.constant 0 : i32
    %dma_start3A_277 = tpu.memref_slice %arg4[%dma_start3A_276] : memref<1600000xf32, #tpu.memory_space<hbm>> -> memref<1600000xf32, #tpu.memory_space<hbm>>
    tpu.enqueue_indirect_dma source(%dma_start3A_277 : memref<1600000xf32, #tpu.memory_space<hbm>>) target(%dma_start3A_272 : memref<256xf32, #tpu.memory_space<vmem>>) offsets(%dma_start3A_275 : memref<256xi32, #tpu.memory_space<vmem>>) semaphore(%arg13 : memref<!tpu.dma_semaphore, #tpu.memory_space<semaphore_mem>>)
    %dma_start3A_278 = arith.constant 6 : i32
    %dma_start3A_279 = arith.constant 6 : i32
    %dma_start3A_280 = arith.constant 256 : i32
    %dma_start3A_281 = tpu.memref_slice %arg12[%dma_start3A_279, %dma_start3A_280] : memref<16x512xf32, #tpu.memory_space<vmem>> -> memref<1x256xf32, #tpu.memory_space<vmem>>
    %dma_start3A_282 = tpu.memref_squeeze %dma_start3A_281 : memref<1x256xf32, #tpu.memory_space<vmem>> -> memref<256xf32, #tpu.memory_space<vmem>>
    %dma_start3A_283 = arith.constant 256 : i32
    %dma_start3A_284 = tpu.memref_slice %arg10[%dma_start3A_278, %dma_start3A_283] : memref<16x512xi32, #tpu.memory_space<vmem>> -> memref<1x256xi32, #tpu.memory_space<vmem>>
    %dma_start3A_285 = tpu.memref_squeeze %dma_start3A_284 : memref<1x256xi32, #tpu.memory_space<vmem>> -> memref<256xi32, #tpu.memory_space<vmem>>
    %dma_start3A_286 = arith.constant 0 : i32
    %dma_start3A_287 = tpu.memref_slice %arg4[%dma_start3A_286] : memref<1600000xf32, #tpu.memory_space<hbm>> -> memref<1600000xf32, #tpu.memory_space<hbm>>
    tpu.enqueue_indirect_dma source(%dma_start3A_287 : memref<1600000xf32, #tpu.memory_space<hbm>>) target(%dma_start3A_282 : memref<256xf32, #tpu.memory_space<vmem>>) offsets(%dma_start3A_285 : memref<256xi32, #tpu.memory_space<vmem>>) semaphore(%arg14 : memref<!tpu.dma_semaphore, #tpu.memory_space<semaphore_mem>>)
    %dma_start3A_288 = arith.constant 7 : i32
    %dma_start3A_289 = arith.constant 7 : i32
    %dma_start3A_290 = arith.constant 0 : i32
    %dma_start3A_291 = tpu.memref_slice %arg11[%dma_start3A_289, %dma_start3A_290] : memref<16x512xf32, #tpu.memory_space<vmem>> -> memref<1x256xf32, #tpu.memory_space<vmem>>
    %dma_start3A_292 = tpu.memref_squeeze %dma_start3A_291 : memref<1x256xf32, #tpu.memory_space<vmem>> -> memref<256xf32, #tpu.memory_space<vmem>>
    %dma_start3A_293 = arith.constant 0 : i32
    %dma_start3A_294 = tpu.memref_slice %arg9[%dma_start3A_288, %dma_start3A_293] : memref<16x512xi32, #tpu.memory_space<vmem>> -> memref<1x256xi32, #tpu.memory_space<vmem>>
    %dma_start3A_295 = tpu.memref_squeeze %dma_start3A_294 : memref<1x256xi32, #tpu.memory_space<vmem>> -> memref<256xi32, #tpu.memory_space<vmem>>
    %dma_start3A_296 = arith.constant 0 : i32
    %dma_start3A_297 = tpu.memref_slice %arg4[%dma_start3A_296] : memref<1600000xf32, #tpu.memory_space<hbm>> -> memref<1600000xf32, #tpu.memory_space<hbm>>
    tpu.enqueue_indirect_dma source(%dma_start3A_297 : memref<1600000xf32, #tpu.memory_space<hbm>>) target(%dma_start3A_292 : memref<256xf32, #tpu.memory_space<vmem>>) offsets(%dma_start3A_295 : memref<256xi32, #tpu.memory_space<vmem>>) semaphore(%arg13 : memref<!tpu.dma_semaphore, #tpu.memory_space<semaphore_mem>>)
    %dma_start3A_298 = arith.constant 7 : i32
    %dma_start3A_299 = arith.constant 7 : i32
    %dma_start3A_300 = arith.constant 0 : i32
    %dma_start3A_301 = tpu.memref_slice %arg12[%dma_start3A_299, %dma_start3A_300] : memref<16x512xf32, #tpu.memory_space<vmem>> -> memref<1x256xf32, #tpu.memory_space<vmem>>
    %dma_start3A_302 = tpu.memref_squeeze %dma_start3A_301 : memref<1x256xf32, #tpu.memory_space<vmem>> -> memref<256xf32, #tpu.memory_space<vmem>>
    %dma_start3A_303 = arith.constant 0 : i32
    %dma_start3A_304 = tpu.memref_slice %arg10[%dma_start3A_298, %dma_start3A_303] : memref<16x512xi32, #tpu.memory_space<vmem>> -> memref<1x256xi32, #tpu.memory_space<vmem>>
    %dma_start3A_305 = tpu.memref_squeeze %dma_start3A_304 : memref<1x256xi32, #tpu.memory_space<vmem>> -> memref<256xi32, #tpu.memory_space<vmem>>
    %dma_start3A_306 = arith.constant 0 : i32
    %dma_start3A_307 = tpu.memref_slice %arg4[%dma_start3A_306] : memref<1600000xf32, #tpu.memory_space<hbm>> -> memref<1600000xf32, #tpu.memory_space<hbm>>
    tpu.enqueue_indirect_dma source(%dma_start3A_307 : memref<1600000xf32, #tpu.memory_space<hbm>>) target(%dma_start3A_302 : memref<256xf32, #tpu.memory_space<vmem>>) offsets(%dma_start3A_305 : memref<256xi32, #tpu.memory_space<vmem>>) semaphore(%arg14 : memref<!tpu.dma_semaphore, #tpu.memory_space<semaphore_mem>>)
    %dma_start3A_308 = arith.constant 7 : i32
    %dma_start3A_309 = arith.constant 7 : i32
    %dma_start3A_310 = arith.constant 256 : i32
    %dma_start3A_311 = tpu.memref_slice %arg11[%dma_start3A_309, %dma_start3A_310] : memref<16x512xf32, #tpu.memory_space<vmem>> -> memref<1x256xf32, #tpu.memory_space<vmem>>
    %dma_start3A_312 = tpu.memref_squeeze %dma_start3A_311 : memref<1x256xf32, #tpu.memory_space<vmem>> -> memref<256xf32, #tpu.memory_space<vmem>>
    %dma_start3A_313 = arith.constant 256 : i32
    %dma_start3A_314 = tpu.memref_slice %arg9[%dma_start3A_308, %dma_start3A_313] : memref<16x512xi32, #tpu.memory_space<vmem>> -> memref<1x256xi32, #tpu.memory_space<vmem>>
    %dma_start3A_315 = tpu.memref_squeeze %dma_start3A_314 : memref<1x256xi32, #tpu.memory_space<vmem>> -> memref<256xi32, #tpu.memory_space<vmem>>
    %dma_start3A_316 = arith.constant 0 : i32
    %dma_start3A_317 = tpu.memref_slice %arg4[%dma_start3A_316] : memref<1600000xf32, #tpu.memory_space<hbm>> -> memref<1600000xf32, #tpu.memory_space<hbm>>
    tpu.enqueue_indirect_dma source(%dma_start3A_317 : memref<1600000xf32, #tpu.memory_space<hbm>>) target(%dma_start3A_312 : memref<256xf32, #tpu.memory_space<vmem>>) offsets(%dma_start3A_315 : memref<256xi32, #tpu.memory_space<vmem>>) semaphore(%arg13 : memref<!tpu.dma_semaphore, #tpu.memory_space<semaphore_mem>>)
    %dma_start3A_318 = arith.constant 7 : i32
    %dma_start3A_319 = arith.constant 7 : i32
    %dma_start3A_320 = arith.constant 256 : i32
    %dma_start3A_321 = tpu.memref_slice %arg12[%dma_start3A_319, %dma_start3A_320] : memref<16x512xf32, #tpu.memory_space<vmem>> -> memref<1x256xf32, #tpu.memory_space<vmem>>
    %dma_start3A_322 = tpu.memref_squeeze %dma_start3A_321 : memref<1x256xf32, #tpu.memory_space<vmem>> -> memref<256xf32, #tpu.memory_space<vmem>>
    %dma_start3A_323 = arith.constant 256 : i32
    %dma_start3A_324 = tpu.memref_slice %arg10[%dma_start3A_318, %dma_start3A_323] : memref<16x512xi32, #tpu.memory_space<vmem>> -> memref<1x256xi32, #tpu.memory_space<vmem>>
    %dma_start3A_325 = tpu.memref_squeeze %dma_start3A_324 : memref<1x256xi32, #tpu.memory_space<vmem>> -> memref<256xi32, #tpu.memory_space<vmem>>
    %dma_start3A_326 = arith.constant 0 : i32
    %dma_start3A_327 = tpu.memref_slice %arg4[%dma_start3A_326] : memref<1600000xf32, #tpu.memory_space<hbm>> -> memref<1600000xf32, #tpu.memory_space<hbm>>
    tpu.enqueue_indirect_dma source(%dma_start3A_327 : memref<1600000xf32, #tpu.memory_space<hbm>>) target(%dma_start3A_322 : memref<256xf32, #tpu.memory_space<vmem>>) offsets(%dma_start3A_325 : memref<256xi32, #tpu.memory_space<vmem>>) semaphore(%arg14 : memref<!tpu.dma_semaphore, #tpu.memory_space<semaphore_mem>>)
    %dma_start3A_328 = arith.constant 8 : i32
    %dma_start3A_329 = arith.constant 8 : i32
    %dma_start3A_330 = arith.constant 0 : i32
    %dma_start3A_331 = tpu.memref_slice %arg11[%dma_start3A_329, %dma_start3A_330] : memref<16x512xf32, #tpu.memory_space<vmem>> -> memref<1x256xf32, #tpu.memory_space<vmem>>
    %dma_start3A_332 = tpu.memref_squeeze %dma_start3A_331 : memref<1x256xf32, #tpu.memory_space<vmem>> -> memref<256xf32, #tpu.memory_space<vmem>>
    %dma_start3A_333 = arith.constant 0 : i32
    %dma_start3A_334 = tpu.memref_slice %arg9[%dma_start3A_328, %dma_start3A_333] : memref<16x512xi32, #tpu.memory_space<vmem>> -> memref<1x256xi32, #tpu.memory_space<vmem>>
    %dma_start3A_335 = tpu.memref_squeeze %dma_start3A_334 : memref<1x256xi32, #tpu.memory_space<vmem>> -> memref<256xi32, #tpu.memory_space<vmem>>
    %dma_start3A_336 = arith.constant 0 : i32
    %dma_start3A_337 = tpu.memref_slice %arg4[%dma_start3A_336] : memref<1600000xf32, #tpu.memory_space<hbm>> -> memref<1600000xf32, #tpu.memory_space<hbm>>
    tpu.enqueue_indirect_dma source(%dma_start3A_337 : memref<1600000xf32, #tpu.memory_space<hbm>>) target(%dma_start3A_332 : memref<256xf32, #tpu.memory_space<vmem>>) offsets(%dma_start3A_335 : memref<256xi32, #tpu.memory_space<vmem>>) semaphore(%arg13 : memref<!tpu.dma_semaphore, #tpu.memory_space<semaphore_mem>>)
    %dma_start3A_338 = arith.constant 8 : i32
    %dma_start3A_339 = arith.constant 8 : i32
    %dma_start3A_340 = arith.constant 0 : i32
    %dma_start3A_341 = tpu.memref_slice %arg12[%dma_start3A_339, %dma_start3A_340] : memref<16x512xf32, #tpu.memory_space<vmem>> -> memref<1x256xf32, #tpu.memory_space<vmem>>
    %dma_start3A_342 = tpu.memref_squeeze %dma_start3A_341 : memref<1x256xf32, #tpu.memory_space<vmem>> -> memref<256xf32, #tpu.memory_space<vmem>>
    %dma_start3A_343 = arith.constant 0 : i32
    %dma_start3A_344 = tpu.memref_slice %arg10[%dma_start3A_338, %dma_start3A_343] : memref<16x512xi32, #tpu.memory_space<vmem>> -> memref<1x256xi32, #tpu.memory_space<vmem>>
    %dma_start3A_345 = tpu.memref_squeeze %dma_start3A_344 : memref<1x256xi32, #tpu.memory_space<vmem>> -> memref<256xi32, #tpu.memory_space<vmem>>
    %dma_start3A_346 = arith.constant 0 : i32
    %dma_start3A_347 = tpu.memref_slice %arg4[%dma_start3A_346] : memref<1600000xf32, #tpu.memory_space<hbm>> -> memref<1600000xf32, #tpu.memory_space<hbm>>
    tpu.enqueue_indirect_dma source(%dma_start3A_347 : memref<1600000xf32, #tpu.memory_space<hbm>>) target(%dma_start3A_342 : memref<256xf32, #tpu.memory_space<vmem>>) offsets(%dma_start3A_345 : memref<256xi32, #tpu.memory_space<vmem>>) semaphore(%arg14 : memref<!tpu.dma_semaphore, #tpu.memory_space<semaphore_mem>>)
    %dma_start3A_348 = arith.constant 8 : i32
    %dma_start3A_349 = arith.constant 8 : i32
    %dma_start3A_350 = arith.constant 256 : i32
    %dma_start3A_351 = tpu.memref_slice %arg11[%dma_start3A_349, %dma_start3A_350] : memref<16x512xf32, #tpu.memory_space<vmem>> -> memref<1x256xf32, #tpu.memory_space<vmem>>
    %dma_start3A_352 = tpu.memref_squeeze %dma_start3A_351 : memref<1x256xf32, #tpu.memory_space<vmem>> -> memref<256xf32, #tpu.memory_space<vmem>>
    %dma_start3A_353 = arith.constant 256 : i32
    %dma_start3A_354 = tpu.memref_slice %arg9[%dma_start3A_348, %dma_start3A_353] : memref<16x512xi32, #tpu.memory_space<vmem>> -> memref<1x256xi32, #tpu.memory_space<vmem>>
    %dma_start3A_355 = tpu.memref_squeeze %dma_start3A_354 : memref<1x256xi32, #tpu.memory_space<vmem>> -> memref<256xi32, #tpu.memory_space<vmem>>
    %dma_start3A_356 = arith.constant 0 : i32
    %dma_start3A_357 = tpu.memref_slice %arg4[%dma_start3A_356] : memref<1600000xf32, #tpu.memory_space<hbm>> -> memref<1600000xf32, #tpu.memory_space<hbm>>
    tpu.enqueue_indirect_dma source(%dma_start3A_357 : memref<1600000xf32, #tpu.memory_space<hbm>>) target(%dma_start3A_352 : memref<256xf32, #tpu.memory_space<vmem>>) offsets(%dma_start3A_355 : memref<256xi32, #tpu.memory_space<vmem>>) semaphore(%arg13 : memref<!tpu.dma_semaphore, #tpu.memory_space<semaphore_mem>>)
    %dma_start3A_358 = arith.constant 8 : i32
    %dma_start3A_359 = arith.constant 8 : i32
    %dma_start3A_360 = arith.constant 256 : i32
    %dma_start3A_361 = tpu.memref_slice %arg12[%dma_start3A_359, %dma_start3A_360] : memref<16x512xf32, #tpu.memory_space<vmem>> -> memref<1x256xf32, #tpu.memory_space<vmem>>
    %dma_start3A_362 = tpu.memref_squeeze %dma_start3A_361 : memref<1x256xf32, #tpu.memory_space<vmem>> -> memref<256xf32, #tpu.memory_space<vmem>>
    %dma_start3A_363 = arith.constant 256 : i32
    %dma_start3A_364 = tpu.memref_slice %arg10[%dma_start3A_358, %dma_start3A_363] : memref<16x512xi32, #tpu.memory_space<vmem>> -> memref<1x256xi32, #tpu.memory_space<vmem>>
    %dma_start3A_365 = tpu.memref_squeeze %dma_start3A_364 : memref<1x256xi32, #tpu.memory_space<vmem>> -> memref<256xi32, #tpu.memory_space<vmem>>
    %dma_start3A_366 = arith.constant 0 : i32
    %dma_start3A_367 = tpu.memref_slice %arg4[%dma_start3A_366] : memref<1600000xf32, #tpu.memory_space<hbm>> -> memref<1600000xf32, #tpu.memory_space<hbm>>
    tpu.enqueue_indirect_dma source(%dma_start3A_367 : memref<1600000xf32, #tpu.memory_space<hbm>>) target(%dma_start3A_362 : memref<256xf32, #tpu.memory_space<vmem>>) offsets(%dma_start3A_365 : memref<256xi32, #tpu.memory_space<vmem>>) semaphore(%arg14 : memref<!tpu.dma_semaphore, #tpu.memory_space<semaphore_mem>>)
    %dma_start3A_368 = arith.constant 9 : i32
    %dma_start3A_369 = arith.constant 9 : i32
    %dma_start3A_370 = arith.constant 0 : i32
    %dma_start3A_371 = tpu.memref_slice %arg11[%dma_start3A_369, %dma_start3A_370] : memref<16x512xf32, #tpu.memory_space<vmem>> -> memref<1x256xf32, #tpu.memory_space<vmem>>
    %dma_start3A_372 = tpu.memref_squeeze %dma_start3A_371 : memref<1x256xf32, #tpu.memory_space<vmem>> -> memref<256xf32, #tpu.memory_space<vmem>>
    %dma_start3A_373 = arith.constant 0 : i32
    %dma_start3A_374 = tpu.memref_slice %arg9[%dma_start3A_368, %dma_start3A_373] : memref<16x512xi32, #tpu.memory_space<vmem>> -> memref<1x256xi32, #tpu.memory_space<vmem>>
    %dma_start3A_375 = tpu.memref_squeeze %dma_start3A_374 : memref<1x256xi32, #tpu.memory_space<vmem>> -> memref<256xi32, #tpu.memory_space<vmem>>
    %dma_start3A_376 = arith.constant 0 : i32
    %dma_start3A_377 = tpu.memref_slice %arg4[%dma_start3A_376] : memref<1600000xf32, #tpu.memory_space<hbm>> -> memref<1600000xf32, #tpu.memory_space<hbm>>
    tpu.enqueue_indirect_dma source(%dma_start3A_377 : memref<1600000xf32, #tpu.memory_space<hbm>>) target(%dma_start3A_372 : memref<256xf32, #tpu.memory_space<vmem>>) offsets(%dma_start3A_375 : memref<256xi32, #tpu.memory_space<vmem>>) semaphore(%arg13 : memref<!tpu.dma_semaphore, #tpu.memory_space<semaphore_mem>>)
    %dma_start3A_378 = arith.constant 9 : i32
    %dma_start3A_379 = arith.constant 9 : i32
    %dma_start3A_380 = arith.constant 0 : i32
    %dma_start3A_381 = tpu.memref_slice %arg12[%dma_start3A_379, %dma_start3A_380] : memref<16x512xf32, #tpu.memory_space<vmem>> -> memref<1x256xf32, #tpu.memory_space<vmem>>
    %dma_start3A_382 = tpu.memref_squeeze %dma_start3A_381 : memref<1x256xf32, #tpu.memory_space<vmem>> -> memref<256xf32, #tpu.memory_space<vmem>>
    %dma_start3A_383 = arith.constant 0 : i32
    %dma_start3A_384 = tpu.memref_slice %arg10[%dma_start3A_378, %dma_start3A_383] : memref<16x512xi32, #tpu.memory_space<vmem>> -> memref<1x256xi32, #tpu.memory_space<vmem>>
    %dma_start3A_385 = tpu.memref_squeeze %dma_start3A_384 : memref<1x256xi32, #tpu.memory_space<vmem>> -> memref<256xi32, #tpu.memory_space<vmem>>
    %dma_start3A_386 = arith.constant 0 : i32
    %dma_start3A_387 = tpu.memref_slice %arg4[%dma_start3A_386] : memref<1600000xf32, #tpu.memory_space<hbm>> -> memref<1600000xf32, #tpu.memory_space<hbm>>
    tpu.enqueue_indirect_dma source(%dma_start3A_387 : memref<1600000xf32, #tpu.memory_space<hbm>>) target(%dma_start3A_382 : memref<256xf32, #tpu.memory_space<vmem>>) offsets(%dma_start3A_385 : memref<256xi32, #tpu.memory_space<vmem>>) semaphore(%arg14 : memref<!tpu.dma_semaphore, #tpu.memory_space<semaphore_mem>>)
    %dma_start3A_388 = arith.constant 9 : i32
    %dma_start3A_389 = arith.constant 9 : i32
    %dma_start3A_390 = arith.constant 256 : i32
    %dma_start3A_391 = tpu.memref_slice %arg11[%dma_start3A_389, %dma_start3A_390] : memref<16x512xf32, #tpu.memory_space<vmem>> -> memref<1x256xf32, #tpu.memory_space<vmem>>
    %dma_start3A_392 = tpu.memref_squeeze %dma_start3A_391 : memref<1x256xf32, #tpu.memory_space<vmem>> -> memref<256xf32, #tpu.memory_space<vmem>>
    %dma_start3A_393 = arith.constant 256 : i32
    %dma_start3A_394 = tpu.memref_slice %arg9[%dma_start3A_388, %dma_start3A_393] : memref<16x512xi32, #tpu.memory_space<vmem>> -> memref<1x256xi32, #tpu.memory_space<vmem>>
    %dma_start3A_395 = tpu.memref_squeeze %dma_start3A_394 : memref<1x256xi32, #tpu.memory_space<vmem>> -> memref<256xi32, #tpu.memory_space<vmem>>
    %dma_start3A_396 = arith.constant 0 : i32
    %dma_start3A_397 = tpu.memref_slice %arg4[%dma_start3A_396] : memref<1600000xf32, #tpu.memory_space<hbm>> -> memref<1600000xf32, #tpu.memory_space<hbm>>
    tpu.enqueue_indirect_dma source(%dma_start3A_397 : memref<1600000xf32, #tpu.memory_space<hbm>>) target(%dma_start3A_392 : memref<256xf32, #tpu.memory_space<vmem>>) offsets(%dma_start3A_395 : memref<256xi32, #tpu.memory_space<vmem>>) semaphore(%arg13 : memref<!tpu.dma_semaphore, #tpu.memory_space<semaphore_mem>>)
    %dma_start3A_398 = arith.constant 9 : i32
    %dma_start3A_399 = arith.constant 9 : i32
    %dma_start3A_400 = arith.constant 256 : i32
    %dma_start3A_401 = tpu.memref_slice %arg12[%dma_start3A_399, %dma_start3A_400] : memref<16x512xf32, #tpu.memory_space<vmem>> -> memref<1x256xf32, #tpu.memory_space<vmem>>
    %dma_start3A_402 = tpu.memref_squeeze %dma_start3A_401 : memref<1x256xf32, #tpu.memory_space<vmem>> -> memref<256xf32, #tpu.memory_space<vmem>>
    %dma_start3A_403 = arith.constant 256 : i32
    %dma_start3A_404 = tpu.memref_slice %arg10[%dma_start3A_398, %dma_start3A_403] : memref<16x512xi32, #tpu.memory_space<vmem>> -> memref<1x256xi32, #tpu.memory_space<vmem>>
    %dma_start3A_405 = tpu.memref_squeeze %dma_start3A_404 : memref<1x256xi32, #tpu.memory_space<vmem>> -> memref<256xi32, #tpu.memory_space<vmem>>
    %dma_start3A_406 = arith.constant 0 : i32
    %dma_start3A_407 = tpu.memref_slice %arg4[%dma_start3A_406] : memref<1600000xf32, #tpu.memory_space<hbm>> -> memref<1600000xf32, #tpu.memory_space<hbm>>
    tpu.enqueue_indirect_dma source(%dma_start3A_407 : memref<1600000xf32, #tpu.memory_space<hbm>>) target(%dma_start3A_402 : memref<256xf32, #tpu.memory_space<vmem>>) offsets(%dma_start3A_405 : memref<256xi32, #tpu.memory_space<vmem>>) semaphore(%arg14 : memref<!tpu.dma_semaphore, #tpu.memory_space<semaphore_mem>>)
    %dma_start3A_408 = arith.constant 10 : i32
    %dma_start3A_409 = arith.constant 10 : i32
    %dma_start3A_410 = arith.constant 0 : i32
    %dma_start3A_411 = tpu.memref_slice %arg11[%dma_start3A_409, %dma_start3A_410] : memref<16x512xf32, #tpu.memory_space<vmem>> -> memref<1x256xf32, #tpu.memory_space<vmem>>
    %dma_start3A_412 = tpu.memref_squeeze %dma_start3A_411 : memref<1x256xf32, #tpu.memory_space<vmem>> -> memref<256xf32, #tpu.memory_space<vmem>>
    %dma_start3A_413 = arith.constant 0 : i32
    %dma_start3A_414 = tpu.memref_slice %arg9[%dma_start3A_408, %dma_start3A_413] : memref<16x512xi32, #tpu.memory_space<vmem>> -> memref<1x256xi32, #tpu.memory_space<vmem>>
    %dma_start3A_415 = tpu.memref_squeeze %dma_start3A_414 : memref<1x256xi32, #tpu.memory_space<vmem>> -> memref<256xi32, #tpu.memory_space<vmem>>
    %dma_start3A_416 = arith.constant 0 : i32
    %dma_start3A_417 = tpu.memref_slice %arg4[%dma_start3A_416] : memref<1600000xf32, #tpu.memory_space<hbm>> -> memref<1600000xf32, #tpu.memory_space<hbm>>
    tpu.enqueue_indirect_dma source(%dma_start3A_417 : memref<1600000xf32, #tpu.memory_space<hbm>>) target(%dma_start3A_412 : memref<256xf32, #tpu.memory_space<vmem>>) offsets(%dma_start3A_415 : memref<256xi32, #tpu.memory_space<vmem>>) semaphore(%arg13 : memref<!tpu.dma_semaphore, #tpu.memory_space<semaphore_mem>>)
    %dma_start3A_418 = arith.constant 10 : i32
    %dma_start3A_419 = arith.constant 10 : i32
    %dma_start3A_420 = arith.constant 0 : i32
    %dma_start3A_421 = tpu.memref_slice %arg12[%dma_start3A_419, %dma_start3A_420] : memref<16x512xf32, #tpu.memory_space<vmem>> -> memref<1x256xf32, #tpu.memory_space<vmem>>
    %dma_start3A_422 = tpu.memref_squeeze %dma_start3A_421 : memref<1x256xf32, #tpu.memory_space<vmem>> -> memref<256xf32, #tpu.memory_space<vmem>>
    %dma_start3A_423 = arith.constant 0 : i32
    %dma_start3A_424 = tpu.memref_slice %arg10[%dma_start3A_418, %dma_start3A_423] : memref<16x512xi32, #tpu.memory_space<vmem>> -> memref<1x256xi32, #tpu.memory_space<vmem>>
    %dma_start3A_425 = tpu.memref_squeeze %dma_start3A_424 : memref<1x256xi32, #tpu.memory_space<vmem>> -> memref<256xi32, #tpu.memory_space<vmem>>
    %dma_start3A_426 = arith.constant 0 : i32
    %dma_start3A_427 = tpu.memref_slice %arg4[%dma_start3A_426] : memref<1600000xf32, #tpu.memory_space<hbm>> -> memref<1600000xf32, #tpu.memory_space<hbm>>
    tpu.enqueue_indirect_dma source(%dma_start3A_427 : memref<1600000xf32, #tpu.memory_space<hbm>>) target(%dma_start3A_422 : memref<256xf32, #tpu.memory_space<vmem>>) offsets(%dma_start3A_425 : memref<256xi32, #tpu.memory_space<vmem>>) semaphore(%arg14 : memref<!tpu.dma_semaphore, #tpu.memory_space<semaphore_mem>>)
    %dma_start3A_428 = arith.constant 10 : i32
    %dma_start3A_429 = arith.constant 10 : i32
    %dma_start3A_430 = arith.constant 256 : i32
    %dma_start3A_431 = tpu.memref_slice %arg11[%dma_start3A_429, %dma_start3A_430] : memref<16x512xf32, #tpu.memory_space<vmem>> -> memref<1x256xf32, #tpu.memory_space<vmem>>
    %dma_start3A_432 = tpu.memref_squeeze %dma_start3A_431 : memref<1x256xf32, #tpu.memory_space<vmem>> -> memref<256xf32, #tpu.memory_space<vmem>>
    %dma_start3A_433 = arith.constant 256 : i32
    %dma_start3A_434 = tpu.memref_slice %arg9[%dma_start3A_428, %dma_start3A_433] : memref<16x512xi32, #tpu.memory_space<vmem>> -> memref<1x256xi32, #tpu.memory_space<vmem>>
    %dma_start3A_435 = tpu.memref_squeeze %dma_start3A_434 : memref<1x256xi32, #tpu.memory_space<vmem>> -> memref<256xi32, #tpu.memory_space<vmem>>
    %dma_start3A_436 = arith.constant 0 : i32
    %dma_start3A_437 = tpu.memref_slice %arg4[%dma_start3A_436] : memref<1600000xf32, #tpu.memory_space<hbm>> -> memref<1600000xf32, #tpu.memory_space<hbm>>
    tpu.enqueue_indirect_dma source(%dma_start3A_437 : memref<1600000xf32, #tpu.memory_space<hbm>>) target(%dma_start3A_432 : memref<256xf32, #tpu.memory_space<vmem>>) offsets(%dma_start3A_435 : memref<256xi32, #tpu.memory_space<vmem>>) semaphore(%arg13 : memref<!tpu.dma_semaphore, #tpu.memory_space<semaphore_mem>>)
    %dma_start3A_438 = arith.constant 10 : i32
    %dma_start3A_439 = arith.constant 10 : i32
    %dma_start3A_440 = arith.constant 256 : i32
    %dma_start3A_441 = tpu.memref_slice %arg12[%dma_start3A_439, %dma_start3A_440] : memref<16x512xf32, #tpu.memory_space<vmem>> -> memref<1x256xf32, #tpu.memory_space<vmem>>
    %dma_start3A_442 = tpu.memref_squeeze %dma_start3A_441 : memref<1x256xf32, #tpu.memory_space<vmem>> -> memref<256xf32, #tpu.memory_space<vmem>>
    %dma_start3A_443 = arith.constant 256 : i32
    %dma_start3A_444 = tpu.memref_slice %arg10[%dma_start3A_438, %dma_start3A_443] : memref<16x512xi32, #tpu.memory_space<vmem>> -> memref<1x256xi32, #tpu.memory_space<vmem>>
    %dma_start3A_445 = tpu.memref_squeeze %dma_start3A_444 : memref<1x256xi32, #tpu.memory_space<vmem>> -> memref<256xi32, #tpu.memory_space<vmem>>
    %dma_start3A_446 = arith.constant 0 : i32
    %dma_start3A_447 = tpu.memref_slice %arg4[%dma_start3A_446] : memref<1600000xf32, #tpu.memory_space<hbm>> -> memref<1600000xf32, #tpu.memory_space<hbm>>
    tpu.enqueue_indirect_dma source(%dma_start3A_447 : memref<1600000xf32, #tpu.memory_space<hbm>>) target(%dma_start3A_442 : memref<256xf32, #tpu.memory_space<vmem>>) offsets(%dma_start3A_445 : memref<256xi32, #tpu.memory_space<vmem>>) semaphore(%arg14 : memref<!tpu.dma_semaphore, #tpu.memory_space<semaphore_mem>>)
    %dma_start3A_448 = arith.constant 11 : i32
    %dma_start3A_449 = arith.constant 11 : i32
    %dma_start3A_450 = arith.constant 0 : i32
    %dma_start3A_451 = tpu.memref_slice %arg11[%dma_start3A_449, %dma_start3A_450] : memref<16x512xf32, #tpu.memory_space<vmem>> -> memref<1x256xf32, #tpu.memory_space<vmem>>
    %dma_start3A_452 = tpu.memref_squeeze %dma_start3A_451 : memref<1x256xf32, #tpu.memory_space<vmem>> -> memref<256xf32, #tpu.memory_space<vmem>>
    %dma_start3A_453 = arith.constant 0 : i32
    %dma_start3A_454 = tpu.memref_slice %arg9[%dma_start3A_448, %dma_start3A_453] : memref<16x512xi32, #tpu.memory_space<vmem>> -> memref<1x256xi32, #tpu.memory_space<vmem>>
    %dma_start3A_455 = tpu.memref_squeeze %dma_start3A_454 : memref<1x256xi32, #tpu.memory_space<vmem>> -> memref<256xi32, #tpu.memory_space<vmem>>
    %dma_start3A_456 = arith.constant 0 : i32
    %dma_start3A_457 = tpu.memref_slice %arg4[%dma_start3A_456] : memref<1600000xf32, #tpu.memory_space<hbm>> -> memref<1600000xf32, #tpu.memory_space<hbm>>
    tpu.enqueue_indirect_dma source(%dma_start3A_457 : memref<1600000xf32, #tpu.memory_space<hbm>>) target(%dma_start3A_452 : memref<256xf32, #tpu.memory_space<vmem>>) offsets(%dma_start3A_455 : memref<256xi32, #tpu.memory_space<vmem>>) semaphore(%arg13 : memref<!tpu.dma_semaphore, #tpu.memory_space<semaphore_mem>>)
    %dma_start3A_458 = arith.constant 11 : i32
    %dma_start3A_459 = arith.constant 11 : i32
    %dma_start3A_460 = arith.constant 0 : i32
    %dma_start3A_461 = tpu.memref_slice %arg12[%dma_start3A_459, %dma_start3A_460] : memref<16x512xf32, #tpu.memory_space<vmem>> -> memref<1x256xf32, #tpu.memory_space<vmem>>
    %dma_start3A_462 = tpu.memref_squeeze %dma_start3A_461 : memref<1x256xf32, #tpu.memory_space<vmem>> -> memref<256xf32, #tpu.memory_space<vmem>>
    %dma_start3A_463 = arith.constant 0 : i32
    %dma_start3A_464 = tpu.memref_slice %arg10[%dma_start3A_458, %dma_start3A_463] : memref<16x512xi32, #tpu.memory_space<vmem>> -> memref<1x256xi32, #tpu.memory_space<vmem>>
    %dma_start3A_465 = tpu.memref_squeeze %dma_start3A_464 : memref<1x256xi32, #tpu.memory_space<vmem>> -> memref<256xi32, #tpu.memory_space<vmem>>
    %dma_start3A_466 = arith.constant 0 : i32
    %dma_start3A_467 = tpu.memref_slice %arg4[%dma_start3A_466] : memref<1600000xf32, #tpu.memory_space<hbm>> -> memref<1600000xf32, #tpu.memory_space<hbm>>
    tpu.enqueue_indirect_dma source(%dma_start3A_467 : memref<1600000xf32, #tpu.memory_space<hbm>>) target(%dma_start3A_462 : memref<256xf32, #tpu.memory_space<vmem>>) offsets(%dma_start3A_465 : memref<256xi32, #tpu.memory_space<vmem>>) semaphore(%arg14 : memref<!tpu.dma_semaphore, #tpu.memory_space<semaphore_mem>>)
    %dma_start3A_468 = arith.constant 11 : i32
    %dma_start3A_469 = arith.constant 11 : i32
    %dma_start3A_470 = arith.constant 256 : i32
    %dma_start3A_471 = tpu.memref_slice %arg11[%dma_start3A_469, %dma_start3A_470] : memref<16x512xf32, #tpu.memory_space<vmem>> -> memref<1x256xf32, #tpu.memory_space<vmem>>
    %dma_start3A_472 = tpu.memref_squeeze %dma_start3A_471 : memref<1x256xf32, #tpu.memory_space<vmem>> -> memref<256xf32, #tpu.memory_space<vmem>>
    %dma_start3A_473 = arith.constant 256 : i32
    %dma_start3A_474 = tpu.memref_slice %arg9[%dma_start3A_468, %dma_start3A_473] : memref<16x512xi32, #tpu.memory_space<vmem>> -> memref<1x256xi32, #tpu.memory_space<vmem>>
    %dma_start3A_475 = tpu.memref_squeeze %dma_start3A_474 : memref<1x256xi32, #tpu.memory_space<vmem>> -> memref<256xi32, #tpu.memory_space<vmem>>
    %dma_start3A_476 = arith.constant 0 : i32
    %dma_start3A_477 = tpu.memref_slice %arg4[%dma_start3A_476] : memref<1600000xf32, #tpu.memory_space<hbm>> -> memref<1600000xf32, #tpu.memory_space<hbm>>
    tpu.enqueue_indirect_dma source(%dma_start3A_477 : memref<1600000xf32, #tpu.memory_space<hbm>>) target(%dma_start3A_472 : memref<256xf32, #tpu.memory_space<vmem>>) offsets(%dma_start3A_475 : memref<256xi32, #tpu.memory_space<vmem>>) semaphore(%arg13 : memref<!tpu.dma_semaphore, #tpu.memory_space<semaphore_mem>>)
    %dma_start3A_478 = arith.constant 11 : i32
    %dma_start3A_479 = arith.constant 11 : i32
    %dma_start3A_480 = arith.constant 256 : i32
    %dma_start3A_481 = tpu.memref_slice %arg12[%dma_start3A_479, %dma_start3A_480] : memref<16x512xf32, #tpu.memory_space<vmem>> -> memref<1x256xf32, #tpu.memory_space<vmem>>
    %dma_start3A_482 = tpu.memref_squeeze %dma_start3A_481 : memref<1x256xf32, #tpu.memory_space<vmem>> -> memref<256xf32, #tpu.memory_space<vmem>>
    %dma_start3A_483 = arith.constant 256 : i32
    %dma_start3A_484 = tpu.memref_slice %arg10[%dma_start3A_478, %dma_start3A_483] : memref<16x512xi32, #tpu.memory_space<vmem>> -> memref<1x256xi32, #tpu.memory_space<vmem>>
    %dma_start3A_485 = tpu.memref_squeeze %dma_start3A_484 : memref<1x256xi32, #tpu.memory_space<vmem>> -> memref<256xi32, #tpu.memory_space<vmem>>
    %dma_start3A_486 = arith.constant 0 : i32
    %dma_start3A_487 = tpu.memref_slice %arg4[%dma_start3A_486] : memref<1600000xf32, #tpu.memory_space<hbm>> -> memref<1600000xf32, #tpu.memory_space<hbm>>
    tpu.enqueue_indirect_dma source(%dma_start3A_487 : memref<1600000xf32, #tpu.memory_space<hbm>>) target(%dma_start3A_482 : memref<256xf32, #tpu.memory_space<vmem>>) offsets(%dma_start3A_485 : memref<256xi32, #tpu.memory_space<vmem>>) semaphore(%arg14 : memref<!tpu.dma_semaphore, #tpu.memory_space<semaphore_mem>>)
    %dma_start3A_488 = arith.constant 12 : i32
    %dma_start3A_489 = arith.constant 12 : i32
    %dma_start3A_490 = arith.constant 0 : i32
    %dma_start3A_491 = tpu.memref_slice %arg11[%dma_start3A_489, %dma_start3A_490] : memref<16x512xf32, #tpu.memory_space<vmem>> -> memref<1x256xf32, #tpu.memory_space<vmem>>
    %dma_start3A_492 = tpu.memref_squeeze %dma_start3A_491 : memref<1x256xf32, #tpu.memory_space<vmem>> -> memref<256xf32, #tpu.memory_space<vmem>>
    %dma_start3A_493 = arith.constant 0 : i32
    %dma_start3A_494 = tpu.memref_slice %arg9[%dma_start3A_488, %dma_start3A_493] : memref<16x512xi32, #tpu.memory_space<vmem>> -> memref<1x256xi32, #tpu.memory_space<vmem>>
    %dma_start3A_495 = tpu.memref_squeeze %dma_start3A_494 : memref<1x256xi32, #tpu.memory_space<vmem>> -> memref<256xi32, #tpu.memory_space<vmem>>
    %dma_start3A_496 = arith.constant 0 : i32
    %dma_start3A_497 = tpu.memref_slice %arg4[%dma_start3A_496] : memref<1600000xf32, #tpu.memory_space<hbm>> -> memref<1600000xf32, #tpu.memory_space<hbm>>
    tpu.enqueue_indirect_dma source(%dma_start3A_497 : memref<1600000xf32, #tpu.memory_space<hbm>>) target(%dma_start3A_492 : memref<256xf32, #tpu.memory_space<vmem>>) offsets(%dma_start3A_495 : memref<256xi32, #tpu.memory_space<vmem>>) semaphore(%arg13 : memref<!tpu.dma_semaphore, #tpu.memory_space<semaphore_mem>>)
    %dma_start3A_498 = arith.constant 12 : i32
    %dma_start3A_499 = arith.constant 12 : i32
    %dma_start3A_500 = arith.constant 0 : i32
    %dma_start3A_501 = tpu.memref_slice %arg12[%dma_start3A_499, %dma_start3A_500] : memref<16x512xf32, #tpu.memory_space<vmem>> -> memref<1x256xf32, #tpu.memory_space<vmem>>
    %dma_start3A_502 = tpu.memref_squeeze %dma_start3A_501 : memref<1x256xf32, #tpu.memory_space<vmem>> -> memref<256xf32, #tpu.memory_space<vmem>>
    %dma_start3A_503 = arith.constant 0 : i32
    %dma_start3A_504 = tpu.memref_slice %arg10[%dma_start3A_498, %dma_start3A_503] : memref<16x512xi32, #tpu.memory_space<vmem>> -> memref<1x256xi32, #tpu.memory_space<vmem>>
    %dma_start3A_505 = tpu.memref_squeeze %dma_start3A_504 : memref<1x256xi32, #tpu.memory_space<vmem>> -> memref<256xi32, #tpu.memory_space<vmem>>
    %dma_start3A_506 = arith.constant 0 : i32
    %dma_start3A_507 = tpu.memref_slice %arg4[%dma_start3A_506] : memref<1600000xf32, #tpu.memory_space<hbm>> -> memref<1600000xf32, #tpu.memory_space<hbm>>
    tpu.enqueue_indirect_dma source(%dma_start3A_507 : memref<1600000xf32, #tpu.memory_space<hbm>>) target(%dma_start3A_502 : memref<256xf32, #tpu.memory_space<vmem>>) offsets(%dma_start3A_505 : memref<256xi32, #tpu.memory_space<vmem>>) semaphore(%arg14 : memref<!tpu.dma_semaphore, #tpu.memory_space<semaphore_mem>>)
    %dma_start3A_508 = arith.constant 12 : i32
    %dma_start3A_509 = arith.constant 12 : i32
    %dma_start3A_510 = arith.constant 256 : i32
    %dma_start3A_511 = tpu.memref_slice %arg11[%dma_start3A_509, %dma_start3A_510] : memref<16x512xf32, #tpu.memory_space<vmem>> -> memref<1x256xf32, #tpu.memory_space<vmem>>
    %dma_start3A_512 = tpu.memref_squeeze %dma_start3A_511 : memref<1x256xf32, #tpu.memory_space<vmem>> -> memref<256xf32, #tpu.memory_space<vmem>>
    %dma_start3A_513 = arith.constant 256 : i32
    %dma_start3A_514 = tpu.memref_slice %arg9[%dma_start3A_508, %dma_start3A_513] : memref<16x512xi32, #tpu.memory_space<vmem>> -> memref<1x256xi32, #tpu.memory_space<vmem>>
    %dma_start3A_515 = tpu.memref_squeeze %dma_start3A_514 : memref<1x256xi32, #tpu.memory_space<vmem>> -> memref<256xi32, #tpu.memory_space<vmem>>
    %dma_start3A_516 = arith.constant 0 : i32
    %dma_start3A_517 = tpu.memref_slice %arg4[%dma_start3A_516] : memref<1600000xf32, #tpu.memory_space<hbm>> -> memref<1600000xf32, #tpu.memory_space<hbm>>
    tpu.enqueue_indirect_dma source(%dma_start3A_517 : memref<1600000xf32, #tpu.memory_space<hbm>>) target(%dma_start3A_512 : memref<256xf32, #tpu.memory_space<vmem>>) offsets(%dma_start3A_515 : memref<256xi32, #tpu.memory_space<vmem>>) semaphore(%arg13 : memref<!tpu.dma_semaphore, #tpu.memory_space<semaphore_mem>>)
    %dma_start3A_518 = arith.constant 12 : i32
    %dma_start3A_519 = arith.constant 12 : i32
    %dma_start3A_520 = arith.constant 256 : i32
    %dma_start3A_521 = tpu.memref_slice %arg12[%dma_start3A_519, %dma_start3A_520] : memref<16x512xf32, #tpu.memory_space<vmem>> -> memref<1x256xf32, #tpu.memory_space<vmem>>
    %dma_start3A_522 = tpu.memref_squeeze %dma_start3A_521 : memref<1x256xf32, #tpu.memory_space<vmem>> -> memref<256xf32, #tpu.memory_space<vmem>>
    %dma_start3A_523 = arith.constant 256 : i32
    %dma_start3A_524 = tpu.memref_slice %arg10[%dma_start3A_518, %dma_start3A_523] : memref<16x512xi32, #tpu.memory_space<vmem>> -> memref<1x256xi32, #tpu.memory_space<vmem>>
    %dma_start3A_525 = tpu.memref_squeeze %dma_start3A_524 : memref<1x256xi32, #tpu.memory_space<vmem>> -> memref<256xi32, #tpu.memory_space<vmem>>
    %dma_start3A_526 = arith.constant 0 : i32
    %dma_start3A_527 = tpu.memref_slice %arg4[%dma_start3A_526] : memref<1600000xf32, #tpu.memory_space<hbm>> -> memref<1600000xf32, #tpu.memory_space<hbm>>
    tpu.enqueue_indirect_dma source(%dma_start3A_527 : memref<1600000xf32, #tpu.memory_space<hbm>>) target(%dma_start3A_522 : memref<256xf32, #tpu.memory_space<vmem>>) offsets(%dma_start3A_525 : memref<256xi32, #tpu.memory_space<vmem>>) semaphore(%arg14 : memref<!tpu.dma_semaphore, #tpu.memory_space<semaphore_mem>>)
    %dma_start3A_528 = arith.constant 13 : i32
    %dma_start3A_529 = arith.constant 13 : i32
    %dma_start3A_530 = arith.constant 0 : i32
    %dma_start3A_531 = tpu.memref_slice %arg11[%dma_start3A_529, %dma_start3A_530] : memref<16x512xf32, #tpu.memory_space<vmem>> -> memref<1x256xf32, #tpu.memory_space<vmem>>
    %dma_start3A_532 = tpu.memref_squeeze %dma_start3A_531 : memref<1x256xf32, #tpu.memory_space<vmem>> -> memref<256xf32, #tpu.memory_space<vmem>>
    %dma_start3A_533 = arith.constant 0 : i32
    %dma_start3A_534 = tpu.memref_slice %arg9[%dma_start3A_528, %dma_start3A_533] : memref<16x512xi32, #tpu.memory_space<vmem>> -> memref<1x256xi32, #tpu.memory_space<vmem>>
    %dma_start3A_535 = tpu.memref_squeeze %dma_start3A_534 : memref<1x256xi32, #tpu.memory_space<vmem>> -> memref<256xi32, #tpu.memory_space<vmem>>
    %dma_start3A_536 = arith.constant 0 : i32
    %dma_start3A_537 = tpu.memref_slice %arg4[%dma_start3A_536] : memref<1600000xf32, #tpu.memory_space<hbm>> -> memref<1600000xf32, #tpu.memory_space<hbm>>
    tpu.enqueue_indirect_dma source(%dma_start3A_537 : memref<1600000xf32, #tpu.memory_space<hbm>>) target(%dma_start3A_532 : memref<256xf32, #tpu.memory_space<vmem>>) offsets(%dma_start3A_535 : memref<256xi32, #tpu.memory_space<vmem>>) semaphore(%arg13 : memref<!tpu.dma_semaphore, #tpu.memory_space<semaphore_mem>>)
    %dma_start3A_538 = arith.constant 13 : i32
    %dma_start3A_539 = arith.constant 13 : i32
    %dma_start3A_540 = arith.constant 0 : i32
    %dma_start3A_541 = tpu.memref_slice %arg12[%dma_start3A_539, %dma_start3A_540] : memref<16x512xf32, #tpu.memory_space<vmem>> -> memref<1x256xf32, #tpu.memory_space<vmem>>
    %dma_start3A_542 = tpu.memref_squeeze %dma_start3A_541 : memref<1x256xf32, #tpu.memory_space<vmem>> -> memref<256xf32, #tpu.memory_space<vmem>>
    %dma_start3A_543 = arith.constant 0 : i32
    %dma_start3A_544 = tpu.memref_slice %arg10[%dma_start3A_538, %dma_start3A_543] : memref<16x512xi32, #tpu.memory_space<vmem>> -> memref<1x256xi32, #tpu.memory_space<vmem>>
    %dma_start3A_545 = tpu.memref_squeeze %dma_start3A_544 : memref<1x256xi32, #tpu.memory_space<vmem>> -> memref<256xi32, #tpu.memory_space<vmem>>
    %dma_start3A_546 = arith.constant 0 : i32
    %dma_start3A_547 = tpu.memref_slice %arg4[%dma_start3A_546] : memref<1600000xf32, #tpu.memory_space<hbm>> -> memref<1600000xf32, #tpu.memory_space<hbm>>
    tpu.enqueue_indirect_dma source(%dma_start3A_547 : memref<1600000xf32, #tpu.memory_space<hbm>>) target(%dma_start3A_542 : memref<256xf32, #tpu.memory_space<vmem>>) offsets(%dma_start3A_545 : memref<256xi32, #tpu.memory_space<vmem>>) semaphore(%arg14 : memref<!tpu.dma_semaphore, #tpu.memory_space<semaphore_mem>>)
    %dma_start3A_548 = arith.constant 13 : i32
    %dma_start3A_549 = arith.constant 13 : i32
    %dma_start3A_550 = arith.constant 256 : i32
    %dma_start3A_551 = tpu.memref_slice %arg11[%dma_start3A_549, %dma_start3A_550] : memref<16x512xf32, #tpu.memory_space<vmem>> -> memref<1x256xf32, #tpu.memory_space<vmem>>
    %dma_start3A_552 = tpu.memref_squeeze %dma_start3A_551 : memref<1x256xf32, #tpu.memory_space<vmem>> -> memref<256xf32, #tpu.memory_space<vmem>>
    %dma_start3A_553 = arith.constant 256 : i32
    %dma_start3A_554 = tpu.memref_slice %arg9[%dma_start3A_548, %dma_start3A_553] : memref<16x512xi32, #tpu.memory_space<vmem>> -> memref<1x256xi32, #tpu.memory_space<vmem>>
    %dma_start3A_555 = tpu.memref_squeeze %dma_start3A_554 : memref<1x256xi32, #tpu.memory_space<vmem>> -> memref<256xi32, #tpu.memory_space<vmem>>
    %dma_start3A_556 = arith.constant 0 : i32
    %dma_start3A_557 = tpu.memref_slice %arg4[%dma_start3A_556] : memref<1600000xf32, #tpu.memory_space<hbm>> -> memref<1600000xf32, #tpu.memory_space<hbm>>
    tpu.enqueue_indirect_dma source(%dma_start3A_557 : memref<1600000xf32, #tpu.memory_space<hbm>>) target(%dma_start3A_552 : memref<256xf32, #tpu.memory_space<vmem>>) offsets(%dma_start3A_555 : memref<256xi32, #tpu.memory_space<vmem>>) semaphore(%arg13 : memref<!tpu.dma_semaphore, #tpu.memory_space<semaphore_mem>>)
    %dma_start3A_558 = arith.constant 13 : i32
    %dma_start3A_559 = arith.constant 13 : i32
    %dma_start3A_560 = arith.constant 256 : i32
    %dma_start3A_561 = tpu.memref_slice %arg12[%dma_start3A_559, %dma_start3A_560] : memref<16x512xf32, #tpu.memory_space<vmem>> -> memref<1x256xf32, #tpu.memory_space<vmem>>
    %dma_start3A_562 = tpu.memref_squeeze %dma_start3A_561 : memref<1x256xf32, #tpu.memory_space<vmem>> -> memref<256xf32, #tpu.memory_space<vmem>>
    %dma_start3A_563 = arith.constant 256 : i32
    %dma_start3A_564 = tpu.memref_slice %arg10[%dma_start3A_558, %dma_start3A_563] : memref<16x512xi32, #tpu.memory_space<vmem>> -> memref<1x256xi32, #tpu.memory_space<vmem>>
    %dma_start3A_565 = tpu.memref_squeeze %dma_start3A_564 : memref<1x256xi32, #tpu.memory_space<vmem>> -> memref<256xi32, #tpu.memory_space<vmem>>
    %dma_start3A_566 = arith.constant 0 : i32
    %dma_start3A_567 = tpu.memref_slice %arg4[%dma_start3A_566] : memref<1600000xf32, #tpu.memory_space<hbm>> -> memref<1600000xf32, #tpu.memory_space<hbm>>
    tpu.enqueue_indirect_dma source(%dma_start3A_567 : memref<1600000xf32, #tpu.memory_space<hbm>>) target(%dma_start3A_562 : memref<256xf32, #tpu.memory_space<vmem>>) offsets(%dma_start3A_565 : memref<256xi32, #tpu.memory_space<vmem>>) semaphore(%arg14 : memref<!tpu.dma_semaphore, #tpu.memory_space<semaphore_mem>>)
    %dma_start3A_568 = arith.constant 14 : i32
    %dma_start3A_569 = arith.constant 14 : i32
    %dma_start3A_570 = arith.constant 0 : i32
    %dma_start3A_571 = tpu.memref_slice %arg11[%dma_start3A_569, %dma_start3A_570] : memref<16x512xf32, #tpu.memory_space<vmem>> -> memref<1x256xf32, #tpu.memory_space<vmem>>
    %dma_start3A_572 = tpu.memref_squeeze %dma_start3A_571 : memref<1x256xf32, #tpu.memory_space<vmem>> -> memref<256xf32, #tpu.memory_space<vmem>>
    %dma_start3A_573 = arith.constant 0 : i32
    %dma_start3A_574 = tpu.memref_slice %arg9[%dma_start3A_568, %dma_start3A_573] : memref<16x512xi32, #tpu.memory_space<vmem>> -> memref<1x256xi32, #tpu.memory_space<vmem>>
    %dma_start3A_575 = tpu.memref_squeeze %dma_start3A_574 : memref<1x256xi32, #tpu.memory_space<vmem>> -> memref<256xi32, #tpu.memory_space<vmem>>
    %dma_start3A_576 = arith.constant 0 : i32
    %dma_start3A_577 = tpu.memref_slice %arg4[%dma_start3A_576] : memref<1600000xf32, #tpu.memory_space<hbm>> -> memref<1600000xf32, #tpu.memory_space<hbm>>
    tpu.enqueue_indirect_dma source(%dma_start3A_577 : memref<1600000xf32, #tpu.memory_space<hbm>>) target(%dma_start3A_572 : memref<256xf32, #tpu.memory_space<vmem>>) offsets(%dma_start3A_575 : memref<256xi32, #tpu.memory_space<vmem>>) semaphore(%arg13 : memref<!tpu.dma_semaphore, #tpu.memory_space<semaphore_mem>>)
    %dma_start3A_578 = arith.constant 14 : i32
    %dma_start3A_579 = arith.constant 14 : i32
    %dma_start3A_580 = arith.constant 0 : i32
    %dma_start3A_581 = tpu.memref_slice %arg12[%dma_start3A_579, %dma_start3A_580] : memref<16x512xf32, #tpu.memory_space<vmem>> -> memref<1x256xf32, #tpu.memory_space<vmem>>
    %dma_start3A_582 = tpu.memref_squeeze %dma_start3A_581 : memref<1x256xf32, #tpu.memory_space<vmem>> -> memref<256xf32, #tpu.memory_space<vmem>>
    %dma_start3A_583 = arith.constant 0 : i32
    %dma_start3A_584 = tpu.memref_slice %arg10[%dma_start3A_578, %dma_start3A_583] : memref<16x512xi32, #tpu.memory_space<vmem>> -> memref<1x256xi32, #tpu.memory_space<vmem>>
    %dma_start3A_585 = tpu.memref_squeeze %dma_start3A_584 : memref<1x256xi32, #tpu.memory_space<vmem>> -> memref<256xi32, #tpu.memory_space<vmem>>
    %dma_start3A_586 = arith.constant 0 : i32
    %dma_start3A_587 = tpu.memref_slice %arg4[%dma_start3A_586] : memref<1600000xf32, #tpu.memory_space<hbm>> -> memref<1600000xf32, #tpu.memory_space<hbm>>
    tpu.enqueue_indirect_dma source(%dma_start3A_587 : memref<1600000xf32, #tpu.memory_space<hbm>>) target(%dma_start3A_582 : memref<256xf32, #tpu.memory_space<vmem>>) offsets(%dma_start3A_585 : memref<256xi32, #tpu.memory_space<vmem>>) semaphore(%arg14 : memref<!tpu.dma_semaphore, #tpu.memory_space<semaphore_mem>>)
    %dma_start3A_588 = arith.constant 14 : i32
    %dma_start3A_589 = arith.constant 14 : i32
    %dma_start3A_590 = arith.constant 256 : i32
    %dma_start3A_591 = tpu.memref_slice %arg11[%dma_start3A_589, %dma_start3A_590] : memref<16x512xf32, #tpu.memory_space<vmem>> -> memref<1x256xf32, #tpu.memory_space<vmem>>
    %dma_start3A_592 = tpu.memref_squeeze %dma_start3A_591 : memref<1x256xf32, #tpu.memory_space<vmem>> -> memref<256xf32, #tpu.memory_space<vmem>>
    %dma_start3A_593 = arith.constant 256 : i32
    %dma_start3A_594 = tpu.memref_slice %arg9[%dma_start3A_588, %dma_start3A_593] : memref<16x512xi32, #tpu.memory_space<vmem>> -> memref<1x256xi32, #tpu.memory_space<vmem>>
    %dma_start3A_595 = tpu.memref_squeeze %dma_start3A_594 : memref<1x256xi32, #tpu.memory_space<vmem>> -> memref<256xi32, #tpu.memory_space<vmem>>
    %dma_start3A_596 = arith.constant 0 : i32
    %dma_start3A_597 = tpu.memref_slice %arg4[%dma_start3A_596] : memref<1600000xf32, #tpu.memory_space<hbm>> -> memref<1600000xf32, #tpu.memory_space<hbm>>
    tpu.enqueue_indirect_dma source(%dma_start3A_597 : memref<1600000xf32, #tpu.memory_space<hbm>>) target(%dma_start3A_592 : memref<256xf32, #tpu.memory_space<vmem>>) offsets(%dma_start3A_595 : memref<256xi32, #tpu.memory_space<vmem>>) semaphore(%arg13 : memref<!tpu.dma_semaphore, #tpu.memory_space<semaphore_mem>>)
    %dma_start3A_598 = arith.constant 14 : i32
    %dma_start3A_599 = arith.constant 14 : i32
    %dma_start3A_600 = arith.constant 256 : i32
    %dma_start3A_601 = tpu.memref_slice %arg12[%dma_start3A_599, %dma_start3A_600] : memref<16x512xf32, #tpu.memory_space<vmem>> -> memref<1x256xf32, #tpu.memory_space<vmem>>
    %dma_start3A_602 = tpu.memref_squeeze %dma_start3A_601 : memref<1x256xf32, #tpu.memory_space<vmem>> -> memref<256xf32, #tpu.memory_space<vmem>>
    %dma_start3A_603 = arith.constant 256 : i32
    %dma_start3A_604 = tpu.memref_slice %arg10[%dma_start3A_598, %dma_start3A_603] : memref<16x512xi32, #tpu.memory_space<vmem>> -> memref<1x256xi32, #tpu.memory_space<vmem>>
    %dma_start3A_605 = tpu.memref_squeeze %dma_start3A_604 : memref<1x256xi32, #tpu.memory_space<vmem>> -> memref<256xi32, #tpu.memory_space<vmem>>
    %dma_start3A_606 = arith.constant 0 : i32
    %dma_start3A_607 = tpu.memref_slice %arg4[%dma_start3A_606] : memref<1600000xf32, #tpu.memory_space<hbm>> -> memref<1600000xf32, #tpu.memory_space<hbm>>
    tpu.enqueue_indirect_dma source(%dma_start3A_607 : memref<1600000xf32, #tpu.memory_space<hbm>>) target(%dma_start3A_602 : memref<256xf32, #tpu.memory_space<vmem>>) offsets(%dma_start3A_605 : memref<256xi32, #tpu.memory_space<vmem>>) semaphore(%arg14 : memref<!tpu.dma_semaphore, #tpu.memory_space<semaphore_mem>>)
    %dma_start3A_608 = arith.constant 15 : i32
    %dma_start3A_609 = arith.constant 15 : i32
    %dma_start3A_610 = arith.constant 0 : i32
    %dma_start3A_611 = tpu.memref_slice %arg11[%dma_start3A_609, %dma_start3A_610] : memref<16x512xf32, #tpu.memory_space<vmem>> -> memref<1x256xf32, #tpu.memory_space<vmem>>
    %dma_start3A_612 = tpu.memref_squeeze %dma_start3A_611 : memref<1x256xf32, #tpu.memory_space<vmem>> -> memref<256xf32, #tpu.memory_space<vmem>>
    %dma_start3A_613 = arith.constant 0 : i32
    %dma_start3A_614 = tpu.memref_slice %arg9[%dma_start3A_608, %dma_start3A_613] : memref<16x512xi32, #tpu.memory_space<vmem>> -> memref<1x256xi32, #tpu.memory_space<vmem>>
    %dma_start3A_615 = tpu.memref_squeeze %dma_start3A_614 : memref<1x256xi32, #tpu.memory_space<vmem>> -> memref<256xi32, #tpu.memory_space<vmem>>
    %dma_start3A_616 = arith.constant 0 : i32
    %dma_start3A_617 = tpu.memref_slice %arg4[%dma_start3A_616] : memref<1600000xf32, #tpu.memory_space<hbm>> -> memref<1600000xf32, #tpu.memory_space<hbm>>
    tpu.enqueue_indirect_dma source(%dma_start3A_617 : memref<1600000xf32, #tpu.memory_space<hbm>>) target(%dma_start3A_612 : memref<256xf32, #tpu.memory_space<vmem>>) offsets(%dma_start3A_615 : memref<256xi32, #tpu.memory_space<vmem>>) semaphore(%arg13 : memref<!tpu.dma_semaphore, #tpu.memory_space<semaphore_mem>>)
    %dma_start3A_618 = arith.constant 15 : i32
    %dma_start3A_619 = arith.constant 15 : i32
    %dma_start3A_620 = arith.constant 0 : i32
    %dma_start3A_621 = tpu.memref_slice %arg12[%dma_start3A_619, %dma_start3A_620] : memref<16x512xf32, #tpu.memory_space<vmem>> -> memref<1x256xf32, #tpu.memory_space<vmem>>
    %dma_start3A_622 = tpu.memref_squeeze %dma_start3A_621 : memref<1x256xf32, #tpu.memory_space<vmem>> -> memref<256xf32, #tpu.memory_space<vmem>>
    %dma_start3A_623 = arith.constant 0 : i32
    %dma_start3A_624 = tpu.memref_slice %arg10[%dma_start3A_618, %dma_start3A_623] : memref<16x512xi32, #tpu.memory_space<vmem>> -> memref<1x256xi32, #tpu.memory_space<vmem>>
    %dma_start3A_625 = tpu.memref_squeeze %dma_start3A_624 : memref<1x256xi32, #tpu.memory_space<vmem>> -> memref<256xi32, #tpu.memory_space<vmem>>
    %dma_start3A_626 = arith.constant 0 : i32
    %dma_start3A_627 = tpu.memref_slice %arg4[%dma_start3A_626] : memref<1600000xf32, #tpu.memory_space<hbm>> -> memref<1600000xf32, #tpu.memory_space<hbm>>
    tpu.enqueue_indirect_dma source(%dma_start3A_627 : memref<1600000xf32, #tpu.memory_space<hbm>>) target(%dma_start3A_622 : memref<256xf32, #tpu.memory_space<vmem>>) offsets(%dma_start3A_625 : memref<256xi32, #tpu.memory_space<vmem>>) semaphore(%arg14 : memref<!tpu.dma_semaphore, #tpu.memory_space<semaphore_mem>>)
    %dma_start3A_628 = arith.constant 15 : i32
    %dma_start3A_629 = arith.constant 15 : i32
    %dma_start3A_630 = arith.constant 256 : i32
    %dma_start3A_631 = tpu.memref_slice %arg11[%dma_start3A_629, %dma_start3A_630] : memref<16x512xf32, #tpu.memory_space<vmem>> -> memref<1x256xf32, #tpu.memory_space<vmem>>
    %dma_start3A_632 = tpu.memref_squeeze %dma_start3A_631 : memref<1x256xf32, #tpu.memory_space<vmem>> -> memref<256xf32, #tpu.memory_space<vmem>>
    %dma_start3A_633 = arith.constant 256 : i32
    %dma_start3A_634 = tpu.memref_slice %arg9[%dma_start3A_628, %dma_start3A_633] : memref<16x512xi32, #tpu.memory_space<vmem>> -> memref<1x256xi32, #tpu.memory_space<vmem>>
    %dma_start3A_635 = tpu.memref_squeeze %dma_start3A_634 : memref<1x256xi32, #tpu.memory_space<vmem>> -> memref<256xi32, #tpu.memory_space<vmem>>
    %dma_start3A_636 = arith.constant 0 : i32
    %dma_start3A_637 = tpu.memref_slice %arg4[%dma_start3A_636] : memref<1600000xf32, #tpu.memory_space<hbm>> -> memref<1600000xf32, #tpu.memory_space<hbm>>
    tpu.enqueue_indirect_dma source(%dma_start3A_637 : memref<1600000xf32, #tpu.memory_space<hbm>>) target(%dma_start3A_632 : memref<256xf32, #tpu.memory_space<vmem>>) offsets(%dma_start3A_635 : memref<256xi32, #tpu.memory_space<vmem>>) semaphore(%arg13 : memref<!tpu.dma_semaphore, #tpu.memory_space<semaphore_mem>>)
    %dma_start3A_638 = arith.constant 15 : i32
    %dma_start3A_639 = arith.constant 15 : i32
    %dma_start3A_640 = arith.constant 256 : i32
    %dma_start3A_641 = tpu.memref_slice %arg12[%dma_start3A_639, %dma_start3A_640] : memref<16x512xf32, #tpu.memory_space<vmem>> -> memref<1x256xf32, #tpu.memory_space<vmem>>
    %dma_start3A_642 = tpu.memref_squeeze %dma_start3A_641 : memref<1x256xf32, #tpu.memory_space<vmem>> -> memref<256xf32, #tpu.memory_space<vmem>>
    %dma_start3A_643 = arith.constant 256 : i32
    %dma_start3A_644 = tpu.memref_slice %arg10[%dma_start3A_638, %dma_start3A_643] : memref<16x512xi32, #tpu.memory_space<vmem>> -> memref<1x256xi32, #tpu.memory_space<vmem>>
    %dma_start3A_645 = tpu.memref_squeeze %dma_start3A_644 : memref<1x256xi32, #tpu.memory_space<vmem>> -> memref<256xi32, #tpu.memory_space<vmem>>
    %dma_start3A_646 = arith.constant 0 : i32
    %dma_start3A_647 = tpu.memref_slice %arg4[%dma_start3A_646] : memref<1600000xf32, #tpu.memory_space<hbm>> -> memref<1600000xf32, #tpu.memory_space<hbm>>
    tpu.enqueue_indirect_dma source(%dma_start3A_647 : memref<1600000xf32, #tpu.memory_space<hbm>>) target(%dma_start3A_642 : memref<256xf32, #tpu.memory_space<vmem>>) offsets(%dma_start3A_645 : memref<256xi32, #tpu.memory_space<vmem>>) semaphore(%arg14 : memref<!tpu.dma_semaphore, #tpu.memory_space<semaphore_mem>>)
    %dma_wait3A = arith.constant 0 : i32
    %dma_wait3A_648 = arith.constant 0 : i32
    %dma_wait3A_649 = arith.constant 0 : i32
    %dma_wait3A_650 = tpu.memref_slice %arg11[%dma_wait3A_648, %dma_wait3A_649] : memref<16x512xf32, #tpu.memory_space<vmem>> -> memref<1x256xf32, #tpu.memory_space<vmem>>
    %dma_wait3A_651 = tpu.memref_squeeze %dma_wait3A_650 : memref<1x256xf32, #tpu.memory_space<vmem>> -> memref<256xf32, #tpu.memory_space<vmem>>
    %dma_wait3A_652 = arith.constant 0 : i32
    %dma_wait3A_653 = tpu.memref_slice %arg9[%dma_wait3A, %dma_wait3A_652] : memref<16x512xi32, #tpu.memory_space<vmem>> -> memref<1x256xi32, #tpu.memory_space<vmem>>
    %dma_wait3A_654 = tpu.memref_squeeze %dma_wait3A_653 : memref<1x256xi32, #tpu.memory_space<vmem>> -> memref<256xi32, #tpu.memory_space<vmem>>
    %dma_wait3A_655 = arith.constant 0 : i32
    %dma_wait3A_656 = tpu.memref_slice %arg4[%dma_wait3A_655] : memref<1600000xf32, #tpu.memory_space<hbm>> -> memref<1600000xf32, #tpu.memory_space<hbm>>
    tpu.wait_indirect_dma semaphore(%arg13 : memref<!tpu.dma_semaphore, #tpu.memory_space<semaphore_mem>>) src(%dma_wait3A_656 : memref<1600000xf32, #tpu.memory_space<hbm>>) dst(%dma_wait3A_651 : memref<256xf32, #tpu.memory_space<vmem>>)
    %dma_wait3A_657 = arith.constant 0 : i32
    %dma_wait3A_658 = arith.constant 0 : i32
    %dma_wait3A_659 = arith.constant 0 : i32
    %dma_wait3A_660 = tpu.memref_slice %arg12[%dma_wait3A_658, %dma_wait3A_659] : memref<16x512xf32, #tpu.memory_space<vmem>> -> memref<1x256xf32, #tpu.memory_space<vmem>>
    %dma_wait3A_661 = tpu.memref_squeeze %dma_wait3A_660 : memref<1x256xf32, #tpu.memory_space<vmem>> -> memref<256xf32, #tpu.memory_space<vmem>>
    %dma_wait3A_662 = arith.constant 0 : i32
    %dma_wait3A_663 = tpu.memref_slice %arg10[%dma_wait3A_657, %dma_wait3A_662] : memref<16x512xi32, #tpu.memory_space<vmem>> -> memref<1x256xi32, #tpu.memory_space<vmem>>
    %dma_wait3A_664 = tpu.memref_squeeze %dma_wait3A_663 : memref<1x256xi32, #tpu.memory_space<vmem>> -> memref<256xi32, #tpu.memory_space<vmem>>
    %dma_wait3A_665 = arith.constant 0 : i32
    %dma_wait3A_666 = tpu.memref_slice %arg4[%dma_wait3A_665] : memref<1600000xf32, #tpu.memory_space<hbm>> -> memref<1600000xf32, #tpu.memory_space<hbm>>
    tpu.wait_indirect_dma semaphore(%arg14 : memref<!tpu.dma_semaphore, #tpu.memory_space<semaphore_mem>>) src(%dma_wait3A_666 : memref<1600000xf32, #tpu.memory_space<hbm>>) dst(%dma_wait3A_661 : memref<256xf32, #tpu.memory_space<vmem>>)
    %dma_wait3A_667 = arith.constant 0 : i32
    %dma_wait3A_668 = arith.constant 0 : i32
    %dma_wait3A_669 = arith.constant 256 : i32
    %dma_wait3A_670 = tpu.memref_slice %arg11[%dma_wait3A_668, %dma_wait3A_669] : memref<16x512xf32, #tpu.memory_space<vmem>> -> memref<1x256xf32, #tpu.memory_space<vmem>>
    %dma_wait3A_671 = tpu.memref_squeeze %dma_wait3A_670 : memref<1x256xf32, #tpu.memory_space<vmem>> -> memref<256xf32, #tpu.memory_space<vmem>>
    %dma_wait3A_672 = arith.constant 256 : i32
    %dma_wait3A_673 = tpu.memref_slice %arg9[%dma_wait3A_667, %dma_wait3A_672] : memref<16x512xi32, #tpu.memory_space<vmem>> -> memref<1x256xi32, #tpu.memory_space<vmem>>
    %dma_wait3A_674 = tpu.memref_squeeze %dma_wait3A_673 : memref<1x256xi32, #tpu.memory_space<vmem>> -> memref<256xi32, #tpu.memory_space<vmem>>
    %dma_wait3A_675 = arith.constant 0 : i32
    %dma_wait3A_676 = tpu.memref_slice %arg4[%dma_wait3A_675] : memref<1600000xf32, #tpu.memory_space<hbm>> -> memref<1600000xf32, #tpu.memory_space<hbm>>
    tpu.wait_indirect_dma semaphore(%arg13 : memref<!tpu.dma_semaphore, #tpu.memory_space<semaphore_mem>>) src(%dma_wait3A_676 : memref<1600000xf32, #tpu.memory_space<hbm>>) dst(%dma_wait3A_671 : memref<256xf32, #tpu.memory_space<vmem>>)
    %dma_wait3A_677 = arith.constant 0 : i32
    %dma_wait3A_678 = arith.constant 0 : i32
    %dma_wait3A_679 = arith.constant 256 : i32
    %dma_wait3A_680 = tpu.memref_slice %arg12[%dma_wait3A_678, %dma_wait3A_679] : memref<16x512xf32, #tpu.memory_space<vmem>> -> memref<1x256xf32, #tpu.memory_space<vmem>>
    %dma_wait3A_681 = tpu.memref_squeeze %dma_wait3A_680 : memref<1x256xf32, #tpu.memory_space<vmem>> -> memref<256xf32, #tpu.memory_space<vmem>>
    %dma_wait3A_682 = arith.constant 256 : i32
    %dma_wait3A_683 = tpu.memref_slice %arg10[%dma_wait3A_677, %dma_wait3A_682] : memref<16x512xi32, #tpu.memory_space<vmem>> -> memref<1x256xi32, #tpu.memory_space<vmem>>
    %dma_wait3A_684 = tpu.memref_squeeze %dma_wait3A_683 : memref<1x256xi32, #tpu.memory_space<vmem>> -> memref<256xi32, #tpu.memory_space<vmem>>
    %dma_wait3A_685 = arith.constant 0 : i32
    %dma_wait3A_686 = tpu.memref_slice %arg4[%dma_wait3A_685] : memref<1600000xf32, #tpu.memory_space<hbm>> -> memref<1600000xf32, #tpu.memory_space<hbm>>
    tpu.wait_indirect_dma semaphore(%arg14 : memref<!tpu.dma_semaphore, #tpu.memory_space<semaphore_mem>>) src(%dma_wait3A_686 : memref<1600000xf32, #tpu.memory_space<hbm>>) dst(%dma_wait3A_681 : memref<256xf32, #tpu.memory_space<vmem>>)
    %dma_wait3A_687 = arith.constant 1 : i32
    %dma_wait3A_688 = arith.constant 1 : i32
    %dma_wait3A_689 = arith.constant 0 : i32
    %dma_wait3A_690 = tpu.memref_slice %arg11[%dma_wait3A_688, %dma_wait3A_689] : memref<16x512xf32, #tpu.memory_space<vmem>> -> memref<1x256xf32, #tpu.memory_space<vmem>>
    %dma_wait3A_691 = tpu.memref_squeeze %dma_wait3A_690 : memref<1x256xf32, #tpu.memory_space<vmem>> -> memref<256xf32, #tpu.memory_space<vmem>>
    %dma_wait3A_692 = arith.constant 0 : i32
    %dma_wait3A_693 = tpu.memref_slice %arg9[%dma_wait3A_687, %dma_wait3A_692] : memref<16x512xi32, #tpu.memory_space<vmem>> -> memref<1x256xi32, #tpu.memory_space<vmem>>
    %dma_wait3A_694 = tpu.memref_squeeze %dma_wait3A_693 : memref<1x256xi32, #tpu.memory_space<vmem>> -> memref<256xi32, #tpu.memory_space<vmem>>
    %dma_wait3A_695 = arith.constant 0 : i32
    %dma_wait3A_696 = tpu.memref_slice %arg4[%dma_wait3A_695] : memref<1600000xf32, #tpu.memory_space<hbm>> -> memref<1600000xf32, #tpu.memory_space<hbm>>
    tpu.wait_indirect_dma semaphore(%arg13 : memref<!tpu.dma_semaphore, #tpu.memory_space<semaphore_mem>>) src(%dma_wait3A_696 : memref<1600000xf32, #tpu.memory_space<hbm>>) dst(%dma_wait3A_691 : memref<256xf32, #tpu.memory_space<vmem>>)
    %dma_wait3A_697 = arith.constant 1 : i32
    %dma_wait3A_698 = arith.constant 1 : i32
    %dma_wait3A_699 = arith.constant 0 : i32
    %dma_wait3A_700 = tpu.memref_slice %arg12[%dma_wait3A_698, %dma_wait3A_699] : memref<16x512xf32, #tpu.memory_space<vmem>> -> memref<1x256xf32, #tpu.memory_space<vmem>>
    %dma_wait3A_701 = tpu.memref_squeeze %dma_wait3A_700 : memref<1x256xf32, #tpu.memory_space<vmem>> -> memref<256xf32, #tpu.memory_space<vmem>>
    %dma_wait3A_702 = arith.constant 0 : i32
    %dma_wait3A_703 = tpu.memref_slice %arg10[%dma_wait3A_697, %dma_wait3A_702] : memref<16x512xi32, #tpu.memory_space<vmem>> -> memref<1x256xi32, #tpu.memory_space<vmem>>
    %dma_wait3A_704 = tpu.memref_squeeze %dma_wait3A_703 : memref<1x256xi32, #tpu.memory_space<vmem>> -> memref<256xi32, #tpu.memory_space<vmem>>
    %dma_wait3A_705 = arith.constant 0 : i32
    %dma_wait3A_706 = tpu.memref_slice %arg4[%dma_wait3A_705] : memref<1600000xf32, #tpu.memory_space<hbm>> -> memref<1600000xf32, #tpu.memory_space<hbm>>
    tpu.wait_indirect_dma semaphore(%arg14 : memref<!tpu.dma_semaphore, #tpu.memory_space<semaphore_mem>>) src(%dma_wait3A_706 : memref<1600000xf32, #tpu.memory_space<hbm>>) dst(%dma_wait3A_701 : memref<256xf32, #tpu.memory_space<vmem>>)
    %dma_wait3A_707 = arith.constant 1 : i32
    %dma_wait3A_708 = arith.constant 1 : i32
    %dma_wait3A_709 = arith.constant 256 : i32
    %dma_wait3A_710 = tpu.memref_slice %arg11[%dma_wait3A_708, %dma_wait3A_709] : memref<16x512xf32, #tpu.memory_space<vmem>> -> memref<1x256xf32, #tpu.memory_space<vmem>>
    %dma_wait3A_711 = tpu.memref_squeeze %dma_wait3A_710 : memref<1x256xf32, #tpu.memory_space<vmem>> -> memref<256xf32, #tpu.memory_space<vmem>>
    %dma_wait3A_712 = arith.constant 256 : i32
    %dma_wait3A_713 = tpu.memref_slice %arg9[%dma_wait3A_707, %dma_wait3A_712] : memref<16x512xi32, #tpu.memory_space<vmem>> -> memref<1x256xi32, #tpu.memory_space<vmem>>
    %dma_wait3A_714 = tpu.memref_squeeze %dma_wait3A_713 : memref<1x256xi32, #tpu.memory_space<vmem>> -> memref<256xi32, #tpu.memory_space<vmem>>
    %dma_wait3A_715 = arith.constant 0 : i32
    %dma_wait3A_716 = tpu.memref_slice %arg4[%dma_wait3A_715] : memref<1600000xf32, #tpu.memory_space<hbm>> -> memref<1600000xf32, #tpu.memory_space<hbm>>
    tpu.wait_indirect_dma semaphore(%arg13 : memref<!tpu.dma_semaphore, #tpu.memory_space<semaphore_mem>>) src(%dma_wait3A_716 : memref<1600000xf32, #tpu.memory_space<hbm>>) dst(%dma_wait3A_711 : memref<256xf32, #tpu.memory_space<vmem>>)
    %dma_wait3A_717 = arith.constant 1 : i32
    %dma_wait3A_718 = arith.constant 1 : i32
    %dma_wait3A_719 = arith.constant 256 : i32
    %dma_wait3A_720 = tpu.memref_slice %arg12[%dma_wait3A_718, %dma_wait3A_719] : memref<16x512xf32, #tpu.memory_space<vmem>> -> memref<1x256xf32, #tpu.memory_space<vmem>>
    %dma_wait3A_721 = tpu.memref_squeeze %dma_wait3A_720 : memref<1x256xf32, #tpu.memory_space<vmem>> -> memref<256xf32, #tpu.memory_space<vmem>>
    %dma_wait3A_722 = arith.constant 256 : i32
    %dma_wait3A_723 = tpu.memref_slice %arg10[%dma_wait3A_717, %dma_wait3A_722] : memref<16x512xi32, #tpu.memory_space<vmem>> -> memref<1x256xi32, #tpu.memory_space<vmem>>
    %dma_wait3A_724 = tpu.memref_squeeze %dma_wait3A_723 : memref<1x256xi32, #tpu.memory_space<vmem>> -> memref<256xi32, #tpu.memory_space<vmem>>
    %dma_wait3A_725 = arith.constant 0 : i32
    %dma_wait3A_726 = tpu.memref_slice %arg4[%dma_wait3A_725] : memref<1600000xf32, #tpu.memory_space<hbm>> -> memref<1600000xf32, #tpu.memory_space<hbm>>
    tpu.wait_indirect_dma semaphore(%arg14 : memref<!tpu.dma_semaphore, #tpu.memory_space<semaphore_mem>>) src(%dma_wait3A_726 : memref<1600000xf32, #tpu.memory_space<hbm>>) dst(%dma_wait3A_721 : memref<256xf32, #tpu.memory_space<vmem>>)
    %dma_wait3A_727 = arith.constant 2 : i32
    %dma_wait3A_728 = arith.constant 2 : i32
    %dma_wait3A_729 = arith.constant 0 : i32
    %dma_wait3A_730 = tpu.memref_slice %arg11[%dma_wait3A_728, %dma_wait3A_729] : memref<16x512xf32, #tpu.memory_space<vmem>> -> memref<1x256xf32, #tpu.memory_space<vmem>>
    %dma_wait3A_731 = tpu.memref_squeeze %dma_wait3A_730 : memref<1x256xf32, #tpu.memory_space<vmem>> -> memref<256xf32, #tpu.memory_space<vmem>>
    %dma_wait3A_732 = arith.constant 0 : i32
    %dma_wait3A_733 = tpu.memref_slice %arg9[%dma_wait3A_727, %dma_wait3A_732] : memref<16x512xi32, #tpu.memory_space<vmem>> -> memref<1x256xi32, #tpu.memory_space<vmem>>
    %dma_wait3A_734 = tpu.memref_squeeze %dma_wait3A_733 : memref<1x256xi32, #tpu.memory_space<vmem>> -> memref<256xi32, #tpu.memory_space<vmem>>
    %dma_wait3A_735 = arith.constant 0 : i32
    %dma_wait3A_736 = tpu.memref_slice %arg4[%dma_wait3A_735] : memref<1600000xf32, #tpu.memory_space<hbm>> -> memref<1600000xf32, #tpu.memory_space<hbm>>
    tpu.wait_indirect_dma semaphore(%arg13 : memref<!tpu.dma_semaphore, #tpu.memory_space<semaphore_mem>>) src(%dma_wait3A_736 : memref<1600000xf32, #tpu.memory_space<hbm>>) dst(%dma_wait3A_731 : memref<256xf32, #tpu.memory_space<vmem>>)
    %dma_wait3A_737 = arith.constant 2 : i32
    %dma_wait3A_738 = arith.constant 2 : i32
    %dma_wait3A_739 = arith.constant 0 : i32
    %dma_wait3A_740 = tpu.memref_slice %arg12[%dma_wait3A_738, %dma_wait3A_739] : memref<16x512xf32, #tpu.memory_space<vmem>> -> memref<1x256xf32, #tpu.memory_space<vmem>>
    %dma_wait3A_741 = tpu.memref_squeeze %dma_wait3A_740 : memref<1x256xf32, #tpu.memory_space<vmem>> -> memref<256xf32, #tpu.memory_space<vmem>>
    %dma_wait3A_742 = arith.constant 0 : i32
    %dma_wait3A_743 = tpu.memref_slice %arg10[%dma_wait3A_737, %dma_wait3A_742] : memref<16x512xi32, #tpu.memory_space<vmem>> -> memref<1x256xi32, #tpu.memory_space<vmem>>
    %dma_wait3A_744 = tpu.memref_squeeze %dma_wait3A_743 : memref<1x256xi32, #tpu.memory_space<vmem>> -> memref<256xi32, #tpu.memory_space<vmem>>
    %dma_wait3A_745 = arith.constant 0 : i32
    %dma_wait3A_746 = tpu.memref_slice %arg4[%dma_wait3A_745] : memref<1600000xf32, #tpu.memory_space<hbm>> -> memref<1600000xf32, #tpu.memory_space<hbm>>
    tpu.wait_indirect_dma semaphore(%arg14 : memref<!tpu.dma_semaphore, #tpu.memory_space<semaphore_mem>>) src(%dma_wait3A_746 : memref<1600000xf32, #tpu.memory_space<hbm>>) dst(%dma_wait3A_741 : memref<256xf32, #tpu.memory_space<vmem>>)
    %dma_wait3A_747 = arith.constant 2 : i32
    %dma_wait3A_748 = arith.constant 2 : i32
    %dma_wait3A_749 = arith.constant 256 : i32
    %dma_wait3A_750 = tpu.memref_slice %arg11[%dma_wait3A_748, %dma_wait3A_749] : memref<16x512xf32, #tpu.memory_space<vmem>> -> memref<1x256xf32, #tpu.memory_space<vmem>>
    %dma_wait3A_751 = tpu.memref_squeeze %dma_wait3A_750 : memref<1x256xf32, #tpu.memory_space<vmem>> -> memref<256xf32, #tpu.memory_space<vmem>>
    %dma_wait3A_752 = arith.constant 256 : i32
    %dma_wait3A_753 = tpu.memref_slice %arg9[%dma_wait3A_747, %dma_wait3A_752] : memref<16x512xi32, #tpu.memory_space<vmem>> -> memref<1x256xi32, #tpu.memory_space<vmem>>
    %dma_wait3A_754 = tpu.memref_squeeze %dma_wait3A_753 : memref<1x256xi32, #tpu.memory_space<vmem>> -> memref<256xi32, #tpu.memory_space<vmem>>
    %dma_wait3A_755 = arith.constant 0 : i32
    %dma_wait3A_756 = tpu.memref_slice %arg4[%dma_wait3A_755] : memref<1600000xf32, #tpu.memory_space<hbm>> -> memref<1600000xf32, #tpu.memory_space<hbm>>
    tpu.wait_indirect_dma semaphore(%arg13 : memref<!tpu.dma_semaphore, #tpu.memory_space<semaphore_mem>>) src(%dma_wait3A_756 : memref<1600000xf32, #tpu.memory_space<hbm>>) dst(%dma_wait3A_751 : memref<256xf32, #tpu.memory_space<vmem>>)
    %dma_wait3A_757 = arith.constant 2 : i32
    %dma_wait3A_758 = arith.constant 2 : i32
    %dma_wait3A_759 = arith.constant 256 : i32
    %dma_wait3A_760 = tpu.memref_slice %arg12[%dma_wait3A_758, %dma_wait3A_759] : memref<16x512xf32, #tpu.memory_space<vmem>> -> memref<1x256xf32, #tpu.memory_space<vmem>>
    %dma_wait3A_761 = tpu.memref_squeeze %dma_wait3A_760 : memref<1x256xf32, #tpu.memory_space<vmem>> -> memref<256xf32, #tpu.memory_space<vmem>>
    %dma_wait3A_762 = arith.constant 256 : i32
    %dma_wait3A_763 = tpu.memref_slice %arg10[%dma_wait3A_757, %dma_wait3A_762] : memref<16x512xi32, #tpu.memory_space<vmem>> -> memref<1x256xi32, #tpu.memory_space<vmem>>
    %dma_wait3A_764 = tpu.memref_squeeze %dma_wait3A_763 : memref<1x256xi32, #tpu.memory_space<vmem>> -> memref<256xi32, #tpu.memory_space<vmem>>
    %dma_wait3A_765 = arith.constant 0 : i32
    %dma_wait3A_766 = tpu.memref_slice %arg4[%dma_wait3A_765] : memref<1600000xf32, #tpu.memory_space<hbm>> -> memref<1600000xf32, #tpu.memory_space<hbm>>
    tpu.wait_indirect_dma semaphore(%arg14 : memref<!tpu.dma_semaphore, #tpu.memory_space<semaphore_mem>>) src(%dma_wait3A_766 : memref<1600000xf32, #tpu.memory_space<hbm>>) dst(%dma_wait3A_761 : memref<256xf32, #tpu.memory_space<vmem>>)
    %dma_wait3A_767 = arith.constant 3 : i32
    %dma_wait3A_768 = arith.constant 3 : i32
    %dma_wait3A_769 = arith.constant 0 : i32
    %dma_wait3A_770 = tpu.memref_slice %arg11[%dma_wait3A_768, %dma_wait3A_769] : memref<16x512xf32, #tpu.memory_space<vmem>> -> memref<1x256xf32, #tpu.memory_space<vmem>>
    %dma_wait3A_771 = tpu.memref_squeeze %dma_wait3A_770 : memref<1x256xf32, #tpu.memory_space<vmem>> -> memref<256xf32, #tpu.memory_space<vmem>>
    %dma_wait3A_772 = arith.constant 0 : i32
    %dma_wait3A_773 = tpu.memref_slice %arg9[%dma_wait3A_767, %dma_wait3A_772] : memref<16x512xi32, #tpu.memory_space<vmem>> -> memref<1x256xi32, #tpu.memory_space<vmem>>
    %dma_wait3A_774 = tpu.memref_squeeze %dma_wait3A_773 : memref<1x256xi32, #tpu.memory_space<vmem>> -> memref<256xi32, #tpu.memory_space<vmem>>
    %dma_wait3A_775 = arith.constant 0 : i32
    %dma_wait3A_776 = tpu.memref_slice %arg4[%dma_wait3A_775] : memref<1600000xf32, #tpu.memory_space<hbm>> -> memref<1600000xf32, #tpu.memory_space<hbm>>
    tpu.wait_indirect_dma semaphore(%arg13 : memref<!tpu.dma_semaphore, #tpu.memory_space<semaphore_mem>>) src(%dma_wait3A_776 : memref<1600000xf32, #tpu.memory_space<hbm>>) dst(%dma_wait3A_771 : memref<256xf32, #tpu.memory_space<vmem>>)
    %dma_wait3A_777 = arith.constant 3 : i32
    %dma_wait3A_778 = arith.constant 3 : i32
    %dma_wait3A_779 = arith.constant 0 : i32
    %dma_wait3A_780 = tpu.memref_slice %arg12[%dma_wait3A_778, %dma_wait3A_779] : memref<16x512xf32, #tpu.memory_space<vmem>> -> memref<1x256xf32, #tpu.memory_space<vmem>>
    %dma_wait3A_781 = tpu.memref_squeeze %dma_wait3A_780 : memref<1x256xf32, #tpu.memory_space<vmem>> -> memref<256xf32, #tpu.memory_space<vmem>>
    %dma_wait3A_782 = arith.constant 0 : i32
    %dma_wait3A_783 = tpu.memref_slice %arg10[%dma_wait3A_777, %dma_wait3A_782] : memref<16x512xi32, #tpu.memory_space<vmem>> -> memref<1x256xi32, #tpu.memory_space<vmem>>
    %dma_wait3A_784 = tpu.memref_squeeze %dma_wait3A_783 : memref<1x256xi32, #tpu.memory_space<vmem>> -> memref<256xi32, #tpu.memory_space<vmem>>
    %dma_wait3A_785 = arith.constant 0 : i32
    %dma_wait3A_786 = tpu.memref_slice %arg4[%dma_wait3A_785] : memref<1600000xf32, #tpu.memory_space<hbm>> -> memref<1600000xf32, #tpu.memory_space<hbm>>
    tpu.wait_indirect_dma semaphore(%arg14 : memref<!tpu.dma_semaphore, #tpu.memory_space<semaphore_mem>>) src(%dma_wait3A_786 : memref<1600000xf32, #tpu.memory_space<hbm>>) dst(%dma_wait3A_781 : memref<256xf32, #tpu.memory_space<vmem>>)
    %dma_wait3A_787 = arith.constant 3 : i32
    %dma_wait3A_788 = arith.constant 3 : i32
    %dma_wait3A_789 = arith.constant 256 : i32
    %dma_wait3A_790 = tpu.memref_slice %arg11[%dma_wait3A_788, %dma_wait3A_789] : memref<16x512xf32, #tpu.memory_space<vmem>> -> memref<1x256xf32, #tpu.memory_space<vmem>>
    %dma_wait3A_791 = tpu.memref_squeeze %dma_wait3A_790 : memref<1x256xf32, #tpu.memory_space<vmem>> -> memref<256xf32, #tpu.memory_space<vmem>>
    %dma_wait3A_792 = arith.constant 256 : i32
    %dma_wait3A_793 = tpu.memref_slice %arg9[%dma_wait3A_787, %dma_wait3A_792] : memref<16x512xi32, #tpu.memory_space<vmem>> -> memref<1x256xi32, #tpu.memory_space<vmem>>
    %dma_wait3A_794 = tpu.memref_squeeze %dma_wait3A_793 : memref<1x256xi32, #tpu.memory_space<vmem>> -> memref<256xi32, #tpu.memory_space<vmem>>
    %dma_wait3A_795 = arith.constant 0 : i32
    %dma_wait3A_796 = tpu.memref_slice %arg4[%dma_wait3A_795] : memref<1600000xf32, #tpu.memory_space<hbm>> -> memref<1600000xf32, #tpu.memory_space<hbm>>
    tpu.wait_indirect_dma semaphore(%arg13 : memref<!tpu.dma_semaphore, #tpu.memory_space<semaphore_mem>>) src(%dma_wait3A_796 : memref<1600000xf32, #tpu.memory_space<hbm>>) dst(%dma_wait3A_791 : memref<256xf32, #tpu.memory_space<vmem>>)
    %dma_wait3A_797 = arith.constant 3 : i32
    %dma_wait3A_798 = arith.constant 3 : i32
    %dma_wait3A_799 = arith.constant 256 : i32
    %dma_wait3A_800 = tpu.memref_slice %arg12[%dma_wait3A_798, %dma_wait3A_799] : memref<16x512xf32, #tpu.memory_space<vmem>> -> memref<1x256xf32, #tpu.memory_space<vmem>>
    %dma_wait3A_801 = tpu.memref_squeeze %dma_wait3A_800 : memref<1x256xf32, #tpu.memory_space<vmem>> -> memref<256xf32, #tpu.memory_space<vmem>>
    %dma_wait3A_802 = arith.constant 256 : i32
    %dma_wait3A_803 = tpu.memref_slice %arg10[%dma_wait3A_797, %dma_wait3A_802] : memref<16x512xi32, #tpu.memory_space<vmem>> -> memref<1x256xi32, #tpu.memory_space<vmem>>
    %dma_wait3A_804 = tpu.memref_squeeze %dma_wait3A_803 : memref<1x256xi32, #tpu.memory_space<vmem>> -> memref<256xi32, #tpu.memory_space<vmem>>
    %dma_wait3A_805 = arith.constant 0 : i32
    %dma_wait3A_806 = tpu.memref_slice %arg4[%dma_wait3A_805] : memref<1600000xf32, #tpu.memory_space<hbm>> -> memref<1600000xf32, #tpu.memory_space<hbm>>
    tpu.wait_indirect_dma semaphore(%arg14 : memref<!tpu.dma_semaphore, #tpu.memory_space<semaphore_mem>>) src(%dma_wait3A_806 : memref<1600000xf32, #tpu.memory_space<hbm>>) dst(%dma_wait3A_801 : memref<256xf32, #tpu.memory_space<vmem>>)
    %dma_wait3A_807 = arith.constant 4 : i32
    %dma_wait3A_808 = arith.constant 4 : i32
    %dma_wait3A_809 = arith.constant 0 : i32
    %dma_wait3A_810 = tpu.memref_slice %arg11[%dma_wait3A_808, %dma_wait3A_809] : memref<16x512xf32, #tpu.memory_space<vmem>> -> memref<1x256xf32, #tpu.memory_space<vmem>>
    %dma_wait3A_811 = tpu.memref_squeeze %dma_wait3A_810 : memref<1x256xf32, #tpu.memory_space<vmem>> -> memref<256xf32, #tpu.memory_space<vmem>>
    %dma_wait3A_812 = arith.constant 0 : i32
    %dma_wait3A_813 = tpu.memref_slice %arg9[%dma_wait3A_807, %dma_wait3A_812] : memref<16x512xi32, #tpu.memory_space<vmem>> -> memref<1x256xi32, #tpu.memory_space<vmem>>
    %dma_wait3A_814 = tpu.memref_squeeze %dma_wait3A_813 : memref<1x256xi32, #tpu.memory_space<vmem>> -> memref<256xi32, #tpu.memory_space<vmem>>
    %dma_wait3A_815 = arith.constant 0 : i32
    %dma_wait3A_816 = tpu.memref_slice %arg4[%dma_wait3A_815] : memref<1600000xf32, #tpu.memory_space<hbm>> -> memref<1600000xf32, #tpu.memory_space<hbm>>
    tpu.wait_indirect_dma semaphore(%arg13 : memref<!tpu.dma_semaphore, #tpu.memory_space<semaphore_mem>>) src(%dma_wait3A_816 : memref<1600000xf32, #tpu.memory_space<hbm>>) dst(%dma_wait3A_811 : memref<256xf32, #tpu.memory_space<vmem>>)
    %dma_wait3A_817 = arith.constant 4 : i32
    %dma_wait3A_818 = arith.constant 4 : i32
    %dma_wait3A_819 = arith.constant 0 : i32
    %dma_wait3A_820 = tpu.memref_slice %arg12[%dma_wait3A_818, %dma_wait3A_819] : memref<16x512xf32, #tpu.memory_space<vmem>> -> memref<1x256xf32, #tpu.memory_space<vmem>>
    %dma_wait3A_821 = tpu.memref_squeeze %dma_wait3A_820 : memref<1x256xf32, #tpu.memory_space<vmem>> -> memref<256xf32, #tpu.memory_space<vmem>>
    %dma_wait3A_822 = arith.constant 0 : i32
    %dma_wait3A_823 = tpu.memref_slice %arg10[%dma_wait3A_817, %dma_wait3A_822] : memref<16x512xi32, #tpu.memory_space<vmem>> -> memref<1x256xi32, #tpu.memory_space<vmem>>
    %dma_wait3A_824 = tpu.memref_squeeze %dma_wait3A_823 : memref<1x256xi32, #tpu.memory_space<vmem>> -> memref<256xi32, #tpu.memory_space<vmem>>
    %dma_wait3A_825 = arith.constant 0 : i32
    %dma_wait3A_826 = tpu.memref_slice %arg4[%dma_wait3A_825] : memref<1600000xf32, #tpu.memory_space<hbm>> -> memref<1600000xf32, #tpu.memory_space<hbm>>
    tpu.wait_indirect_dma semaphore(%arg14 : memref<!tpu.dma_semaphore, #tpu.memory_space<semaphore_mem>>) src(%dma_wait3A_826 : memref<1600000xf32, #tpu.memory_space<hbm>>) dst(%dma_wait3A_821 : memref<256xf32, #tpu.memory_space<vmem>>)
    %dma_wait3A_827 = arith.constant 4 : i32
    %dma_wait3A_828 = arith.constant 4 : i32
    %dma_wait3A_829 = arith.constant 256 : i32
    %dma_wait3A_830 = tpu.memref_slice %arg11[%dma_wait3A_828, %dma_wait3A_829] : memref<16x512xf32, #tpu.memory_space<vmem>> -> memref<1x256xf32, #tpu.memory_space<vmem>>
    %dma_wait3A_831 = tpu.memref_squeeze %dma_wait3A_830 : memref<1x256xf32, #tpu.memory_space<vmem>> -> memref<256xf32, #tpu.memory_space<vmem>>
    %dma_wait3A_832 = arith.constant 256 : i32
    %dma_wait3A_833 = tpu.memref_slice %arg9[%dma_wait3A_827, %dma_wait3A_832] : memref<16x512xi32, #tpu.memory_space<vmem>> -> memref<1x256xi32, #tpu.memory_space<vmem>>
    %dma_wait3A_834 = tpu.memref_squeeze %dma_wait3A_833 : memref<1x256xi32, #tpu.memory_space<vmem>> -> memref<256xi32, #tpu.memory_space<vmem>>
    %dma_wait3A_835 = arith.constant 0 : i32
    %dma_wait3A_836 = tpu.memref_slice %arg4[%dma_wait3A_835] : memref<1600000xf32, #tpu.memory_space<hbm>> -> memref<1600000xf32, #tpu.memory_space<hbm>>
    tpu.wait_indirect_dma semaphore(%arg13 : memref<!tpu.dma_semaphore, #tpu.memory_space<semaphore_mem>>) src(%dma_wait3A_836 : memref<1600000xf32, #tpu.memory_space<hbm>>) dst(%dma_wait3A_831 : memref<256xf32, #tpu.memory_space<vmem>>)
    %dma_wait3A_837 = arith.constant 4 : i32
    %dma_wait3A_838 = arith.constant 4 : i32
    %dma_wait3A_839 = arith.constant 256 : i32
    %dma_wait3A_840 = tpu.memref_slice %arg12[%dma_wait3A_838, %dma_wait3A_839] : memref<16x512xf32, #tpu.memory_space<vmem>> -> memref<1x256xf32, #tpu.memory_space<vmem>>
    %dma_wait3A_841 = tpu.memref_squeeze %dma_wait3A_840 : memref<1x256xf32, #tpu.memory_space<vmem>> -> memref<256xf32, #tpu.memory_space<vmem>>
    %dma_wait3A_842 = arith.constant 256 : i32
    %dma_wait3A_843 = tpu.memref_slice %arg10[%dma_wait3A_837, %dma_wait3A_842] : memref<16x512xi32, #tpu.memory_space<vmem>> -> memref<1x256xi32, #tpu.memory_space<vmem>>
    %dma_wait3A_844 = tpu.memref_squeeze %dma_wait3A_843 : memref<1x256xi32, #tpu.memory_space<vmem>> -> memref<256xi32, #tpu.memory_space<vmem>>
    %dma_wait3A_845 = arith.constant 0 : i32
    %dma_wait3A_846 = tpu.memref_slice %arg4[%dma_wait3A_845] : memref<1600000xf32, #tpu.memory_space<hbm>> -> memref<1600000xf32, #tpu.memory_space<hbm>>
    tpu.wait_indirect_dma semaphore(%arg14 : memref<!tpu.dma_semaphore, #tpu.memory_space<semaphore_mem>>) src(%dma_wait3A_846 : memref<1600000xf32, #tpu.memory_space<hbm>>) dst(%dma_wait3A_841 : memref<256xf32, #tpu.memory_space<vmem>>)
    %dma_wait3A_847 = arith.constant 5 : i32
    %dma_wait3A_848 = arith.constant 5 : i32
    %dma_wait3A_849 = arith.constant 0 : i32
    %dma_wait3A_850 = tpu.memref_slice %arg11[%dma_wait3A_848, %dma_wait3A_849] : memref<16x512xf32, #tpu.memory_space<vmem>> -> memref<1x256xf32, #tpu.memory_space<vmem>>
    %dma_wait3A_851 = tpu.memref_squeeze %dma_wait3A_850 : memref<1x256xf32, #tpu.memory_space<vmem>> -> memref<256xf32, #tpu.memory_space<vmem>>
    %dma_wait3A_852 = arith.constant 0 : i32
    %dma_wait3A_853 = tpu.memref_slice %arg9[%dma_wait3A_847, %dma_wait3A_852] : memref<16x512xi32, #tpu.memory_space<vmem>> -> memref<1x256xi32, #tpu.memory_space<vmem>>
    %dma_wait3A_854 = tpu.memref_squeeze %dma_wait3A_853 : memref<1x256xi32, #tpu.memory_space<vmem>> -> memref<256xi32, #tpu.memory_space<vmem>>
    %dma_wait3A_855 = arith.constant 0 : i32
    %dma_wait3A_856 = tpu.memref_slice %arg4[%dma_wait3A_855] : memref<1600000xf32, #tpu.memory_space<hbm>> -> memref<1600000xf32, #tpu.memory_space<hbm>>
    tpu.wait_indirect_dma semaphore(%arg13 : memref<!tpu.dma_semaphore, #tpu.memory_space<semaphore_mem>>) src(%dma_wait3A_856 : memref<1600000xf32, #tpu.memory_space<hbm>>) dst(%dma_wait3A_851 : memref<256xf32, #tpu.memory_space<vmem>>)
    %dma_wait3A_857 = arith.constant 5 : i32
    %dma_wait3A_858 = arith.constant 5 : i32
    %dma_wait3A_859 = arith.constant 0 : i32
    %dma_wait3A_860 = tpu.memref_slice %arg12[%dma_wait3A_858, %dma_wait3A_859] : memref<16x512xf32, #tpu.memory_space<vmem>> -> memref<1x256xf32, #tpu.memory_space<vmem>>
    %dma_wait3A_861 = tpu.memref_squeeze %dma_wait3A_860 : memref<1x256xf32, #tpu.memory_space<vmem>> -> memref<256xf32, #tpu.memory_space<vmem>>
    %dma_wait3A_862 = arith.constant 0 : i32
    %dma_wait3A_863 = tpu.memref_slice %arg10[%dma_wait3A_857, %dma_wait3A_862] : memref<16x512xi32, #tpu.memory_space<vmem>> -> memref<1x256xi32, #tpu.memory_space<vmem>>
    %dma_wait3A_864 = tpu.memref_squeeze %dma_wait3A_863 : memref<1x256xi32, #tpu.memory_space<vmem>> -> memref<256xi32, #tpu.memory_space<vmem>>
    %dma_wait3A_865 = arith.constant 0 : i32
    %dma_wait3A_866 = tpu.memref_slice %arg4[%dma_wait3A_865] : memref<1600000xf32, #tpu.memory_space<hbm>> -> memref<1600000xf32, #tpu.memory_space<hbm>>
    tpu.wait_indirect_dma semaphore(%arg14 : memref<!tpu.dma_semaphore, #tpu.memory_space<semaphore_mem>>) src(%dma_wait3A_866 : memref<1600000xf32, #tpu.memory_space<hbm>>) dst(%dma_wait3A_861 : memref<256xf32, #tpu.memory_space<vmem>>)
    %dma_wait3A_867 = arith.constant 5 : i32
    %dma_wait3A_868 = arith.constant 5 : i32
    %dma_wait3A_869 = arith.constant 256 : i32
    %dma_wait3A_870 = tpu.memref_slice %arg11[%dma_wait3A_868, %dma_wait3A_869] : memref<16x512xf32, #tpu.memory_space<vmem>> -> memref<1x256xf32, #tpu.memory_space<vmem>>
    %dma_wait3A_871 = tpu.memref_squeeze %dma_wait3A_870 : memref<1x256xf32, #tpu.memory_space<vmem>> -> memref<256xf32, #tpu.memory_space<vmem>>
    %dma_wait3A_872 = arith.constant 256 : i32
    %dma_wait3A_873 = tpu.memref_slice %arg9[%dma_wait3A_867, %dma_wait3A_872] : memref<16x512xi32, #tpu.memory_space<vmem>> -> memref<1x256xi32, #tpu.memory_space<vmem>>
    %dma_wait3A_874 = tpu.memref_squeeze %dma_wait3A_873 : memref<1x256xi32, #tpu.memory_space<vmem>> -> memref<256xi32, #tpu.memory_space<vmem>>
    %dma_wait3A_875 = arith.constant 0 : i32
    %dma_wait3A_876 = tpu.memref_slice %arg4[%dma_wait3A_875] : memref<1600000xf32, #tpu.memory_space<hbm>> -> memref<1600000xf32, #tpu.memory_space<hbm>>
    tpu.wait_indirect_dma semaphore(%arg13 : memref<!tpu.dma_semaphore, #tpu.memory_space<semaphore_mem>>) src(%dma_wait3A_876 : memref<1600000xf32, #tpu.memory_space<hbm>>) dst(%dma_wait3A_871 : memref<256xf32, #tpu.memory_space<vmem>>)
    %dma_wait3A_877 = arith.constant 5 : i32
    %dma_wait3A_878 = arith.constant 5 : i32
    %dma_wait3A_879 = arith.constant 256 : i32
    %dma_wait3A_880 = tpu.memref_slice %arg12[%dma_wait3A_878, %dma_wait3A_879] : memref<16x512xf32, #tpu.memory_space<vmem>> -> memref<1x256xf32, #tpu.memory_space<vmem>>
    %dma_wait3A_881 = tpu.memref_squeeze %dma_wait3A_880 : memref<1x256xf32, #tpu.memory_space<vmem>> -> memref<256xf32, #tpu.memory_space<vmem>>
    %dma_wait3A_882 = arith.constant 256 : i32
    %dma_wait3A_883 = tpu.memref_slice %arg10[%dma_wait3A_877, %dma_wait3A_882] : memref<16x512xi32, #tpu.memory_space<vmem>> -> memref<1x256xi32, #tpu.memory_space<vmem>>
    %dma_wait3A_884 = tpu.memref_squeeze %dma_wait3A_883 : memref<1x256xi32, #tpu.memory_space<vmem>> -> memref<256xi32, #tpu.memory_space<vmem>>
    %dma_wait3A_885 = arith.constant 0 : i32
    %dma_wait3A_886 = tpu.memref_slice %arg4[%dma_wait3A_885] : memref<1600000xf32, #tpu.memory_space<hbm>> -> memref<1600000xf32, #tpu.memory_space<hbm>>
    tpu.wait_indirect_dma semaphore(%arg14 : memref<!tpu.dma_semaphore, #tpu.memory_space<semaphore_mem>>) src(%dma_wait3A_886 : memref<1600000xf32, #tpu.memory_space<hbm>>) dst(%dma_wait3A_881 : memref<256xf32, #tpu.memory_space<vmem>>)
    %dma_wait3A_887 = arith.constant 6 : i32
    %dma_wait3A_888 = arith.constant 6 : i32
    %dma_wait3A_889 = arith.constant 0 : i32
    %dma_wait3A_890 = tpu.memref_slice %arg11[%dma_wait3A_888, %dma_wait3A_889] : memref<16x512xf32, #tpu.memory_space<vmem>> -> memref<1x256xf32, #tpu.memory_space<vmem>>
    %dma_wait3A_891 = tpu.memref_squeeze %dma_wait3A_890 : memref<1x256xf32, #tpu.memory_space<vmem>> -> memref<256xf32, #tpu.memory_space<vmem>>
    %dma_wait3A_892 = arith.constant 0 : i32
    %dma_wait3A_893 = tpu.memref_slice %arg9[%dma_wait3A_887, %dma_wait3A_892] : memref<16x512xi32, #tpu.memory_space<vmem>> -> memref<1x256xi32, #tpu.memory_space<vmem>>
    %dma_wait3A_894 = tpu.memref_squeeze %dma_wait3A_893 : memref<1x256xi32, #tpu.memory_space<vmem>> -> memref<256xi32, #tpu.memory_space<vmem>>
    %dma_wait3A_895 = arith.constant 0 : i32
    %dma_wait3A_896 = tpu.memref_slice %arg4[%dma_wait3A_895] : memref<1600000xf32, #tpu.memory_space<hbm>> -> memref<1600000xf32, #tpu.memory_space<hbm>>
    tpu.wait_indirect_dma semaphore(%arg13 : memref<!tpu.dma_semaphore, #tpu.memory_space<semaphore_mem>>) src(%dma_wait3A_896 : memref<1600000xf32, #tpu.memory_space<hbm>>) dst(%dma_wait3A_891 : memref<256xf32, #tpu.memory_space<vmem>>)
    %dma_wait3A_897 = arith.constant 6 : i32
    %dma_wait3A_898 = arith.constant 6 : i32
    %dma_wait3A_899 = arith.constant 0 : i32
    %dma_wait3A_900 = tpu.memref_slice %arg12[%dma_wait3A_898, %dma_wait3A_899] : memref<16x512xf32, #tpu.memory_space<vmem>> -> memref<1x256xf32, #tpu.memory_space<vmem>>
    %dma_wait3A_901 = tpu.memref_squeeze %dma_wait3A_900 : memref<1x256xf32, #tpu.memory_space<vmem>> -> memref<256xf32, #tpu.memory_space<vmem>>
    %dma_wait3A_902 = arith.constant 0 : i32
    %dma_wait3A_903 = tpu.memref_slice %arg10[%dma_wait3A_897, %dma_wait3A_902] : memref<16x512xi32, #tpu.memory_space<vmem>> -> memref<1x256xi32, #tpu.memory_space<vmem>>
    %dma_wait3A_904 = tpu.memref_squeeze %dma_wait3A_903 : memref<1x256xi32, #tpu.memory_space<vmem>> -> memref<256xi32, #tpu.memory_space<vmem>>
    %dma_wait3A_905 = arith.constant 0 : i32
    %dma_wait3A_906 = tpu.memref_slice %arg4[%dma_wait3A_905] : memref<1600000xf32, #tpu.memory_space<hbm>> -> memref<1600000xf32, #tpu.memory_space<hbm>>
    tpu.wait_indirect_dma semaphore(%arg14 : memref<!tpu.dma_semaphore, #tpu.memory_space<semaphore_mem>>) src(%dma_wait3A_906 : memref<1600000xf32, #tpu.memory_space<hbm>>) dst(%dma_wait3A_901 : memref<256xf32, #tpu.memory_space<vmem>>)
    %dma_wait3A_907 = arith.constant 6 : i32
    %dma_wait3A_908 = arith.constant 6 : i32
    %dma_wait3A_909 = arith.constant 256 : i32
    %dma_wait3A_910 = tpu.memref_slice %arg11[%dma_wait3A_908, %dma_wait3A_909] : memref<16x512xf32, #tpu.memory_space<vmem>> -> memref<1x256xf32, #tpu.memory_space<vmem>>
    %dma_wait3A_911 = tpu.memref_squeeze %dma_wait3A_910 : memref<1x256xf32, #tpu.memory_space<vmem>> -> memref<256xf32, #tpu.memory_space<vmem>>
    %dma_wait3A_912 = arith.constant 256 : i32
    %dma_wait3A_913 = tpu.memref_slice %arg9[%dma_wait3A_907, %dma_wait3A_912] : memref<16x512xi32, #tpu.memory_space<vmem>> -> memref<1x256xi32, #tpu.memory_space<vmem>>
    %dma_wait3A_914 = tpu.memref_squeeze %dma_wait3A_913 : memref<1x256xi32, #tpu.memory_space<vmem>> -> memref<256xi32, #tpu.memory_space<vmem>>
    %dma_wait3A_915 = arith.constant 0 : i32
    %dma_wait3A_916 = tpu.memref_slice %arg4[%dma_wait3A_915] : memref<1600000xf32, #tpu.memory_space<hbm>> -> memref<1600000xf32, #tpu.memory_space<hbm>>
    tpu.wait_indirect_dma semaphore(%arg13 : memref<!tpu.dma_semaphore, #tpu.memory_space<semaphore_mem>>) src(%dma_wait3A_916 : memref<1600000xf32, #tpu.memory_space<hbm>>) dst(%dma_wait3A_911 : memref<256xf32, #tpu.memory_space<vmem>>)
    %dma_wait3A_917 = arith.constant 6 : i32
    %dma_wait3A_918 = arith.constant 6 : i32
    %dma_wait3A_919 = arith.constant 256 : i32
    %dma_wait3A_920 = tpu.memref_slice %arg12[%dma_wait3A_918, %dma_wait3A_919] : memref<16x512xf32, #tpu.memory_space<vmem>> -> memref<1x256xf32, #tpu.memory_space<vmem>>
    %dma_wait3A_921 = tpu.memref_squeeze %dma_wait3A_920 : memref<1x256xf32, #tpu.memory_space<vmem>> -> memref<256xf32, #tpu.memory_space<vmem>>
    %dma_wait3A_922 = arith.constant 256 : i32
    %dma_wait3A_923 = tpu.memref_slice %arg10[%dma_wait3A_917, %dma_wait3A_922] : memref<16x512xi32, #tpu.memory_space<vmem>> -> memref<1x256xi32, #tpu.memory_space<vmem>>
    %dma_wait3A_924 = tpu.memref_squeeze %dma_wait3A_923 : memref<1x256xi32, #tpu.memory_space<vmem>> -> memref<256xi32, #tpu.memory_space<vmem>>
    %dma_wait3A_925 = arith.constant 0 : i32
    %dma_wait3A_926 = tpu.memref_slice %arg4[%dma_wait3A_925] : memref<1600000xf32, #tpu.memory_space<hbm>> -> memref<1600000xf32, #tpu.memory_space<hbm>>
    tpu.wait_indirect_dma semaphore(%arg14 : memref<!tpu.dma_semaphore, #tpu.memory_space<semaphore_mem>>) src(%dma_wait3A_926 : memref<1600000xf32, #tpu.memory_space<hbm>>) dst(%dma_wait3A_921 : memref<256xf32, #tpu.memory_space<vmem>>)
    %dma_wait3A_927 = arith.constant 7 : i32
    %dma_wait3A_928 = arith.constant 7 : i32
    %dma_wait3A_929 = arith.constant 0 : i32
    %dma_wait3A_930 = tpu.memref_slice %arg11[%dma_wait3A_928, %dma_wait3A_929] : memref<16x512xf32, #tpu.memory_space<vmem>> -> memref<1x256xf32, #tpu.memory_space<vmem>>
    %dma_wait3A_931 = tpu.memref_squeeze %dma_wait3A_930 : memref<1x256xf32, #tpu.memory_space<vmem>> -> memref<256xf32, #tpu.memory_space<vmem>>
    %dma_wait3A_932 = arith.constant 0 : i32
    %dma_wait3A_933 = tpu.memref_slice %arg9[%dma_wait3A_927, %dma_wait3A_932] : memref<16x512xi32, #tpu.memory_space<vmem>> -> memref<1x256xi32, #tpu.memory_space<vmem>>
    %dma_wait3A_934 = tpu.memref_squeeze %dma_wait3A_933 : memref<1x256xi32, #tpu.memory_space<vmem>> -> memref<256xi32, #tpu.memory_space<vmem>>
    %dma_wait3A_935 = arith.constant 0 : i32
    %dma_wait3A_936 = tpu.memref_slice %arg4[%dma_wait3A_935] : memref<1600000xf32, #tpu.memory_space<hbm>> -> memref<1600000xf32, #tpu.memory_space<hbm>>
    tpu.wait_indirect_dma semaphore(%arg13 : memref<!tpu.dma_semaphore, #tpu.memory_space<semaphore_mem>>) src(%dma_wait3A_936 : memref<1600000xf32, #tpu.memory_space<hbm>>) dst(%dma_wait3A_931 : memref<256xf32, #tpu.memory_space<vmem>>)
    %dma_wait3A_937 = arith.constant 7 : i32
    %dma_wait3A_938 = arith.constant 7 : i32
    %dma_wait3A_939 = arith.constant 0 : i32
    %dma_wait3A_940 = tpu.memref_slice %arg12[%dma_wait3A_938, %dma_wait3A_939] : memref<16x512xf32, #tpu.memory_space<vmem>> -> memref<1x256xf32, #tpu.memory_space<vmem>>
    %dma_wait3A_941 = tpu.memref_squeeze %dma_wait3A_940 : memref<1x256xf32, #tpu.memory_space<vmem>> -> memref<256xf32, #tpu.memory_space<vmem>>
    %dma_wait3A_942 = arith.constant 0 : i32
    %dma_wait3A_943 = tpu.memref_slice %arg10[%dma_wait3A_937, %dma_wait3A_942] : memref<16x512xi32, #tpu.memory_space<vmem>> -> memref<1x256xi32, #tpu.memory_space<vmem>>
    %dma_wait3A_944 = tpu.memref_squeeze %dma_wait3A_943 : memref<1x256xi32, #tpu.memory_space<vmem>> -> memref<256xi32, #tpu.memory_space<vmem>>
    %dma_wait3A_945 = arith.constant 0 : i32
    %dma_wait3A_946 = tpu.memref_slice %arg4[%dma_wait3A_945] : memref<1600000xf32, #tpu.memory_space<hbm>> -> memref<1600000xf32, #tpu.memory_space<hbm>>
    tpu.wait_indirect_dma semaphore(%arg14 : memref<!tpu.dma_semaphore, #tpu.memory_space<semaphore_mem>>) src(%dma_wait3A_946 : memref<1600000xf32, #tpu.memory_space<hbm>>) dst(%dma_wait3A_941 : memref<256xf32, #tpu.memory_space<vmem>>)
    %dma_wait3A_947 = arith.constant 7 : i32
    %dma_wait3A_948 = arith.constant 7 : i32
    %dma_wait3A_949 = arith.constant 256 : i32
    %dma_wait3A_950 = tpu.memref_slice %arg11[%dma_wait3A_948, %dma_wait3A_949] : memref<16x512xf32, #tpu.memory_space<vmem>> -> memref<1x256xf32, #tpu.memory_space<vmem>>
    %dma_wait3A_951 = tpu.memref_squeeze %dma_wait3A_950 : memref<1x256xf32, #tpu.memory_space<vmem>> -> memref<256xf32, #tpu.memory_space<vmem>>
    %dma_wait3A_952 = arith.constant 256 : i32
    %dma_wait3A_953 = tpu.memref_slice %arg9[%dma_wait3A_947, %dma_wait3A_952] : memref<16x512xi32, #tpu.memory_space<vmem>> -> memref<1x256xi32, #tpu.memory_space<vmem>>
    %dma_wait3A_954 = tpu.memref_squeeze %dma_wait3A_953 : memref<1x256xi32, #tpu.memory_space<vmem>> -> memref<256xi32, #tpu.memory_space<vmem>>
    %dma_wait3A_955 = arith.constant 0 : i32
    %dma_wait3A_956 = tpu.memref_slice %arg4[%dma_wait3A_955] : memref<1600000xf32, #tpu.memory_space<hbm>> -> memref<1600000xf32, #tpu.memory_space<hbm>>
    tpu.wait_indirect_dma semaphore(%arg13 : memref<!tpu.dma_semaphore, #tpu.memory_space<semaphore_mem>>) src(%dma_wait3A_956 : memref<1600000xf32, #tpu.memory_space<hbm>>) dst(%dma_wait3A_951 : memref<256xf32, #tpu.memory_space<vmem>>)
    %dma_wait3A_957 = arith.constant 7 : i32
    %dma_wait3A_958 = arith.constant 7 : i32
    %dma_wait3A_959 = arith.constant 256 : i32
    %dma_wait3A_960 = tpu.memref_slice %arg12[%dma_wait3A_958, %dma_wait3A_959] : memref<16x512xf32, #tpu.memory_space<vmem>> -> memref<1x256xf32, #tpu.memory_space<vmem>>
    %dma_wait3A_961 = tpu.memref_squeeze %dma_wait3A_960 : memref<1x256xf32, #tpu.memory_space<vmem>> -> memref<256xf32, #tpu.memory_space<vmem>>
    %dma_wait3A_962 = arith.constant 256 : i32
    %dma_wait3A_963 = tpu.memref_slice %arg10[%dma_wait3A_957, %dma_wait3A_962] : memref<16x512xi32, #tpu.memory_space<vmem>> -> memref<1x256xi32, #tpu.memory_space<vmem>>
    %dma_wait3A_964 = tpu.memref_squeeze %dma_wait3A_963 : memref<1x256xi32, #tpu.memory_space<vmem>> -> memref<256xi32, #tpu.memory_space<vmem>>
    %dma_wait3A_965 = arith.constant 0 : i32
    %dma_wait3A_966 = tpu.memref_slice %arg4[%dma_wait3A_965] : memref<1600000xf32, #tpu.memory_space<hbm>> -> memref<1600000xf32, #tpu.memory_space<hbm>>
    tpu.wait_indirect_dma semaphore(%arg14 : memref<!tpu.dma_semaphore, #tpu.memory_space<semaphore_mem>>) src(%dma_wait3A_966 : memref<1600000xf32, #tpu.memory_space<hbm>>) dst(%dma_wait3A_961 : memref<256xf32, #tpu.memory_space<vmem>>)
    %dma_wait3A_967 = arith.constant 8 : i32
    %dma_wait3A_968 = arith.constant 8 : i32
    %dma_wait3A_969 = arith.constant 0 : i32
    %dma_wait3A_970 = tpu.memref_slice %arg11[%dma_wait3A_968, %dma_wait3A_969] : memref<16x512xf32, #tpu.memory_space<vmem>> -> memref<1x256xf32, #tpu.memory_space<vmem>>
    %dma_wait3A_971 = tpu.memref_squeeze %dma_wait3A_970 : memref<1x256xf32, #tpu.memory_space<vmem>> -> memref<256xf32, #tpu.memory_space<vmem>>
    %dma_wait3A_972 = arith.constant 0 : i32
    %dma_wait3A_973 = tpu.memref_slice %arg9[%dma_wait3A_967, %dma_wait3A_972] : memref<16x512xi32, #tpu.memory_space<vmem>> -> memref<1x256xi32, #tpu.memory_space<vmem>>
    %dma_wait3A_974 = tpu.memref_squeeze %dma_wait3A_973 : memref<1x256xi32, #tpu.memory_space<vmem>> -> memref<256xi32, #tpu.memory_space<vmem>>
    %dma_wait3A_975 = arith.constant 0 : i32
    %dma_wait3A_976 = tpu.memref_slice %arg4[%dma_wait3A_975] : memref<1600000xf32, #tpu.memory_space<hbm>> -> memref<1600000xf32, #tpu.memory_space<hbm>>
    tpu.wait_indirect_dma semaphore(%arg13 : memref<!tpu.dma_semaphore, #tpu.memory_space<semaphore_mem>>) src(%dma_wait3A_976 : memref<1600000xf32, #tpu.memory_space<hbm>>) dst(%dma_wait3A_971 : memref<256xf32, #tpu.memory_space<vmem>>)
    %dma_wait3A_977 = arith.constant 8 : i32
    %dma_wait3A_978 = arith.constant 8 : i32
    %dma_wait3A_979 = arith.constant 0 : i32
    %dma_wait3A_980 = tpu.memref_slice %arg12[%dma_wait3A_978, %dma_wait3A_979] : memref<16x512xf32, #tpu.memory_space<vmem>> -> memref<1x256xf32, #tpu.memory_space<vmem>>
    %dma_wait3A_981 = tpu.memref_squeeze %dma_wait3A_980 : memref<1x256xf32, #tpu.memory_space<vmem>> -> memref<256xf32, #tpu.memory_space<vmem>>
    %dma_wait3A_982 = arith.constant 0 : i32
    %dma_wait3A_983 = tpu.memref_slice %arg10[%dma_wait3A_977, %dma_wait3A_982] : memref<16x512xi32, #tpu.memory_space<vmem>> -> memref<1x256xi32, #tpu.memory_space<vmem>>
    %dma_wait3A_984 = tpu.memref_squeeze %dma_wait3A_983 : memref<1x256xi32, #tpu.memory_space<vmem>> -> memref<256xi32, #tpu.memory_space<vmem>>
    %dma_wait3A_985 = arith.constant 0 : i32
    %dma_wait3A_986 = tpu.memref_slice %arg4[%dma_wait3A_985] : memref<1600000xf32, #tpu.memory_space<hbm>> -> memref<1600000xf32, #tpu.memory_space<hbm>>
    tpu.wait_indirect_dma semaphore(%arg14 : memref<!tpu.dma_semaphore, #tpu.memory_space<semaphore_mem>>) src(%dma_wait3A_986 : memref<1600000xf32, #tpu.memory_space<hbm>>) dst(%dma_wait3A_981 : memref<256xf32, #tpu.memory_space<vmem>>)
    %dma_wait3A_987 = arith.constant 8 : i32
    %dma_wait3A_988 = arith.constant 8 : i32
    %dma_wait3A_989 = arith.constant 256 : i32
    %dma_wait3A_990 = tpu.memref_slice %arg11[%dma_wait3A_988, %dma_wait3A_989] : memref<16x512xf32, #tpu.memory_space<vmem>> -> memref<1x256xf32, #tpu.memory_space<vmem>>
    %dma_wait3A_991 = tpu.memref_squeeze %dma_wait3A_990 : memref<1x256xf32, #tpu.memory_space<vmem>> -> memref<256xf32, #tpu.memory_space<vmem>>
    %dma_wait3A_992 = arith.constant 256 : i32
    %dma_wait3A_993 = tpu.memref_slice %arg9[%dma_wait3A_987, %dma_wait3A_992] : memref<16x512xi32, #tpu.memory_space<vmem>> -> memref<1x256xi32, #tpu.memory_space<vmem>>
    %dma_wait3A_994 = tpu.memref_squeeze %dma_wait3A_993 : memref<1x256xi32, #tpu.memory_space<vmem>> -> memref<256xi32, #tpu.memory_space<vmem>>
    %dma_wait3A_995 = arith.constant 0 : i32
    %dma_wait3A_996 = tpu.memref_slice %arg4[%dma_wait3A_995] : memref<1600000xf32, #tpu.memory_space<hbm>> -> memref<1600000xf32, #tpu.memory_space<hbm>>
    tpu.wait_indirect_dma semaphore(%arg13 : memref<!tpu.dma_semaphore, #tpu.memory_space<semaphore_mem>>) src(%dma_wait3A_996 : memref<1600000xf32, #tpu.memory_space<hbm>>) dst(%dma_wait3A_991 : memref<256xf32, #tpu.memory_space<vmem>>)
    %dma_wait3A_997 = arith.constant 8 : i32
    %dma_wait3A_998 = arith.constant 8 : i32
    %dma_wait3A_999 = arith.constant 256 : i32
    %dma_wait3A_1000 = tpu.memref_slice %arg12[%dma_wait3A_998, %dma_wait3A_999] : memref<16x512xf32, #tpu.memory_space<vmem>> -> memref<1x256xf32, #tpu.memory_space<vmem>>
    %dma_wait3A_1001 = tpu.memref_squeeze %dma_wait3A_1000 : memref<1x256xf32, #tpu.memory_space<vmem>> -> memref<256xf32, #tpu.memory_space<vmem>>
    %dma_wait3A_1002 = arith.constant 256 : i32
    %dma_wait3A_1003 = tpu.memref_slice %arg10[%dma_wait3A_997, %dma_wait3A_1002] : memref<16x512xi32, #tpu.memory_space<vmem>> -> memref<1x256xi32, #tpu.memory_space<vmem>>
    %dma_wait3A_1004 = tpu.memref_squeeze %dma_wait3A_1003 : memref<1x256xi32, #tpu.memory_space<vmem>> -> memref<256xi32, #tpu.memory_space<vmem>>
    %dma_wait3A_1005 = arith.constant 0 : i32
    %dma_wait3A_1006 = tpu.memref_slice %arg4[%dma_wait3A_1005] : memref<1600000xf32, #tpu.memory_space<hbm>> -> memref<1600000xf32, #tpu.memory_space<hbm>>
    tpu.wait_indirect_dma semaphore(%arg14 : memref<!tpu.dma_semaphore, #tpu.memory_space<semaphore_mem>>) src(%dma_wait3A_1006 : memref<1600000xf32, #tpu.memory_space<hbm>>) dst(%dma_wait3A_1001 : memref<256xf32, #tpu.memory_space<vmem>>)
    %dma_wait3A_1007 = arith.constant 9 : i32
    %dma_wait3A_1008 = arith.constant 9 : i32
    %dma_wait3A_1009 = arith.constant 0 : i32
    %dma_wait3A_1010 = tpu.memref_slice %arg11[%dma_wait3A_1008, %dma_wait3A_1009] : memref<16x512xf32, #tpu.memory_space<vmem>> -> memref<1x256xf32, #tpu.memory_space<vmem>>
    %dma_wait3A_1011 = tpu.memref_squeeze %dma_wait3A_1010 : memref<1x256xf32, #tpu.memory_space<vmem>> -> memref<256xf32, #tpu.memory_space<vmem>>
    %dma_wait3A_1012 = arith.constant 0 : i32
    %dma_wait3A_1013 = tpu.memref_slice %arg9[%dma_wait3A_1007, %dma_wait3A_1012] : memref<16x512xi32, #tpu.memory_space<vmem>> -> memref<1x256xi32, #tpu.memory_space<vmem>>
    %dma_wait3A_1014 = tpu.memref_squeeze %dma_wait3A_1013 : memref<1x256xi32, #tpu.memory_space<vmem>> -> memref<256xi32, #tpu.memory_space<vmem>>
    %dma_wait3A_1015 = arith.constant 0 : i32
    %dma_wait3A_1016 = tpu.memref_slice %arg4[%dma_wait3A_1015] : memref<1600000xf32, #tpu.memory_space<hbm>> -> memref<1600000xf32, #tpu.memory_space<hbm>>
    tpu.wait_indirect_dma semaphore(%arg13 : memref<!tpu.dma_semaphore, #tpu.memory_space<semaphore_mem>>) src(%dma_wait3A_1016 : memref<1600000xf32, #tpu.memory_space<hbm>>) dst(%dma_wait3A_1011 : memref<256xf32, #tpu.memory_space<vmem>>)
    %dma_wait3A_1017 = arith.constant 9 : i32
    %dma_wait3A_1018 = arith.constant 9 : i32
    %dma_wait3A_1019 = arith.constant 0 : i32
    %dma_wait3A_1020 = tpu.memref_slice %arg12[%dma_wait3A_1018, %dma_wait3A_1019] : memref<16x512xf32, #tpu.memory_space<vmem>> -> memref<1x256xf32, #tpu.memory_space<vmem>>
    %dma_wait3A_1021 = tpu.memref_squeeze %dma_wait3A_1020 : memref<1x256xf32, #tpu.memory_space<vmem>> -> memref<256xf32, #tpu.memory_space<vmem>>
    %dma_wait3A_1022 = arith.constant 0 : i32
    %dma_wait3A_1023 = tpu.memref_slice %arg10[%dma_wait3A_1017, %dma_wait3A_1022] : memref<16x512xi32, #tpu.memory_space<vmem>> -> memref<1x256xi32, #tpu.memory_space<vmem>>
    %dma_wait3A_1024 = tpu.memref_squeeze %dma_wait3A_1023 : memref<1x256xi32, #tpu.memory_space<vmem>> -> memref<256xi32, #tpu.memory_space<vmem>>
    %dma_wait3A_1025 = arith.constant 0 : i32
    %dma_wait3A_1026 = tpu.memref_slice %arg4[%dma_wait3A_1025] : memref<1600000xf32, #tpu.memory_space<hbm>> -> memref<1600000xf32, #tpu.memory_space<hbm>>
    tpu.wait_indirect_dma semaphore(%arg14 : memref<!tpu.dma_semaphore, #tpu.memory_space<semaphore_mem>>) src(%dma_wait3A_1026 : memref<1600000xf32, #tpu.memory_space<hbm>>) dst(%dma_wait3A_1021 : memref<256xf32, #tpu.memory_space<vmem>>)
    %dma_wait3A_1027 = arith.constant 9 : i32
    %dma_wait3A_1028 = arith.constant 9 : i32
    %dma_wait3A_1029 = arith.constant 256 : i32
    %dma_wait3A_1030 = tpu.memref_slice %arg11[%dma_wait3A_1028, %dma_wait3A_1029] : memref<16x512xf32, #tpu.memory_space<vmem>> -> memref<1x256xf32, #tpu.memory_space<vmem>>
    %dma_wait3A_1031 = tpu.memref_squeeze %dma_wait3A_1030 : memref<1x256xf32, #tpu.memory_space<vmem>> -> memref<256xf32, #tpu.memory_space<vmem>>
    %dma_wait3A_1032 = arith.constant 256 : i32
    %dma_wait3A_1033 = tpu.memref_slice %arg9[%dma_wait3A_1027, %dma_wait3A_1032] : memref<16x512xi32, #tpu.memory_space<vmem>> -> memref<1x256xi32, #tpu.memory_space<vmem>>
    %dma_wait3A_1034 = tpu.memref_squeeze %dma_wait3A_1033 : memref<1x256xi32, #tpu.memory_space<vmem>> -> memref<256xi32, #tpu.memory_space<vmem>>
    %dma_wait3A_1035 = arith.constant 0 : i32
    %dma_wait3A_1036 = tpu.memref_slice %arg4[%dma_wait3A_1035] : memref<1600000xf32, #tpu.memory_space<hbm>> -> memref<1600000xf32, #tpu.memory_space<hbm>>
    tpu.wait_indirect_dma semaphore(%arg13 : memref<!tpu.dma_semaphore, #tpu.memory_space<semaphore_mem>>) src(%dma_wait3A_1036 : memref<1600000xf32, #tpu.memory_space<hbm>>) dst(%dma_wait3A_1031 : memref<256xf32, #tpu.memory_space<vmem>>)
    %dma_wait3A_1037 = arith.constant 9 : i32
    %dma_wait3A_1038 = arith.constant 9 : i32
    %dma_wait3A_1039 = arith.constant 256 : i32
    %dma_wait3A_1040 = tpu.memref_slice %arg12[%dma_wait3A_1038, %dma_wait3A_1039] : memref<16x512xf32, #tpu.memory_space<vmem>> -> memref<1x256xf32, #tpu.memory_space<vmem>>
    %dma_wait3A_1041 = tpu.memref_squeeze %dma_wait3A_1040 : memref<1x256xf32, #tpu.memory_space<vmem>> -> memref<256xf32, #tpu.memory_space<vmem>>
    %dma_wait3A_1042 = arith.constant 256 : i32
    %dma_wait3A_1043 = tpu.memref_slice %arg10[%dma_wait3A_1037, %dma_wait3A_1042] : memref<16x512xi32, #tpu.memory_space<vmem>> -> memref<1x256xi32, #tpu.memory_space<vmem>>
    %dma_wait3A_1044 = tpu.memref_squeeze %dma_wait3A_1043 : memref<1x256xi32, #tpu.memory_space<vmem>> -> memref<256xi32, #tpu.memory_space<vmem>>
    %dma_wait3A_1045 = arith.constant 0 : i32
    %dma_wait3A_1046 = tpu.memref_slice %arg4[%dma_wait3A_1045] : memref<1600000xf32, #tpu.memory_space<hbm>> -> memref<1600000xf32, #tpu.memory_space<hbm>>
    tpu.wait_indirect_dma semaphore(%arg14 : memref<!tpu.dma_semaphore, #tpu.memory_space<semaphore_mem>>) src(%dma_wait3A_1046 : memref<1600000xf32, #tpu.memory_space<hbm>>) dst(%dma_wait3A_1041 : memref<256xf32, #tpu.memory_space<vmem>>)
    %dma_wait3A_1047 = arith.constant 10 : i32
    %dma_wait3A_1048 = arith.constant 10 : i32
    %dma_wait3A_1049 = arith.constant 0 : i32
    %dma_wait3A_1050 = tpu.memref_slice %arg11[%dma_wait3A_1048, %dma_wait3A_1049] : memref<16x512xf32, #tpu.memory_space<vmem>> -> memref<1x256xf32, #tpu.memory_space<vmem>>
    %dma_wait3A_1051 = tpu.memref_squeeze %dma_wait3A_1050 : memref<1x256xf32, #tpu.memory_space<vmem>> -> memref<256xf32, #tpu.memory_space<vmem>>
    %dma_wait3A_1052 = arith.constant 0 : i32
    %dma_wait3A_1053 = tpu.memref_slice %arg9[%dma_wait3A_1047, %dma_wait3A_1052] : memref<16x512xi32, #tpu.memory_space<vmem>> -> memref<1x256xi32, #tpu.memory_space<vmem>>
    %dma_wait3A_1054 = tpu.memref_squeeze %dma_wait3A_1053 : memref<1x256xi32, #tpu.memory_space<vmem>> -> memref<256xi32, #tpu.memory_space<vmem>>
    %dma_wait3A_1055 = arith.constant 0 : i32
    %dma_wait3A_1056 = tpu.memref_slice %arg4[%dma_wait3A_1055] : memref<1600000xf32, #tpu.memory_space<hbm>> -> memref<1600000xf32, #tpu.memory_space<hbm>>
    tpu.wait_indirect_dma semaphore(%arg13 : memref<!tpu.dma_semaphore, #tpu.memory_space<semaphore_mem>>) src(%dma_wait3A_1056 : memref<1600000xf32, #tpu.memory_space<hbm>>) dst(%dma_wait3A_1051 : memref<256xf32, #tpu.memory_space<vmem>>)
    %dma_wait3A_1057 = arith.constant 10 : i32
    %dma_wait3A_1058 = arith.constant 10 : i32
    %dma_wait3A_1059 = arith.constant 0 : i32
    %dma_wait3A_1060 = tpu.memref_slice %arg12[%dma_wait3A_1058, %dma_wait3A_1059] : memref<16x512xf32, #tpu.memory_space<vmem>> -> memref<1x256xf32, #tpu.memory_space<vmem>>
    %dma_wait3A_1061 = tpu.memref_squeeze %dma_wait3A_1060 : memref<1x256xf32, #tpu.memory_space<vmem>> -> memref<256xf32, #tpu.memory_space<vmem>>
    %dma_wait3A_1062 = arith.constant 0 : i32
    %dma_wait3A_1063 = tpu.memref_slice %arg10[%dma_wait3A_1057, %dma_wait3A_1062] : memref<16x512xi32, #tpu.memory_space<vmem>> -> memref<1x256xi32, #tpu.memory_space<vmem>>
    %dma_wait3A_1064 = tpu.memref_squeeze %dma_wait3A_1063 : memref<1x256xi32, #tpu.memory_space<vmem>> -> memref<256xi32, #tpu.memory_space<vmem>>
    %dma_wait3A_1065 = arith.constant 0 : i32
    %dma_wait3A_1066 = tpu.memref_slice %arg4[%dma_wait3A_1065] : memref<1600000xf32, #tpu.memory_space<hbm>> -> memref<1600000xf32, #tpu.memory_space<hbm>>
    tpu.wait_indirect_dma semaphore(%arg14 : memref<!tpu.dma_semaphore, #tpu.memory_space<semaphore_mem>>) src(%dma_wait3A_1066 : memref<1600000xf32, #tpu.memory_space<hbm>>) dst(%dma_wait3A_1061 : memref<256xf32, #tpu.memory_space<vmem>>)
    %dma_wait3A_1067 = arith.constant 10 : i32
    %dma_wait3A_1068 = arith.constant 10 : i32
    %dma_wait3A_1069 = arith.constant 256 : i32
    %dma_wait3A_1070 = tpu.memref_slice %arg11[%dma_wait3A_1068, %dma_wait3A_1069] : memref<16x512xf32, #tpu.memory_space<vmem>> -> memref<1x256xf32, #tpu.memory_space<vmem>>
    %dma_wait3A_1071 = tpu.memref_squeeze %dma_wait3A_1070 : memref<1x256xf32, #tpu.memory_space<vmem>> -> memref<256xf32, #tpu.memory_space<vmem>>
    %dma_wait3A_1072 = arith.constant 256 : i32
    %dma_wait3A_1073 = tpu.memref_slice %arg9[%dma_wait3A_1067, %dma_wait3A_1072] : memref<16x512xi32, #tpu.memory_space<vmem>> -> memref<1x256xi32, #tpu.memory_space<vmem>>
    %dma_wait3A_1074 = tpu.memref_squeeze %dma_wait3A_1073 : memref<1x256xi32, #tpu.memory_space<vmem>> -> memref<256xi32, #tpu.memory_space<vmem>>
    %dma_wait3A_1075 = arith.constant 0 : i32
    %dma_wait3A_1076 = tpu.memref_slice %arg4[%dma_wait3A_1075] : memref<1600000xf32, #tpu.memory_space<hbm>> -> memref<1600000xf32, #tpu.memory_space<hbm>>
    tpu.wait_indirect_dma semaphore(%arg13 : memref<!tpu.dma_semaphore, #tpu.memory_space<semaphore_mem>>) src(%dma_wait3A_1076 : memref<1600000xf32, #tpu.memory_space<hbm>>) dst(%dma_wait3A_1071 : memref<256xf32, #tpu.memory_space<vmem>>)
    %dma_wait3A_1077 = arith.constant 10 : i32
    %dma_wait3A_1078 = arith.constant 10 : i32
    %dma_wait3A_1079 = arith.constant 256 : i32
    %dma_wait3A_1080 = tpu.memref_slice %arg12[%dma_wait3A_1078, %dma_wait3A_1079] : memref<16x512xf32, #tpu.memory_space<vmem>> -> memref<1x256xf32, #tpu.memory_space<vmem>>
    %dma_wait3A_1081 = tpu.memref_squeeze %dma_wait3A_1080 : memref<1x256xf32, #tpu.memory_space<vmem>> -> memref<256xf32, #tpu.memory_space<vmem>>
    %dma_wait3A_1082 = arith.constant 256 : i32
    %dma_wait3A_1083 = tpu.memref_slice %arg10[%dma_wait3A_1077, %dma_wait3A_1082] : memref<16x512xi32, #tpu.memory_space<vmem>> -> memref<1x256xi32, #tpu.memory_space<vmem>>
    %dma_wait3A_1084 = tpu.memref_squeeze %dma_wait3A_1083 : memref<1x256xi32, #tpu.memory_space<vmem>> -> memref<256xi32, #tpu.memory_space<vmem>>
    %dma_wait3A_1085 = arith.constant 0 : i32
    %dma_wait3A_1086 = tpu.memref_slice %arg4[%dma_wait3A_1085] : memref<1600000xf32, #tpu.memory_space<hbm>> -> memref<1600000xf32, #tpu.memory_space<hbm>>
    tpu.wait_indirect_dma semaphore(%arg14 : memref<!tpu.dma_semaphore, #tpu.memory_space<semaphore_mem>>) src(%dma_wait3A_1086 : memref<1600000xf32, #tpu.memory_space<hbm>>) dst(%dma_wait3A_1081 : memref<256xf32, #tpu.memory_space<vmem>>)
    %dma_wait3A_1087 = arith.constant 11 : i32
    %dma_wait3A_1088 = arith.constant 11 : i32
    %dma_wait3A_1089 = arith.constant 0 : i32
    %dma_wait3A_1090 = tpu.memref_slice %arg11[%dma_wait3A_1088, %dma_wait3A_1089] : memref<16x512xf32, #tpu.memory_space<vmem>> -> memref<1x256xf32, #tpu.memory_space<vmem>>
    %dma_wait3A_1091 = tpu.memref_squeeze %dma_wait3A_1090 : memref<1x256xf32, #tpu.memory_space<vmem>> -> memref<256xf32, #tpu.memory_space<vmem>>
    %dma_wait3A_1092 = arith.constant 0 : i32
    %dma_wait3A_1093 = tpu.memref_slice %arg9[%dma_wait3A_1087, %dma_wait3A_1092] : memref<16x512xi32, #tpu.memory_space<vmem>> -> memref<1x256xi32, #tpu.memory_space<vmem>>
    %dma_wait3A_1094 = tpu.memref_squeeze %dma_wait3A_1093 : memref<1x256xi32, #tpu.memory_space<vmem>> -> memref<256xi32, #tpu.memory_space<vmem>>
    %dma_wait3A_1095 = arith.constant 0 : i32
    %dma_wait3A_1096 = tpu.memref_slice %arg4[%dma_wait3A_1095] : memref<1600000xf32, #tpu.memory_space<hbm>> -> memref<1600000xf32, #tpu.memory_space<hbm>>
    tpu.wait_indirect_dma semaphore(%arg13 : memref<!tpu.dma_semaphore, #tpu.memory_space<semaphore_mem>>) src(%dma_wait3A_1096 : memref<1600000xf32, #tpu.memory_space<hbm>>) dst(%dma_wait3A_1091 : memref<256xf32, #tpu.memory_space<vmem>>)
    %dma_wait3A_1097 = arith.constant 11 : i32
    %dma_wait3A_1098 = arith.constant 11 : i32
    %dma_wait3A_1099 = arith.constant 0 : i32
    %dma_wait3A_1100 = tpu.memref_slice %arg12[%dma_wait3A_1098, %dma_wait3A_1099] : memref<16x512xf32, #tpu.memory_space<vmem>> -> memref<1x256xf32, #tpu.memory_space<vmem>>
    %dma_wait3A_1101 = tpu.memref_squeeze %dma_wait3A_1100 : memref<1x256xf32, #tpu.memory_space<vmem>> -> memref<256xf32, #tpu.memory_space<vmem>>
    %dma_wait3A_1102 = arith.constant 0 : i32
    %dma_wait3A_1103 = tpu.memref_slice %arg10[%dma_wait3A_1097, %dma_wait3A_1102] : memref<16x512xi32, #tpu.memory_space<vmem>> -> memref<1x256xi32, #tpu.memory_space<vmem>>
    %dma_wait3A_1104 = tpu.memref_squeeze %dma_wait3A_1103 : memref<1x256xi32, #tpu.memory_space<vmem>> -> memref<256xi32, #tpu.memory_space<vmem>>
    %dma_wait3A_1105 = arith.constant 0 : i32
    %dma_wait3A_1106 = tpu.memref_slice %arg4[%dma_wait3A_1105] : memref<1600000xf32, #tpu.memory_space<hbm>> -> memref<1600000xf32, #tpu.memory_space<hbm>>
    tpu.wait_indirect_dma semaphore(%arg14 : memref<!tpu.dma_semaphore, #tpu.memory_space<semaphore_mem>>) src(%dma_wait3A_1106 : memref<1600000xf32, #tpu.memory_space<hbm>>) dst(%dma_wait3A_1101 : memref<256xf32, #tpu.memory_space<vmem>>)
    %dma_wait3A_1107 = arith.constant 11 : i32
    %dma_wait3A_1108 = arith.constant 11 : i32
    %dma_wait3A_1109 = arith.constant 256 : i32
    %dma_wait3A_1110 = tpu.memref_slice %arg11[%dma_wait3A_1108, %dma_wait3A_1109] : memref<16x512xf32, #tpu.memory_space<vmem>> -> memref<1x256xf32, #tpu.memory_space<vmem>>
    %dma_wait3A_1111 = tpu.memref_squeeze %dma_wait3A_1110 : memref<1x256xf32, #tpu.memory_space<vmem>> -> memref<256xf32, #tpu.memory_space<vmem>>
    %dma_wait3A_1112 = arith.constant 256 : i32
    %dma_wait3A_1113 = tpu.memref_slice %arg9[%dma_wait3A_1107, %dma_wait3A_1112] : memref<16x512xi32, #tpu.memory_space<vmem>> -> memref<1x256xi32, #tpu.memory_space<vmem>>
    %dma_wait3A_1114 = tpu.memref_squeeze %dma_wait3A_1113 : memref<1x256xi32, #tpu.memory_space<vmem>> -> memref<256xi32, #tpu.memory_space<vmem>>
    %dma_wait3A_1115 = arith.constant 0 : i32
    %dma_wait3A_1116 = tpu.memref_slice %arg4[%dma_wait3A_1115] : memref<1600000xf32, #tpu.memory_space<hbm>> -> memref<1600000xf32, #tpu.memory_space<hbm>>
    tpu.wait_indirect_dma semaphore(%arg13 : memref<!tpu.dma_semaphore, #tpu.memory_space<semaphore_mem>>) src(%dma_wait3A_1116 : memref<1600000xf32, #tpu.memory_space<hbm>>) dst(%dma_wait3A_1111 : memref<256xf32, #tpu.memory_space<vmem>>)
    %dma_wait3A_1117 = arith.constant 11 : i32
    %dma_wait3A_1118 = arith.constant 11 : i32
    %dma_wait3A_1119 = arith.constant 256 : i32
    %dma_wait3A_1120 = tpu.memref_slice %arg12[%dma_wait3A_1118, %dma_wait3A_1119] : memref<16x512xf32, #tpu.memory_space<vmem>> -> memref<1x256xf32, #tpu.memory_space<vmem>>
    %dma_wait3A_1121 = tpu.memref_squeeze %dma_wait3A_1120 : memref<1x256xf32, #tpu.memory_space<vmem>> -> memref<256xf32, #tpu.memory_space<vmem>>
    %dma_wait3A_1122 = arith.constant 256 : i32
    %dma_wait3A_1123 = tpu.memref_slice %arg10[%dma_wait3A_1117, %dma_wait3A_1122] : memref<16x512xi32, #tpu.memory_space<vmem>> -> memref<1x256xi32, #tpu.memory_space<vmem>>
    %dma_wait3A_1124 = tpu.memref_squeeze %dma_wait3A_1123 : memref<1x256xi32, #tpu.memory_space<vmem>> -> memref<256xi32, #tpu.memory_space<vmem>>
    %dma_wait3A_1125 = arith.constant 0 : i32
    %dma_wait3A_1126 = tpu.memref_slice %arg4[%dma_wait3A_1125] : memref<1600000xf32, #tpu.memory_space<hbm>> -> memref<1600000xf32, #tpu.memory_space<hbm>>
    tpu.wait_indirect_dma semaphore(%arg14 : memref<!tpu.dma_semaphore, #tpu.memory_space<semaphore_mem>>) src(%dma_wait3A_1126 : memref<1600000xf32, #tpu.memory_space<hbm>>) dst(%dma_wait3A_1121 : memref<256xf32, #tpu.memory_space<vmem>>)
    %dma_wait3A_1127 = arith.constant 12 : i32
    %dma_wait3A_1128 = arith.constant 12 : i32
    %dma_wait3A_1129 = arith.constant 0 : i32
    %dma_wait3A_1130 = tpu.memref_slice %arg11[%dma_wait3A_1128, %dma_wait3A_1129] : memref<16x512xf32, #tpu.memory_space<vmem>> -> memref<1x256xf32, #tpu.memory_space<vmem>>
    %dma_wait3A_1131 = tpu.memref_squeeze %dma_wait3A_1130 : memref<1x256xf32, #tpu.memory_space<vmem>> -> memref<256xf32, #tpu.memory_space<vmem>>
    %dma_wait3A_1132 = arith.constant 0 : i32
    %dma_wait3A_1133 = tpu.memref_slice %arg9[%dma_wait3A_1127, %dma_wait3A_1132] : memref<16x512xi32, #tpu.memory_space<vmem>> -> memref<1x256xi32, #tpu.memory_space<vmem>>
    %dma_wait3A_1134 = tpu.memref_squeeze %dma_wait3A_1133 : memref<1x256xi32, #tpu.memory_space<vmem>> -> memref<256xi32, #tpu.memory_space<vmem>>
    %dma_wait3A_1135 = arith.constant 0 : i32
    %dma_wait3A_1136 = tpu.memref_slice %arg4[%dma_wait3A_1135] : memref<1600000xf32, #tpu.memory_space<hbm>> -> memref<1600000xf32, #tpu.memory_space<hbm>>
    tpu.wait_indirect_dma semaphore(%arg13 : memref<!tpu.dma_semaphore, #tpu.memory_space<semaphore_mem>>) src(%dma_wait3A_1136 : memref<1600000xf32, #tpu.memory_space<hbm>>) dst(%dma_wait3A_1131 : memref<256xf32, #tpu.memory_space<vmem>>)
    %dma_wait3A_1137 = arith.constant 12 : i32
    %dma_wait3A_1138 = arith.constant 12 : i32
    %dma_wait3A_1139 = arith.constant 0 : i32
    %dma_wait3A_1140 = tpu.memref_slice %arg12[%dma_wait3A_1138, %dma_wait3A_1139] : memref<16x512xf32, #tpu.memory_space<vmem>> -> memref<1x256xf32, #tpu.memory_space<vmem>>
    %dma_wait3A_1141 = tpu.memref_squeeze %dma_wait3A_1140 : memref<1x256xf32, #tpu.memory_space<vmem>> -> memref<256xf32, #tpu.memory_space<vmem>>
    %dma_wait3A_1142 = arith.constant 0 : i32
    %dma_wait3A_1143 = tpu.memref_slice %arg10[%dma_wait3A_1137, %dma_wait3A_1142] : memref<16x512xi32, #tpu.memory_space<vmem>> -> memref<1x256xi32, #tpu.memory_space<vmem>>
    %dma_wait3A_1144 = tpu.memref_squeeze %dma_wait3A_1143 : memref<1x256xi32, #tpu.memory_space<vmem>> -> memref<256xi32, #tpu.memory_space<vmem>>
    %dma_wait3A_1145 = arith.constant 0 : i32
    %dma_wait3A_1146 = tpu.memref_slice %arg4[%dma_wait3A_1145] : memref<1600000xf32, #tpu.memory_space<hbm>> -> memref<1600000xf32, #tpu.memory_space<hbm>>
    tpu.wait_indirect_dma semaphore(%arg14 : memref<!tpu.dma_semaphore, #tpu.memory_space<semaphore_mem>>) src(%dma_wait3A_1146 : memref<1600000xf32, #tpu.memory_space<hbm>>) dst(%dma_wait3A_1141 : memref<256xf32, #tpu.memory_space<vmem>>)
    %dma_wait3A_1147 = arith.constant 12 : i32
    %dma_wait3A_1148 = arith.constant 12 : i32
    %dma_wait3A_1149 = arith.constant 256 : i32
    %dma_wait3A_1150 = tpu.memref_slice %arg11[%dma_wait3A_1148, %dma_wait3A_1149] : memref<16x512xf32, #tpu.memory_space<vmem>> -> memref<1x256xf32, #tpu.memory_space<vmem>>
    %dma_wait3A_1151 = tpu.memref_squeeze %dma_wait3A_1150 : memref<1x256xf32, #tpu.memory_space<vmem>> -> memref<256xf32, #tpu.memory_space<vmem>>
    %dma_wait3A_1152 = arith.constant 256 : i32
    %dma_wait3A_1153 = tpu.memref_slice %arg9[%dma_wait3A_1147, %dma_wait3A_1152] : memref<16x512xi32, #tpu.memory_space<vmem>> -> memref<1x256xi32, #tpu.memory_space<vmem>>
    %dma_wait3A_1154 = tpu.memref_squeeze %dma_wait3A_1153 : memref<1x256xi32, #tpu.memory_space<vmem>> -> memref<256xi32, #tpu.memory_space<vmem>>
    %dma_wait3A_1155 = arith.constant 0 : i32
    %dma_wait3A_1156 = tpu.memref_slice %arg4[%dma_wait3A_1155] : memref<1600000xf32, #tpu.memory_space<hbm>> -> memref<1600000xf32, #tpu.memory_space<hbm>>
    tpu.wait_indirect_dma semaphore(%arg13 : memref<!tpu.dma_semaphore, #tpu.memory_space<semaphore_mem>>) src(%dma_wait3A_1156 : memref<1600000xf32, #tpu.memory_space<hbm>>) dst(%dma_wait3A_1151 : memref<256xf32, #tpu.memory_space<vmem>>)
    %dma_wait3A_1157 = arith.constant 12 : i32
    %dma_wait3A_1158 = arith.constant 12 : i32
    %dma_wait3A_1159 = arith.constant 256 : i32
    %dma_wait3A_1160 = tpu.memref_slice %arg12[%dma_wait3A_1158, %dma_wait3A_1159] : memref<16x512xf32, #tpu.memory_space<vmem>> -> memref<1x256xf32, #tpu.memory_space<vmem>>
    %dma_wait3A_1161 = tpu.memref_squeeze %dma_wait3A_1160 : memref<1x256xf32, #tpu.memory_space<vmem>> -> memref<256xf32, #tpu.memory_space<vmem>>
    %dma_wait3A_1162 = arith.constant 256 : i32
    %dma_wait3A_1163 = tpu.memref_slice %arg10[%dma_wait3A_1157, %dma_wait3A_1162] : memref<16x512xi32, #tpu.memory_space<vmem>> -> memref<1x256xi32, #tpu.memory_space<vmem>>
    %dma_wait3A_1164 = tpu.memref_squeeze %dma_wait3A_1163 : memref<1x256xi32, #tpu.memory_space<vmem>> -> memref<256xi32, #tpu.memory_space<vmem>>
    %dma_wait3A_1165 = arith.constant 0 : i32
    %dma_wait3A_1166 = tpu.memref_slice %arg4[%dma_wait3A_1165] : memref<1600000xf32, #tpu.memory_space<hbm>> -> memref<1600000xf32, #tpu.memory_space<hbm>>
    tpu.wait_indirect_dma semaphore(%arg14 : memref<!tpu.dma_semaphore, #tpu.memory_space<semaphore_mem>>) src(%dma_wait3A_1166 : memref<1600000xf32, #tpu.memory_space<hbm>>) dst(%dma_wait3A_1161 : memref<256xf32, #tpu.memory_space<vmem>>)
    %dma_wait3A_1167 = arith.constant 13 : i32
    %dma_wait3A_1168 = arith.constant 13 : i32
    %dma_wait3A_1169 = arith.constant 0 : i32
    %dma_wait3A_1170 = tpu.memref_slice %arg11[%dma_wait3A_1168, %dma_wait3A_1169] : memref<16x512xf32, #tpu.memory_space<vmem>> -> memref<1x256xf32, #tpu.memory_space<vmem>>
    %dma_wait3A_1171 = tpu.memref_squeeze %dma_wait3A_1170 : memref<1x256xf32, #tpu.memory_space<vmem>> -> memref<256xf32, #tpu.memory_space<vmem>>
    %dma_wait3A_1172 = arith.constant 0 : i32
    %dma_wait3A_1173 = tpu.memref_slice %arg9[%dma_wait3A_1167, %dma_wait3A_1172] : memref<16x512xi32, #tpu.memory_space<vmem>> -> memref<1x256xi32, #tpu.memory_space<vmem>>
    %dma_wait3A_1174 = tpu.memref_squeeze %dma_wait3A_1173 : memref<1x256xi32, #tpu.memory_space<vmem>> -> memref<256xi32, #tpu.memory_space<vmem>>
    %dma_wait3A_1175 = arith.constant 0 : i32
    %dma_wait3A_1176 = tpu.memref_slice %arg4[%dma_wait3A_1175] : memref<1600000xf32, #tpu.memory_space<hbm>> -> memref<1600000xf32, #tpu.memory_space<hbm>>
    tpu.wait_indirect_dma semaphore(%arg13 : memref<!tpu.dma_semaphore, #tpu.memory_space<semaphore_mem>>) src(%dma_wait3A_1176 : memref<1600000xf32, #tpu.memory_space<hbm>>) dst(%dma_wait3A_1171 : memref<256xf32, #tpu.memory_space<vmem>>)
    %dma_wait3A_1177 = arith.constant 13 : i32
    %dma_wait3A_1178 = arith.constant 13 : i32
    %dma_wait3A_1179 = arith.constant 0 : i32
    %dma_wait3A_1180 = tpu.memref_slice %arg12[%dma_wait3A_1178, %dma_wait3A_1179] : memref<16x512xf32, #tpu.memory_space<vmem>> -> memref<1x256xf32, #tpu.memory_space<vmem>>
    %dma_wait3A_1181 = tpu.memref_squeeze %dma_wait3A_1180 : memref<1x256xf32, #tpu.memory_space<vmem>> -> memref<256xf32, #tpu.memory_space<vmem>>
    %dma_wait3A_1182 = arith.constant 0 : i32
    %dma_wait3A_1183 = tpu.memref_slice %arg10[%dma_wait3A_1177, %dma_wait3A_1182] : memref<16x512xi32, #tpu.memory_space<vmem>> -> memref<1x256xi32, #tpu.memory_space<vmem>>
    %dma_wait3A_1184 = tpu.memref_squeeze %dma_wait3A_1183 : memref<1x256xi32, #tpu.memory_space<vmem>> -> memref<256xi32, #tpu.memory_space<vmem>>
    %dma_wait3A_1185 = arith.constant 0 : i32
    %dma_wait3A_1186 = tpu.memref_slice %arg4[%dma_wait3A_1185] : memref<1600000xf32, #tpu.memory_space<hbm>> -> memref<1600000xf32, #tpu.memory_space<hbm>>
    tpu.wait_indirect_dma semaphore(%arg14 : memref<!tpu.dma_semaphore, #tpu.memory_space<semaphore_mem>>) src(%dma_wait3A_1186 : memref<1600000xf32, #tpu.memory_space<hbm>>) dst(%dma_wait3A_1181 : memref<256xf32, #tpu.memory_space<vmem>>)
    %dma_wait3A_1187 = arith.constant 13 : i32
    %dma_wait3A_1188 = arith.constant 13 : i32
    %dma_wait3A_1189 = arith.constant 256 : i32
    %dma_wait3A_1190 = tpu.memref_slice %arg11[%dma_wait3A_1188, %dma_wait3A_1189] : memref<16x512xf32, #tpu.memory_space<vmem>> -> memref<1x256xf32, #tpu.memory_space<vmem>>
    %dma_wait3A_1191 = tpu.memref_squeeze %dma_wait3A_1190 : memref<1x256xf32, #tpu.memory_space<vmem>> -> memref<256xf32, #tpu.memory_space<vmem>>
    %dma_wait3A_1192 = arith.constant 256 : i32
    %dma_wait3A_1193 = tpu.memref_slice %arg9[%dma_wait3A_1187, %dma_wait3A_1192] : memref<16x512xi32, #tpu.memory_space<vmem>> -> memref<1x256xi32, #tpu.memory_space<vmem>>
    %dma_wait3A_1194 = tpu.memref_squeeze %dma_wait3A_1193 : memref<1x256xi32, #tpu.memory_space<vmem>> -> memref<256xi32, #tpu.memory_space<vmem>>
    %dma_wait3A_1195 = arith.constant 0 : i32
    %dma_wait3A_1196 = tpu.memref_slice %arg4[%dma_wait3A_1195] : memref<1600000xf32, #tpu.memory_space<hbm>> -> memref<1600000xf32, #tpu.memory_space<hbm>>
    tpu.wait_indirect_dma semaphore(%arg13 : memref<!tpu.dma_semaphore, #tpu.memory_space<semaphore_mem>>) src(%dma_wait3A_1196 : memref<1600000xf32, #tpu.memory_space<hbm>>) dst(%dma_wait3A_1191 : memref<256xf32, #tpu.memory_space<vmem>>)
    %dma_wait3A_1197 = arith.constant 13 : i32
    %dma_wait3A_1198 = arith.constant 13 : i32
    %dma_wait3A_1199 = arith.constant 256 : i32
    %dma_wait3A_1200 = tpu.memref_slice %arg12[%dma_wait3A_1198, %dma_wait3A_1199] : memref<16x512xf32, #tpu.memory_space<vmem>> -> memref<1x256xf32, #tpu.memory_space<vmem>>
    %dma_wait3A_1201 = tpu.memref_squeeze %dma_wait3A_1200 : memref<1x256xf32, #tpu.memory_space<vmem>> -> memref<256xf32, #tpu.memory_space<vmem>>
    %dma_wait3A_1202 = arith.constant 256 : i32
    %dma_wait3A_1203 = tpu.memref_slice %arg10[%dma_wait3A_1197, %dma_wait3A_1202] : memref<16x512xi32, #tpu.memory_space<vmem>> -> memref<1x256xi32, #tpu.memory_space<vmem>>
    %dma_wait3A_1204 = tpu.memref_squeeze %dma_wait3A_1203 : memref<1x256xi32, #tpu.memory_space<vmem>> -> memref<256xi32, #tpu.memory_space<vmem>>
    %dma_wait3A_1205 = arith.constant 0 : i32
    %dma_wait3A_1206 = tpu.memref_slice %arg4[%dma_wait3A_1205] : memref<1600000xf32, #tpu.memory_space<hbm>> -> memref<1600000xf32, #tpu.memory_space<hbm>>
    tpu.wait_indirect_dma semaphore(%arg14 : memref<!tpu.dma_semaphore, #tpu.memory_space<semaphore_mem>>) src(%dma_wait3A_1206 : memref<1600000xf32, #tpu.memory_space<hbm>>) dst(%dma_wait3A_1201 : memref<256xf32, #tpu.memory_space<vmem>>)
    %dma_wait3A_1207 = arith.constant 14 : i32
    %dma_wait3A_1208 = arith.constant 14 : i32
    %dma_wait3A_1209 = arith.constant 0 : i32
    %dma_wait3A_1210 = tpu.memref_slice %arg11[%dma_wait3A_1208, %dma_wait3A_1209] : memref<16x512xf32, #tpu.memory_space<vmem>> -> memref<1x256xf32, #tpu.memory_space<vmem>>
    %dma_wait3A_1211 = tpu.memref_squeeze %dma_wait3A_1210 : memref<1x256xf32, #tpu.memory_space<vmem>> -> memref<256xf32, #tpu.memory_space<vmem>>
    %dma_wait3A_1212 = arith.constant 0 : i32
    %dma_wait3A_1213 = tpu.memref_slice %arg9[%dma_wait3A_1207, %dma_wait3A_1212] : memref<16x512xi32, #tpu.memory_space<vmem>> -> memref<1x256xi32, #tpu.memory_space<vmem>>
    %dma_wait3A_1214 = tpu.memref_squeeze %dma_wait3A_1213 : memref<1x256xi32, #tpu.memory_space<vmem>> -> memref<256xi32, #tpu.memory_space<vmem>>
    %dma_wait3A_1215 = arith.constant 0 : i32
    %dma_wait3A_1216 = tpu.memref_slice %arg4[%dma_wait3A_1215] : memref<1600000xf32, #tpu.memory_space<hbm>> -> memref<1600000xf32, #tpu.memory_space<hbm>>
    tpu.wait_indirect_dma semaphore(%arg13 : memref<!tpu.dma_semaphore, #tpu.memory_space<semaphore_mem>>) src(%dma_wait3A_1216 : memref<1600000xf32, #tpu.memory_space<hbm>>) dst(%dma_wait3A_1211 : memref<256xf32, #tpu.memory_space<vmem>>)
    %dma_wait3A_1217 = arith.constant 14 : i32
    %dma_wait3A_1218 = arith.constant 14 : i32
    %dma_wait3A_1219 = arith.constant 0 : i32
    %dma_wait3A_1220 = tpu.memref_slice %arg12[%dma_wait3A_1218, %dma_wait3A_1219] : memref<16x512xf32, #tpu.memory_space<vmem>> -> memref<1x256xf32, #tpu.memory_space<vmem>>
    %dma_wait3A_1221 = tpu.memref_squeeze %dma_wait3A_1220 : memref<1x256xf32, #tpu.memory_space<vmem>> -> memref<256xf32, #tpu.memory_space<vmem>>
    %dma_wait3A_1222 = arith.constant 0 : i32
    %dma_wait3A_1223 = tpu.memref_slice %arg10[%dma_wait3A_1217, %dma_wait3A_1222] : memref<16x512xi32, #tpu.memory_space<vmem>> -> memref<1x256xi32, #tpu.memory_space<vmem>>
    %dma_wait3A_1224 = tpu.memref_squeeze %dma_wait3A_1223 : memref<1x256xi32, #tpu.memory_space<vmem>> -> memref<256xi32, #tpu.memory_space<vmem>>
    %dma_wait3A_1225 = arith.constant 0 : i32
    %dma_wait3A_1226 = tpu.memref_slice %arg4[%dma_wait3A_1225] : memref<1600000xf32, #tpu.memory_space<hbm>> -> memref<1600000xf32, #tpu.memory_space<hbm>>
    tpu.wait_indirect_dma semaphore(%arg14 : memref<!tpu.dma_semaphore, #tpu.memory_space<semaphore_mem>>) src(%dma_wait3A_1226 : memref<1600000xf32, #tpu.memory_space<hbm>>) dst(%dma_wait3A_1221 : memref<256xf32, #tpu.memory_space<vmem>>)
    %dma_wait3A_1227 = arith.constant 14 : i32
    %dma_wait3A_1228 = arith.constant 14 : i32
    %dma_wait3A_1229 = arith.constant 256 : i32
    %dma_wait3A_1230 = tpu.memref_slice %arg11[%dma_wait3A_1228, %dma_wait3A_1229] : memref<16x512xf32, #tpu.memory_space<vmem>> -> memref<1x256xf32, #tpu.memory_space<vmem>>
    %dma_wait3A_1231 = tpu.memref_squeeze %dma_wait3A_1230 : memref<1x256xf32, #tpu.memory_space<vmem>> -> memref<256xf32, #tpu.memory_space<vmem>>
    %dma_wait3A_1232 = arith.constant 256 : i32
    %dma_wait3A_1233 = tpu.memref_slice %arg9[%dma_wait3A_1227, %dma_wait3A_1232] : memref<16x512xi32, #tpu.memory_space<vmem>> -> memref<1x256xi32, #tpu.memory_space<vmem>>
    %dma_wait3A_1234 = tpu.memref_squeeze %dma_wait3A_1233 : memref<1x256xi32, #tpu.memory_space<vmem>> -> memref<256xi32, #tpu.memory_space<vmem>>
    %dma_wait3A_1235 = arith.constant 0 : i32
    %dma_wait3A_1236 = tpu.memref_slice %arg4[%dma_wait3A_1235] : memref<1600000xf32, #tpu.memory_space<hbm>> -> memref<1600000xf32, #tpu.memory_space<hbm>>
    tpu.wait_indirect_dma semaphore(%arg13 : memref<!tpu.dma_semaphore, #tpu.memory_space<semaphore_mem>>) src(%dma_wait3A_1236 : memref<1600000xf32, #tpu.memory_space<hbm>>) dst(%dma_wait3A_1231 : memref<256xf32, #tpu.memory_space<vmem>>)
    %dma_wait3A_1237 = arith.constant 14 : i32
    %dma_wait3A_1238 = arith.constant 14 : i32
    %dma_wait3A_1239 = arith.constant 256 : i32
    %dma_wait3A_1240 = tpu.memref_slice %arg12[%dma_wait3A_1238, %dma_wait3A_1239] : memref<16x512xf32, #tpu.memory_space<vmem>> -> memref<1x256xf32, #tpu.memory_space<vmem>>
    %dma_wait3A_1241 = tpu.memref_squeeze %dma_wait3A_1240 : memref<1x256xf32, #tpu.memory_space<vmem>> -> memref<256xf32, #tpu.memory_space<vmem>>
    %dma_wait3A_1242 = arith.constant 256 : i32
    %dma_wait3A_1243 = tpu.memref_slice %arg10[%dma_wait3A_1237, %dma_wait3A_1242] : memref<16x512xi32, #tpu.memory_space<vmem>> -> memref<1x256xi32, #tpu.memory_space<vmem>>
    %dma_wait3A_1244 = tpu.memref_squeeze %dma_wait3A_1243 : memref<1x256xi32, #tpu.memory_space<vmem>> -> memref<256xi32, #tpu.memory_space<vmem>>
    %dma_wait3A_1245 = arith.constant 0 : i32
    %dma_wait3A_1246 = tpu.memref_slice %arg4[%dma_wait3A_1245] : memref<1600000xf32, #tpu.memory_space<hbm>> -> memref<1600000xf32, #tpu.memory_space<hbm>>
    tpu.wait_indirect_dma semaphore(%arg14 : memref<!tpu.dma_semaphore, #tpu.memory_space<semaphore_mem>>) src(%dma_wait3A_1246 : memref<1600000xf32, #tpu.memory_space<hbm>>) dst(%dma_wait3A_1241 : memref<256xf32, #tpu.memory_space<vmem>>)
    %dma_wait3A_1247 = arith.constant 15 : i32
    %dma_wait3A_1248 = arith.constant 15 : i32
    %dma_wait3A_1249 = arith.constant 0 : i32
    %dma_wait3A_1250 = tpu.memref_slice %arg11[%dma_wait3A_1248, %dma_wait3A_1249] : memref<16x512xf32, #tpu.memory_space<vmem>> -> memref<1x256xf32, #tpu.memory_space<vmem>>
    %dma_wait3A_1251 = tpu.memref_squeeze %dma_wait3A_1250 : memref<1x256xf32, #tpu.memory_space<vmem>> -> memref<256xf32, #tpu.memory_space<vmem>>
    %dma_wait3A_1252 = arith.constant 0 : i32
    %dma_wait3A_1253 = tpu.memref_slice %arg9[%dma_wait3A_1247, %dma_wait3A_1252] : memref<16x512xi32, #tpu.memory_space<vmem>> -> memref<1x256xi32, #tpu.memory_space<vmem>>
    %dma_wait3A_1254 = tpu.memref_squeeze %dma_wait3A_1253 : memref<1x256xi32, #tpu.memory_space<vmem>> -> memref<256xi32, #tpu.memory_space<vmem>>
    %dma_wait3A_1255 = arith.constant 0 : i32
    %dma_wait3A_1256 = tpu.memref_slice %arg4[%dma_wait3A_1255] : memref<1600000xf32, #tpu.memory_space<hbm>> -> memref<1600000xf32, #tpu.memory_space<hbm>>
    tpu.wait_indirect_dma semaphore(%arg13 : memref<!tpu.dma_semaphore, #tpu.memory_space<semaphore_mem>>) src(%dma_wait3A_1256 : memref<1600000xf32, #tpu.memory_space<hbm>>) dst(%dma_wait3A_1251 : memref<256xf32, #tpu.memory_space<vmem>>)
    %dma_wait3A_1257 = arith.constant 15 : i32
    %dma_wait3A_1258 = arith.constant 15 : i32
    %dma_wait3A_1259 = arith.constant 0 : i32
    %dma_wait3A_1260 = tpu.memref_slice %arg12[%dma_wait3A_1258, %dma_wait3A_1259] : memref<16x512xf32, #tpu.memory_space<vmem>> -> memref<1x256xf32, #tpu.memory_space<vmem>>
    %dma_wait3A_1261 = tpu.memref_squeeze %dma_wait3A_1260 : memref<1x256xf32, #tpu.memory_space<vmem>> -> memref<256xf32, #tpu.memory_space<vmem>>
    %dma_wait3A_1262 = arith.constant 0 : i32
    %dma_wait3A_1263 = tpu.memref_slice %arg10[%dma_wait3A_1257, %dma_wait3A_1262] : memref<16x512xi32, #tpu.memory_space<vmem>> -> memref<1x256xi32, #tpu.memory_space<vmem>>
    %dma_wait3A_1264 = tpu.memref_squeeze %dma_wait3A_1263 : memref<1x256xi32, #tpu.memory_space<vmem>> -> memref<256xi32, #tpu.memory_space<vmem>>
    %dma_wait3A_1265 = arith.constant 0 : i32
    %dma_wait3A_1266 = tpu.memref_slice %arg4[%dma_wait3A_1265] : memref<1600000xf32, #tpu.memory_space<hbm>> -> memref<1600000xf32, #tpu.memory_space<hbm>>
    tpu.wait_indirect_dma semaphore(%arg14 : memref<!tpu.dma_semaphore, #tpu.memory_space<semaphore_mem>>) src(%dma_wait3A_1266 : memref<1600000xf32, #tpu.memory_space<hbm>>) dst(%dma_wait3A_1261 : memref<256xf32, #tpu.memory_space<vmem>>)
    %dma_wait3A_1267 = arith.constant 15 : i32
    %dma_wait3A_1268 = arith.constant 15 : i32
    %dma_wait3A_1269 = arith.constant 256 : i32
    %dma_wait3A_1270 = tpu.memref_slice %arg11[%dma_wait3A_1268, %dma_wait3A_1269] : memref<16x512xf32, #tpu.memory_space<vmem>> -> memref<1x256xf32, #tpu.memory_space<vmem>>
    %dma_wait3A_1271 = tpu.memref_squeeze %dma_wait3A_1270 : memref<1x256xf32, #tpu.memory_space<vmem>> -> memref<256xf32, #tpu.memory_space<vmem>>
    %dma_wait3A_1272 = arith.constant 256 : i32
    %dma_wait3A_1273 = tpu.memref_slice %arg9[%dma_wait3A_1267, %dma_wait3A_1272] : memref<16x512xi32, #tpu.memory_space<vmem>> -> memref<1x256xi32, #tpu.memory_space<vmem>>
    %dma_wait3A_1274 = tpu.memref_squeeze %dma_wait3A_1273 : memref<1x256xi32, #tpu.memory_space<vmem>> -> memref<256xi32, #tpu.memory_space<vmem>>
    %dma_wait3A_1275 = arith.constant 0 : i32
    %dma_wait3A_1276 = tpu.memref_slice %arg4[%dma_wait3A_1275] : memref<1600000xf32, #tpu.memory_space<hbm>> -> memref<1600000xf32, #tpu.memory_space<hbm>>
    tpu.wait_indirect_dma semaphore(%arg13 : memref<!tpu.dma_semaphore, #tpu.memory_space<semaphore_mem>>) src(%dma_wait3A_1276 : memref<1600000xf32, #tpu.memory_space<hbm>>) dst(%dma_wait3A_1271 : memref<256xf32, #tpu.memory_space<vmem>>)
    %dma_wait3A_1277 = arith.constant 15 : i32
    %dma_wait3A_1278 = arith.constant 15 : i32
    %dma_wait3A_1279 = arith.constant 256 : i32
    %dma_wait3A_1280 = tpu.memref_slice %arg12[%dma_wait3A_1278, %dma_wait3A_1279] : memref<16x512xf32, #tpu.memory_space<vmem>> -> memref<1x256xf32, #tpu.memory_space<vmem>>
    %dma_wait3A_1281 = tpu.memref_squeeze %dma_wait3A_1280 : memref<1x256xf32, #tpu.memory_space<vmem>> -> memref<256xf32, #tpu.memory_space<vmem>>
    %dma_wait3A_1282 = arith.constant 256 : i32
    %dma_wait3A_1283 = tpu.memref_slice %arg10[%dma_wait3A_1277, %dma_wait3A_1282] : memref<16x512xi32, #tpu.memory_space<vmem>> -> memref<1x256xi32, #tpu.memory_space<vmem>>
    %dma_wait3A_1284 = tpu.memref_squeeze %dma_wait3A_1283 : memref<1x256xi32, #tpu.memory_space<vmem>> -> memref<256xi32, #tpu.memory_space<vmem>>
    %dma_wait3A_1285 = arith.constant 0 : i32
    %dma_wait3A_1286 = tpu.memref_slice %arg4[%dma_wait3A_1285] : memref<1600000xf32, #tpu.memory_space<hbm>> -> memref<1600000xf32, #tpu.memory_space<hbm>>
    tpu.wait_indirect_dma semaphore(%arg14 : memref<!tpu.dma_semaphore, #tpu.memory_space<semaphore_mem>>) src(%dma_wait3A_1286 : memref<1600000xf32, #tpu.memory_space<hbm>>) dst(%dma_wait3A_1281 : memref<256xf32, #tpu.memory_space<vmem>>)
    "tpu.region"() ({
      %run_scoped3A = tpu.sem_alloc : memref<!tpu.dma_semaphore, #tpu.memory_space<semaphore_mem>>
      %dma_start3A_1287 = arith.constant 0 : i32
      %dma_start3A_1288 = tpu.memref_slice %arg5[%dma_start3A_1287, %mul3A_2] : memref<16x16384xf32, #tpu.memory_space<hbm>> -> memref<16x512xf32, #tpu.memory_space<hbm>>
      %dma_start3A_1289 = arith.constant 0 : i32
      %dma_start3A_1290 = tpu.memref_slice %arg5[%dma_start3A_1289, %mul3A_2] : memref<16x16384xf32, #tpu.memory_space<hbm>> -> memref<16x512xf32, #tpu.memory_space<hbm>>
      tpu.enqueue_dma source(%arg11 : memref<16x512xf32, #tpu.memory_space<vmem>>) target(%dma_start3A_1290 : memref<16x512xf32, #tpu.memory_space<hbm>>) target_semaphore(%run_scoped3A : memref<!tpu.dma_semaphore, #tpu.memory_space<semaphore_mem>>)
      %dma_wait3A_1291 = arith.constant 0 : i32
      %dma_wait3A_1292 = tpu.memref_slice %arg5[%dma_wait3A_1291, %mul3A_2] : memref<16x16384xf32, #tpu.memory_space<hbm>> -> memref<16x512xf32, #tpu.memory_space<hbm>>
      %dma_wait3A_1293 = arith.constant 0 : i32
      %dma_wait3A_1294 = tpu.memref_slice %arg5[%dma_wait3A_1293, %mul3A_2] : memref<16x16384xf32, #tpu.memory_space<hbm>> -> memref<16x512xf32, #tpu.memory_space<hbm>>
      tpu.wait_dma2 semaphore(%run_scoped3A : memref<!tpu.dma_semaphore, #tpu.memory_space<semaphore_mem>>) src(%arg11 : memref<16x512xf32, #tpu.memory_space<vmem>>) dst(%dma_wait3A_1294 : memref<16x512xf32, #tpu.memory_space<hbm>>)
      tpu.yield
    }) : () -> ()
    "tpu.region"() ({
      %run_scoped3A = tpu.sem_alloc : memref<!tpu.dma_semaphore, #tpu.memory_space<semaphore_mem>>
      %dma_start3A_1287 = arith.constant 0 : i32
      %dma_start3A_1288 = tpu.memref_slice %arg6[%dma_start3A_1287, %mul3A_2] : memref<16x16384xf32, #tpu.memory_space<hbm>> -> memref<16x512xf32, #tpu.memory_space<hbm>>
      %dma_start3A_1289 = arith.constant 0 : i32
      %dma_start3A_1290 = tpu.memref_slice %arg6[%dma_start3A_1289, %mul3A_2] : memref<16x16384xf32, #tpu.memory_space<hbm>> -> memref<16x512xf32, #tpu.memory_space<hbm>>
      tpu.enqueue_dma source(%arg12 : memref<16x512xf32, #tpu.memory_space<vmem>>) target(%dma_start3A_1290 : memref<16x512xf32, #tpu.memory_space<hbm>>) target_semaphore(%run_scoped3A : memref<!tpu.dma_semaphore, #tpu.memory_space<semaphore_mem>>)
      %dma_wait3A_1291 = arith.constant 0 : i32
      %dma_wait3A_1292 = tpu.memref_slice %arg6[%dma_wait3A_1291, %mul3A_2] : memref<16x16384xf32, #tpu.memory_space<hbm>> -> memref<16x512xf32, #tpu.memory_space<hbm>>
      %dma_wait3A_1293 = arith.constant 0 : i32
      %dma_wait3A_1294 = tpu.memref_slice %arg6[%dma_wait3A_1293, %mul3A_2] : memref<16x16384xf32, #tpu.memory_space<hbm>> -> memref<16x512xf32, #tpu.memory_space<hbm>>
      tpu.wait_dma2 semaphore(%run_scoped3A : memref<!tpu.dma_semaphore, #tpu.memory_space<semaphore_mem>>) src(%arg12 : memref<16x512xf32, #tpu.memory_space<vmem>>) dst(%dma_wait3A_1294 : memref<16x512xf32, #tpu.memory_space<hbm>>)
      tpu.yield
    }) : () -> ()
    return
  }
}

</mosaic_0001>

<sc_bundles>
// kernel: _sc_gather.3.cloned.1.call-start
scs
__scs_entry_jumppad:
0x0: {  	(pc) =	sbr.rel $0x88, $3  }
0x1: {  	(tag) =	ssettag $0x0;
	lr =	simm.s32 $0x1  }
0x2: {  	[smem:$0x3F9E] =	sst lr;
	_ =	strace $0xD0000000  }
0x3: {  	_ = 	snop  }
0x4: {  	_ = 	snop  }
0x5: {  	_ = 	snop  }
0x6: {  	_ = 	snop  }
0x7: {  	_ = 	snop  }
__scs_overlays_trampoline_lowered:
0x8: {  	[smem:$0x3FAD] =	sst s0  }
0x9: {  	[smem:$0x3FAE] =	sst s1  }
0xa: {  	[smem:$0x3FAF] =	sst s2  }
0xb: {  	[smem:$0x3FB0] =	sst s3  }
0xc: {  	[smem:$0x3FB1] =	sst s4  }
0xd: {  	[smem:$0x3FB2] =	sst s5  }
0xe: {  	[smem:$0x3FB3] =	sst s6  }
0xf: {  	[smem:$0x3FB4] =	sst s7  }
0x10: {  	[smem:$0x3FB5] =	sst s8  }
0x11: {  	[smem:$0x3FB6] =	sst s9;
	s0 =	simm.s32 @!p0 $0x0  }
0x12: {  	s1 =	sld [smem:$0x3F9C];
	s0 =	simm.s32 @p0 $0x1  }
0x13: {  	[smem:$0x3FB7] =	sst s0;
	s0 =	simm.s32 @!p1 $0x0  }
0x14: {  	s2 =	sld [smem:$0x3F9B];
	s0 =	simm.s32 @p1 $0x1  }
0x15: {  	[smem:$0x3FB8] =	sst s0;
	s0 =	simm.s32 @!p2 $0x0  }
0x16: {  	s3 =	sld [smem:$0x3FDB];
	s0 =	simm.s32 @p2 $0x1  }
0x17: {  	s4 =	simm.s32 $0x1BF5;
	[smem:$0x3FBA] =	sst s0  }
0x18: {  	s0 =	sld [smem:$0x3F9D];
	_ =	swait.ge [sflag:s4], $0x0  }
0x19: {  	s7 =	sld [smem:$0x3F9E]  }
0x1a: {  	s8 =	sadd.s32 $0xFFFFE003, lr  }
0x1b: {  	s9 =	sadd.s32 $0xFFFFFEF7, lr;
	s5 =	simm.s32 $0xFFFFFFFF;
	p2 =	slt.u32 s8, $0xFFFFF086  }
0x1c: {  	p1 =	slt.u32 s9, $0xF7A;
	s5 =	simm.s32 @!p2 $0x0  }
0x1d: {  	s5 =	simm.s32 @p1 $0x1;
	p0 =	seq.s32 s7, s2  }
0x1e: {  	s7 =	smul.u32 @!p0 $0xF7A, s2;
	p2 =	seq.s32 @!p0 s5, $0x0  }
0x1f: {  	s9 =	smul.u32 $0xF7A, s1;
	s8 =	simm.s32 @!p0 $0x1BF5;
	p2 =	por !p2, p0  }
0x20: {  	[sflag:s8] =	ssyncset.s32 @!p0 $0xFFFFF086;
	s6 =	sadd.s32 @!p0 s3, s7;
	s7 =	simm.s32 @!p0 $0x108  }
0x21: {  	s3 =	sadd.s32 s3, s9;
	s6 =	sadd.s32 @!p0 $0x88, s6;
	s7 =	simm.s32 @p2 $0x1082  }
0x22: {  	[simem:s7], [sflag:s8] =	dma.local @!p0 [hbm:s6], $0xF7A  }
0x23: {  	s9 =	sor.u32 $0xD0000000, s2;
	s6 =	simm.s32 $0x108;
	_ =	swait.ge @!p0 [sflag:s8], $0x0  }
0x24: {  	s3 =	sadd.s32 $0x88, s3;
	s6 =	simm.s32 @!p1 $0x1082;
	[sflag:s4] =	ssyncset.s32 $0xFFFFF086  }
0x25: {  	[simem:s6], [sflag:s4] =	dma.local [hbm:s3], $0xF7A  }
0x26: {  	[smem:$0x3F9E] =	sst s1;
	(tag) =	ssettag s2;
	_ =	strace s9  }
0x27: {  	s1 =	sld [smem:$0x3FAE]  }
0x28: {  	s2 =	sld [smem:$0x3FAF]  }
0x29: {  	s4 =	sld [smem:$0x3FB1]  }
0x2a: {  	p0 =	seq.s32 s5, $0x0;
	s5 =	sld [smem:$0x3FB2]  }
0x2b: {  	s6 =	sld [smem:$0x3FB3]  }
0x2c: {  	s7 =	sld [smem:$0x3FB4]  }
0x2d: {  	s3 =	simm.s32 $0x108;
	s8 =	sld [smem:$0x3FB5]  }
0x2e: {  	s3 =	simm.s32 @!p0 $0x1082;
	s9 =	sld [smem:$0x3FB6]  }
0x2f: {  	lr =	sadd.s32 s0, s3;
	s0 =	sld [smem:$0x3FAD]  }
0x30: {  	s3 =	sld [smem:$0x3FB0]  }
0x31: {  	[smem:$0x3FB9] =	sst s10  }
0x32: {  	s10 =	sld [smem:$0x3FB7];
	_ =	sdelay $0x3  }
0x33: {  	p0 =	seq.s32 s10, $0x1;
	s10 =	sld [smem:$0x3FB9];
	_ =	sdelay $0x3  }
0x34: {  	[smem:$0x3FB9] =	sst s10  }
0x35: {  	s10 =	sld [smem:$0x3FB8];
	_ =	sdelay $0x3  }
0x36: {  	p1 =	seq.s32 s10, $0x1;
	s10 =	sld [smem:$0x3FB9];
	_ =	sdelay $0x3  }
0x37: {  	[smem:$0x3FB9] =	sst s10  }
0x38: {  	s10 =	sld [smem:$0x3FBA]  }
0x39: {  	_ = 	snop;
	(pc) =	sbr.ind lr, $3  }
0x3a: {  	_ = 	snop  }
0x3b: {  	_ = 	snop  }
0x3c: {  	p2 =	seq.s32 s10, $0x1;
	s10 =	sld [smem:$0x3FB9]  }
0x3d: {  	_ =	shalt  }
0x3e: {  	_ =	shalt  }
0x3f: {  	_ =	shalt  }
0x40: {  	_ =	shalt  }
0x41: {  	_ =	shalt  }
0x42: {  	_ =	shalt  }
0x43: {  	_ =	shalt  }
0x44: {  	_ =	shalt  }
0x45: {  	_ =	shalt  }
0x46: {  	_ =	shalt  }
0x47: {  	_ =	shalt  }
0x48: {  	_ =	shalt  }
0x49: {  	_ =	shalt  }
0x4a: {  	_ =	shalt  }
0x4b: {  	_ =	shalt  }
0x4c: {  	_ =	shalt  }
0x4d: {  	_ =	shalt  }
0x4e: {  	_ =	shalt  }
0x4f: {  	_ =	shalt  }
0x50: {  	_ =	shalt  }
0x51: {  	_ =	shalt  }
0x52: {  	_ =	shalt  }
0x53: {  	_ =	shalt  }
0x54: {  	_ =	shalt  }
0x55: {  	_ =	shalt  }
0x56: {  	_ =	shalt  }
0x57: {  	_ =	shalt  }
0x58: {  	_ =	shalt  }
0x59: {  	_ =	shalt  }
0x5a: {  	_ =	shalt  }
0x5b: {  	_ =	shalt  }
0x5c: {  	_ =	shalt  }
0x5d: {  	_ =	shalt  }
0x5e: {  	_ =	shalt  }
0x5f: {  	_ =	shalt  }
0x60: {  	_ =	shalt  }
0x61: {  	_ =	shalt  }
0x62: {  	_ =	shalt  }
0x63: {  	_ =	shalt  }
0x64: {  	_ =	shalt  }
0x65: {  	_ =	shalt  }
0x66: {  	_ =	shalt  }
0x67: {  	_ =	shalt  }
0x68: {  	_ =	shalt  }
0x69: {  	_ =	shalt  }
0x6a: {  	_ =	shalt  }
0x6b: {  	_ =	shalt  }
0x6c: {  	_ =	shalt  }
0x6d: {  	_ =	shalt  }
0x6e: {  	_ =	shalt  }
0x6f: {  	_ =	shalt  }
0x70: {  	_ =	shalt  }
0x71: {  	_ =	shalt  }
0x72: {  	_ =	shalt  }
0x73: {  	_ =	shalt  }
0x74: {  	_ =	shalt  }
0x75: {  	_ =	shalt  }
0x76: {  	_ =	shalt  }
0x77: {  	_ =	shalt  }
0x78: {  	_ =	shalt  }
0x79: {  	_ =	shalt  }
0x7a: {  	_ =	shalt  }
0x7b: {  	_ =	shalt  }
0x7c: {  	_ =	shalt  }
0x7d: {  	_ =	shalt  }
0x7e: {  	_ =	shalt  }
0x7f: {  	_ =	shalt  }
0x80: {  	_ =	shalt  }
0x81: {  	_ =	shalt  }
0x82: {  	_ =	shalt  }
0x83: {  	_ =	shalt  }
0x84: {  	_ =	shalt  }
0x85: {  	_ =	shalt  }
0x86: {  	_ =	shalt  }
0x87: {  	_ =	shalt  }
.Lfunc_end0:
.L_simem_size_0:
called_computation_lowered:
.L_overlay_start_0:
0x88: {  	s2 =	sld [smem:$0x3FD9]  }
0x89: {  	s3 =	sld [smem:$0x3FFE];
	_ =	sdelay $0x1  }
0x8a: {  	s1 =	srdreg.scid  }
0x8b: {  	s0 =	sand.u32 $0x1, s1  }
0x8c: {  	s14 =	sshll.u32 s0, $0xA;
	s2 =	sadd.s32 s3, s2  }
0x8d: {  	s2 =	sadd.s32 s2, s14  }
0x8e: {  	[smem:$0x3FC5] =	sst s2  }
0x8f: {  	_ = 	snop  }
0x90: {  	s2 =	sld [smem:$0x3FD0]  }
0x91: {  	s15 =	sld [smem:$0x3FC9]  }
0x92: {  	s4 =	sld [smem:$0x3FC8]  }
0x93: {  	s6 =	simm.s32 $0xA;
	s7 =	simm.s32 $0x10;
	s5 =	sld [smem:$0x3FC7]  }
0x94: {  	[smem:s7], [sflag:s6] =	dma.local [hbm:s2], $0x1  }
0x95: {  	_ =	swait.eq [sflag:s6], $0x1  }
0x96: {  	[sflag:s6] =	ssyncset.done $0x0  }
0x97: {  	[sflag:s6] =	ssyncadd.s32 $0xFFFFFFFF  }
0x98: {  	s16 =	sld [smem:$0x11];
	(tm) =	ssettm $0x1  }
0x99: {  	s17 =	sld [smem:$0x3FFB];
	_ =	sdelay $0x3  }
0x9a: {  	_ =	strace s17  }
0x9b: {  	s6 =	sld [smem:$0x3FFC];
	_ =	sdelay $0x3  }
0x9c: {  	_ =	strace s6  }
0x9d: {  	s6 =	sld [smem:$0x3FFD];
	_ =	sdelay $0x3  }
0x9e: {  	_ =	strace s6  }
0x9f: {  	_ =	strace $0x8FFFFFFF  }
0xa0: {  	s18 =	sld [smem:$0x3FDB];
	_ =	sdelay $0x1  }
0xa1: {  	s19 =	simm.s32 $_scs_section_size  }
0xa2: {  	s8 =	simm.s32 $_size__tile_overlayer_lowered;
	s9 =	simm.s32 $_tile_overlayer_lowered  }
0xa3: {  	s22 =	simm.s32 $0x1BFF;
	s21 =	sshll.u32 s9, $0x1;
	s6 =	sadd.s32 s19, s18  }
0xa4: {  	s10 =	simm.s32 $0x0;
	s20 =	sshll.u32 s8, $0x1;
	s8 =	sadd.s32 s21, s6  }
0xa5: {  	[timem:s10], [sflag:s22] =	dma.local [hbm:s8], s20  }
0xa6: {  	_ =	swait.ge [sflag:s22], s20  }
0xa7: {  	s7 =	ssub.s32 $0x0, s20;
	[sflag:s22] =	ssyncset.done $0x0  }
0xa8: {  	[sflag:s22] =	ssyncadd.s32 s7;
	_ =	sdelay $0x1  }
0xa9: {  	s23 =	simm.s32 $0x1B8B  }
0xaa: {  	_ =	swait.ge [sflag:s23], $0x1  }
0xab: {  	[sflag:s23] =	ssyncset.done $0x0  }
0xac: {  	s25 =	simm.s32 $0x1B8E;
	s24 =	sld [smem:$0x3FFE];
	[sflag:s23] =	ssyncadd.s32 $0xFFFFFFFF  }
0xad: {  	s26 =	simm.s32 $execute0_lowered;
	[smem:$0x3FD2] =	sst s25  }
0xae: {  	s8 =	sshll.u32 s26, $0x1;
	_ =	strace $0x80000046;
	[dreg:$0x1] =	wrdreg $0xFFFFFFFF  }
0xaf: {  	s28 =	simm.s32 $_size_execute0_lowered;
	s6 =	sadd.s32 s6, s8;
	[dreg:$0x0] =	wrdreg $0x0  }
0xb0: {  	s8 =	sshll.u32 s28, $0x1;
	[dreg:$0x2] =	wrdreg s6  }
0xb1: {  	[dreg:$0x3] =	wrdreg s8  }
0xb2: {  	[dreg:$0x4] =	wrdreg $0xC0  }
0xb3: {  	_ =	task [dreg:s10], $0x5FFFF  }
0xb4: {  	[dreg:$0x1] =	wrdreg $0xFFFFFFFF  }
0xb5: {  	[dreg:$0x0] =	wrdreg $0x60  }
0xb6: {  	[dreg:$0x2] =	wrdreg s15  }
0xb7: {  	[dreg:$0x3] =	wrdreg s4  }
0xb8: {  	[dreg:$0x4] =	wrdreg s5  }
0xb9: {  	[dreg:$0x5] =	wrdreg s16  }
0xba: {  	[dreg:$0x6] =	wrdreg s24  }
0xbb: {  	[dreg:$0x7] =	wrdreg $0x9  }
0xbc: {  	_ =	task.clear_ibuf [dreg:s10], $0x8FFFF;
	_ =	strace $0x90000046  }
0xbd: {  	s29 =	simm.s32 $0x9;
	_ =	strace $0x80000048  }
0xbe: {  	_ =	swait.ge [sflag:s29], $0x1  }
0xbf: {  	[sflag:s29] =	ssyncadd.s32 $0xFFFFFFFF  }
0xc0: {  	_ =	strace $0x90000048  }
0xc1: {  	_ =	sfence  }
0xc2: {  	s30 =	sld [smem:$0x0];
	_ =	sdelay $0x2  }
0xc3: {  	s31 =	sshll.u32 s1, $0xD;
	s1 =	sshrl.u32 s1, $0x2  }
0xc4: {  	s3 =	sand.u32 $0x4000, s31;
	s1 =	sadd.s32 s1, s30  }
0xc5: {  	s0 =	sor.u32 s3, s0;
	s1 =	sshll.u32 s1, $0x11  }
0xc6: {  	s0 =	sor.u32 s1, s0  }
0xc7: {  	s0 =	sadd.s32 $0x8F2B, s0  }
0xc8: {  	[sflag:s0] =	ssyncadd.remote.s32 $0x1  }
0xc9: {  	_ =	sfence.sel $0xFFFF  }
0xca: {  	[dreg:$0x0] =	wrdreg $0xFFFFFFFF;
	(pc) =	sbr.abs _section_cstart, $3  }
0xcb: {  	[dreg:$0x1] =	wrdreg $0xFFFFFFFF  }
0xcc: {  	_ =	task.clear_ibuf [dreg:s10], $0x2FFFF;
	_ =	strace $0x9FFFFFFF  }
0xcd: {  	(tm) =	ssettm $0x7FFFFFFF  }
tec
execute0_lowered:
.L_overlay_start_1:
0x0: {  	(tag) =	ssettag $0x1  }
0x1: {  	s0 =	rddreg [dreg:$0x0]  }
0x2: {  	s2 =	rddreg [dreg:$0x1]  }
0x3: {  	s1 =	rddreg [dreg:$0x2]  }
0x4: {  	s6 =	rddreg [dreg:$0x3]  }
0x5: {  	s4 =	rddreg [dreg:$0x4]  }
0x6: {  	s3 =	simm.s32 $0x0;
	s5 =	srdreg.scid;
	s7 =	stileid.u32  }
0x7: {  	s10 =	simm.s32 $0x200;
	s11 =	simm.s32 $0x100;
	s13 =	simm.s32 $0x4400  }
0x8: {  	s15 =	simm.s32 $0x6400;
	s19 =	simm.s32 $0x1400;
	s21 =	simm.s32 $0x3400  }
0x9: {  	s16 =	simm.s32 $0x4000;
	s25 =	simm.s32 $0x6200;
	s28 =	simm.s32 $0x8200  }
0xa: {  	s29 =	simm.s32 $0x2300;
	s30 =	simm.s32 $0x6300;
	s31 =	simm.s32 $0x4300  }
0xb: {  	s12 =	simm.s32 $0x2;
	s14 =	simm.s32 $0x0;
	s5 =	sand.u32 $0x1, s5  }
0xc: {  	s7 =	sshll.u32 s7, $0x7;
	s8 =	sshll.u32 s5, $0x6;
	s5 =	ssub.s32 $0x2, s5  }
0xd: {  	[smem:$0x7FF] =	sst s3;
	s7 =	sor.u32 s8, s7;
	s26 =	sshrl.u32 s5, $0x1  }
0xe: {  	_ =	strace $0x80000047;
	s9 =	sadd.s32 s7, s4;
	s8 =	ssub.s32 s5, s26  }
0xf: {  	s4 =	sadd.s32 s0, s7;
	s5 =	sadd.s32 s2, s7;
	s6 =	sadd.s32 s6, s7  }
0x10: {  	s26 =	simm.s32 $0x4200;
	s0 =	simm.s32 $0x8300;
	s2 =	simm.s32 $0x1  }
0x11: {  	s7 =	sadd.s32 $0x800, s9;
	s8 =	smax.u32 s8, $0x1;
	s9 =	simm.s32 $0x3  }
.LBB2_1:
0x12: {  	[tilespmem:s3], [sflag:$0x3] =	stream.linear.gather [hbm4b:s4+s3], $0x200, $0x38;
	[tilespmem:$0x8400] =	vst v63  }
0x13: {  	_ =	swait.ge [sflag:s9], $0x200  }
0x14: {  	[sflag:s9] =	ssyncset.done $0x0  }
0x15: {  	[sflag:s9] =	ssyncadd.s32 $0xFFFFFE00  }
0x16: {  	[tilespmem:s10], [sflag:$0x3] =	stream.linear.gather [hbm4b:s5+s3], $0x200, $0x38;
	[tilespmem:$0x8400] =	vst v63  }
0x17: {  	_ =	swait.ge [sflag:s9], $0x200  }
0x18: {  	[sflag:s9] =	ssyncset.done $0x0  }
0x19: {  	s17 =	simm.s32 $0x10;
	[sflag:s9] =	ssyncadd.s32 $0xFFFFFE00  }
0x1a: {  	s18 =	simm.s32 $0x210;
	v0 =	vld [tilespmem:s17+$0xFFFFFFF0]  }
0x1b: {  	v1 =	vld [tilespmem:s18+$0xFFFFFFF0];
	_ =	sdelay $0x3  }
0x1c: {  	[tilespmem:s19+$0xFFFFF000] =	vst v0  }
0x1d: {  	v2 =	vadd.s32 $0x186A0, v0;
	[tilespmem:s21+$0xFFFFF000] =	vst v1  }
0x1e: {  	[tilespmem:s19+$0xFFFFF200] =	vst v2;
	v2 =	vadd.s32 $0x186A0, v1  }
0x1f: {  	[tilespmem:s21+$0xFFFFF200] =	vst v2;
	v2 =	vadd.s32 $0x30D40, v0  }
0x20: {  	[tilespmem:s19+$0xFFFFF400] =	vst v2;
	v2 =	vadd.s32 $0x30D40, v1  }
0x21: {  	[tilespmem:s21+$0xFFFFF400] =	vst v2;
	v2 =	vadd.s32 $0x493E0, v0  }
0x22: {  	[tilespmem:s19+$0xFFFFF600] =	vst v2;
	v2 =	vadd.s32 $0x493E0, v1  }
0x23: {  	[tilespmem:s21+$0xFFFFF600] =	vst v2;
	v2 =	vadd.s32 $0x61A80, v0  }
0x24: {  	[tilespmem:s19+$0xFFFFF800] =	vst v2;
	v2 =	vadd.s32 $0x61A80, v1  }
0x25: {  	[tilespmem:s21+$0xFFFFF800] =	vst v2;
	v2 =	vadd.s32 $0x7A120, v0  }
0x26: {  	[tilespmem:s19+$0xFFFFFA00] =	vst v2;
	v2 =	vadd.s32 $0x7A120, v1  }
0x27: {  	[tilespmem:s21+$0xFFFFFA00] =	vst v2;
	v2 =	vadd.s32 $0x927C0, v0  }
0x28: {  	[tilespmem:s19+$0xFFFFFC00] =	vst v2;
	v2 =	vadd.s32 $0x927C0, v1  }
0x29: {  	[tilespmem:s21+$0xFFFFFC00] =	vst v2;
	v2 =	vadd.s32 $0xAAE60, v0  }
0x2a: {  	[tilespmem:s19+$0xFFFFFE00] =	vst v2;
	v2 =	vadd.s32 $0xAAE60, v1  }
0x2b: {  	[tilespmem:s21+$0xFFFFFE00] =	vst v2;
	v2 =	vadd.s32 $0xC3500, v0  }
0x2c: {  	[tilespmem:s19+$0x0] =	vst v2;
	v2 =	vadd.s32 $0xC3500, v1  }
0x2d: {  	[tilespmem:s21+$0x0] =	vst v2;
	v2 =	vadd.s32 $0xDBBA0, v0  }
0x2e: {  	[tilespmem:s19+$0x200] =	vst v2;
	v2 =	vadd.s32 $0xDBBA0, v1  }
0x2f: {  	[tilespmem:s21+$0x200] =	vst v2;
	v2 =	vadd.s32 $0xF4240, v0  }
0x30: {  	[tilespmem:s19+$0x400] =	vst v2;
	v2 =	vadd.s32 $0xF4240, v1  }
0x31: {  	[tilespmem:s21+$0x400] =	vst v2;
	v2 =	vadd.s32 $0x10C8E0, v0  }
0x32: {  	[tilespmem:s19+$0x600] =	vst v2;
	v2 =	vadd.s32 $0x10C8E0, v1  }
0x33: {  	[tilespmem:s21+$0x600] =	vst v2;
	v2 =	vadd.s32 $0x124F80, v0  }
0x34: {  	[tilespmem:s19+$0x800] =	vst v2;
	v2 =	vadd.s32 $0x124F80, v1  }
0x35: {  	[tilespmem:s21+$0x800] =	vst v2;
	v2 =	vadd.s32 $0x13D620, v0  }
0x36: {  	[tilespmem:s19+$0xA00] =	vst v2;
	v2 =	vadd.s32 $0x13D620, v1  }
0x37: {  	[tilespmem:s21+$0xA00] =	vst v2;
	v2 =	vadd.s32 $0x155CC0, v0  }
0x38: {  	[tilespmem:s19+$0xC00] =	vst v2;
	v2 =	vadd.s32 $0x155CC0, v1  }
0x39: {  	v0 =	vadd.s32 $0x16E360, v0;
	[tilespmem:s21+$0xC00] =	vst v2  }
0x3a: {  	[tilespmem:s19+$0xE00] =	vst v0;
	v0 =	vadd.s32 $0x16E360, v1  }
0x3b: {  	[tilespmem:s21+$0xE00] =	vst v0  }
0x3c: {  	v0 =	vld [tilespmem:s17+$0x0]  }
0x3d: {  	v1 =	vld [tilespmem:s18+$0x0];
	_ =	sdelay $0x3  }
0x3e: {  	[tilespmem:s19+$0xFFFFF010] =	vst v0  }
0x3f: {  	v2 =	vadd.s32 $0x186A0, v0;
	[tilespmem:s21+$0xFFFFF010] =	vst v1  }
0x40: {  	[tilespmem:s19+$0xFFFFF210] =	vst v2;
	v2 =	vadd.s32 $0x186A0, v1  }
0x41: {  	[tilespmem:s21+$0xFFFFF210] =	vst v2;
	v2 =	vadd.s32 $0x30D40, v0  }
0x42: {  	[tilespmem:s19+$0xFFFFF410] =	vst v2;
	v2 =	vadd.s32 $0x30D40, v1  }
0x43: {  	[tilespmem:s21+$0xFFFFF410] =	vst v2;
	v2 =	vadd.s32 $0x493E0, v0  }
0x44: {  	[tilespmem:s19+$0xFFFFF610] =	vst v2;
	v2 =	vadd.s32 $0x493E0, v1  }
0x45: {  	[tilespmem:s21+$0xFFFFF610] =	vst v2;
	v2 =	vadd.s32 $0x61A80, v0  }
0x46: {  	[tilespmem:s19+$0xFFFFF810] =	vst v2;
	v2 =	vadd.s32 $0x61A80, v1  }
0x47: {  	[tilespmem:s21+$0xFFFFF810] =	vst v2;
	v2 =	vadd.s32 $0x7A120, v0  }
0x48: {  	[tilespmem:s19+$0xFFFFFA10] =	vst v2;
	v2 =	vadd.s32 $0x7A120, v1  }
0x49: {  	[tilespmem:s21+$0xFFFFFA10] =	vst v2;
	v2 =	vadd.s32 $0x927C0, v0  }
0x4a: {  	[tilespmem:s19+$0xFFFFFC10] =	vst v2;
	v2 =	vadd.s32 $0x927C0, v1  }
0x4b: {  	[tilespmem:s21+$0xFFFFFC10] =	vst v2;
	v2 =	vadd.s32 $0xAAE60, v0  }
0x4c: {  	[tilespmem:s19+$0xFFFFFE10] =	vst v2;
	v2 =	vadd.s32 $0xAAE60, v1  }
0x4d: {  	[tilespmem:s21+$0xFFFFFE10] =	vst v2;
	v2 =	vadd.s32 $0xC3500, v0  }
0x4e: {  	[tilespmem:s19+$0x10] =	vst v2;
	v2 =	vadd.s32 $0xC3500, v1  }
0x4f: {  	[tilespmem:s21+$0x10] =	vst v2;
	v2 =	vadd.s32 $0xDBBA0, v0  }
0x50: {  	[tilespmem:s19+$0x210] =	vst v2;
	v2 =	vadd.s32 $0xDBBA0, v1  }
0x51: {  	[tilespmem:s21+$0x210] =	vst v2;
	v2 =	vadd.s32 $0xF4240, v0  }
0x52: {  	[tilespmem:s19+$0x410] =	vst v2;
	v2 =	vadd.s32 $0xF4240, v1  }
0x53: {  	[tilespmem:s21+$0x410] =	vst v2;
	v2 =	vadd.s32 $0x10C8E0, v0  }
0x54: {  	[tilespmem:s19+$0x610] =	vst v2;
	v2 =	vadd.s32 $0x10C8E0, v1  }
0x55: {  	[tilespmem:s21+$0x610] =	vst v2;
	v2 =	vadd.s32 $0x124F80, v0  }
0x56: {  	[tilespmem:s19+$0x810] =	vst v2;
	v2 =	vadd.s32 $0x124F80, v1  }
0x57: {  	[tilespmem:s21+$0x810] =	vst v2;
	v2 =	vadd.s32 $0x13D620, v0  }
0x58: {  	[tilespmem:s19+$0xA10] =	vst v2;
	v2 =	vadd.s32 $0x13D620, v1  }
0x59: {  	[tilespmem:s21+$0xA10] =	vst v2;
	v2 =	vadd.s32 $0x155CC0, v0  }
0x5a: {  	[tilespmem:s19+$0xC10] =	vst v2;
	v2 =	vadd.s32 $0x155CC0, v1  }
0x5b: {  	s20 =	simm.s32 $0x0;
	v0 =	vadd.s32 $0x16E360, v0;
	[tilespmem:s21+$0xC10] =	vst v2  }
0x5c: {  	s22 =	simm.s32 $0x1420;
	s23 =	simm.s32 $0x3420;
	s24 =	simm.s32 $0x3400;
	[tilespmem:s19+$0xE10] =	vst v0;
	v0 =	vadd.s32 $0x16E360, v1  }
.LBB2_2:
0x5d: {  	s20 =	sadd.s32 $0x2, s20;
	[tilespmem:s24+$0xE10] =	vst v0;
	s17 =	sadd.s32 $0x20, s17;
	s18 =	sadd.s32 $0x20, s18  }
0x5e: {  	s24 =	smov.u32 s23;
	v0 =	vld [tilespmem:s17+$0xFFFFFFF0];
	p0 =	slt.u32 s20, $0x1E  }
0x5f: {  	v1 =	vld [tilespmem:s18+$0xFFFFFFF0];
	_ =	sdelay $0x3  }
0x60: {  	[tilespmem:s22+$0xFFFFF000] =	vst v0  }
0x61: {  	v2 =	vadd.s32 $0x186A0, v0;
	[tilespmem:s23+$0xFFFFF000] =	vst v1  }
0x62: {  	[tilespmem:s22+$0xFFFFF200] =	vst v2;
	v2 =	vadd.s32 $0x186A0, v1  }
0x63: {  	[tilespmem:s23+$0xFFFFF200] =	vst v2;
	v2 =	vadd.s32 $0x30D40, v0  }
0x64: {  	[tilespmem:s22+$0xFFFFF400] =	vst v2;
	v2 =	vadd.s32 $0x30D40, v1  }
0x65: {  	[tilespmem:s23+$0xFFFFF400] =	vst v2;
	v2 =	vadd.s32 $0x493E0, v0  }
0x66: {  	[tilespmem:s22+$0xFFFFF600] =	vst v2;
	v2 =	vadd.s32 $0x493E0, v1  }
0x67: {  	[tilespmem:s23+$0xFFFFF600] =	vst v2;
	v2 =	vadd.s32 $0x61A80, v0  }
0x68: {  	[tilespmem:s22+$0xFFFFF800] =	vst v2;
	v2 =	vadd.s32 $0x61A80, v1  }
0x69: {  	[tilespmem:s23+$0xFFFFF800] =	vst v2;
	v2 =	vadd.s32 $0x7A120, v0  }
0x6a: {  	[tilespmem:s22+$0xFFFFFA00] =	vst v2;
	v2 =	vadd.s32 $0x7A120, v1  }
0x6b: {  	[tilespmem:s23+$0xFFFFFA00] =	vst v2;
	v2 =	vadd.s32 $0x927C0, v0  }
0x6c: {  	[tilespmem:s22+$0xFFFFFC00] =	vst v2;
	v2 =	vadd.s32 $0x927C0, v1  }
0x6d: {  	[tilespmem:s23+$0xFFFFFC00] =	vst v2;
	v2 =	vadd.s32 $0xAAE60, v0  }
0x6e: {  	[tilespmem:s22+$0xFFFFFE00] =	vst v2;
	v2 =	vadd.s32 $0xAAE60, v1  }
0x6f: {  	[tilespmem:s23+$0xFFFFFE00] =	vst v2;
	v2 =	vadd.s32 $0xC3500, v0  }
0x70: {  	[tilespmem:s22+$0x0] =	vst v2;
	v2 =	vadd.s32 $0xC3500, v1  }
0x71: {  	[tilespmem:s23+$0x0] =	vst v2;
	v2 =	vadd.s32 $0xDBBA0, v0  }
0x72: {  	[tilespmem:s22+$0x200] =	vst v2;
	v2 =	vadd.s32 $0xDBBA0, v1  }
0x73: {  	[tilespmem:s23+$0x200] =	vst v2;
	v2 =	vadd.s32 $0xF4240, v0  }
0x74: {  	[tilespmem:s22+$0x400] =	vst v2;
	v2 =	vadd.s32 $0xF4240, v1  }
0x75: {  	[tilespmem:s23+$0x400] =	vst v2;
	v2 =	vadd.s32 $0x10C8E0, v0  }
0x76: {  	[tilespmem:s22+$0x600] =	vst v2;
	v2 =	vadd.s32 $0x10C8E0, v1  }
0x77: {  	[tilespmem:s23+$0x600] =	vst v2;
	v2 =	vadd.s32 $0x124F80, v0  }
0x78: {  	[tilespmem:s22+$0x800] =	vst v2;
	v2 =	vadd.s32 $0x124F80, v1  }
0x79: {  	[tilespmem:s23+$0x800] =	vst v2;
	v2 =	vadd.s32 $0x13D620, v0  }
0x7a: {  	[tilespmem:s22+$0xA00] =	vst v2;
	v2 =	vadd.s32 $0x13D620, v1  }
0x7b: {  	[tilespmem:s23+$0xA00] =	vst v2;
	v2 =	vadd.s32 $0x155CC0, v0  }
0x7c: {  	[tilespmem:s22+$0xC00] =	vst v2;
	v2 =	vadd.s32 $0x155CC0, v1  }
0x7d: {  	v0 =	vadd.s32 $0x16E360, v0;
	[tilespmem:s23+$0xC00] =	vst v2  }
0x7e: {  	[tilespmem:s22+$0xE00] =	vst v0;
	v0 =	vadd.s32 $0x16E360, v1  }
0x7f: {  	[tilespmem:s23+$0xE00] =	vst v0  }
0x80: {  	v0 =	vld [tilespmem:s17+$0x0]  }
0x81: {  	v1 =	vld [tilespmem:s18+$0x0];
	_ =	sdelay $0x3  }
0x82: {  	[tilespmem:s22+$0xFFFFF010] =	vst v0  }
0x83: {  	v2 =	vadd.s32 $0x186A0, v0;
	[tilespmem:s23+$0xFFFFF010] =	vst v1  }
0x84: {  	[tilespmem:s22+$0xFFFFF210] =	vst v2;
	v2 =	vadd.s32 $0x186A0, v1  }
0x85: {  	[tilespmem:s23+$0xFFFFF210] =	vst v2;
	v2 =	vadd.s32 $0x30D40, v0  }
0x86: {  	[tilespmem:s22+$0xFFFFF410] =	vst v2;
	v2 =	vadd.s32 $0x30D40, v1  }
0x87: {  	[tilespmem:s23+$0xFFFFF410] =	vst v2;
	v2 =	vadd.s32 $0x493E0, v0  }
0x88: {  	[tilespmem:s22+$0xFFFFF610] =	vst v2;
	v2 =	vadd.s32 $0x493E0, v1  }
0x89: {  	[tilespmem:s23+$0xFFFFF610] =	vst v2;
	v2 =	vadd.s32 $0x61A80, v0  }
0x8a: {  	[tilespmem:s22+$0xFFFFF810] =	vst v2;
	v2 =	vadd.s32 $0x61A80, v1  }
0x8b: {  	[tilespmem:s23+$0xFFFFF810] =	vst v2;
	v2 =	vadd.s32 $0x7A120, v0  }
0x8c: {  	[tilespmem:s22+$0xFFFFFA10] =	vst v2;
	v2 =	vadd.s32 $0x7A120, v1  }
0x8d: {  	[tilespmem:s23+$0xFFFFFA10] =	vst v2;
	v2 =	vadd.s32 $0x927C0, v0  }
0x8e: {  	[tilespmem:s22+$0xFFFFFC10] =	vst v2;
	v2 =	vadd.s32 $0x927C0, v1  }
0x8f: {  	[tilespmem:s23+$0xFFFFFC10] =	vst v2;
	v2 =	vadd.s32 $0xAAE60, v0  }
0x90: {  	[tilespmem:s22+$0xFFFFFE10] =	vst v2;
	v2 =	vadd.s32 $0xAAE60, v1  }
0x91: {  	[tilespmem:s23+$0xFFFFFE10] =	vst v2;
	v2 =	vadd.s32 $0xC3500, v0  }
0x92: {  	[tilespmem:s22+$0x10] =	vst v2;
	v2 =	vadd.s32 $0xC3500, v1  }
0x93: {  	[tilespmem:s23+$0x10] =	vst v2;
	v2 =	vadd.s32 $0xDBBA0, v0  }
0x94: {  	[tilespmem:s22+$0x210] =	vst v2;
	v2 =	vadd.s32 $0xDBBA0, v1  }
0x95: {  	[tilespmem:s23+$0x210] =	vst v2;
	v2 =	vadd.s32 $0xF4240, v0  }
0x96: {  	[tilespmem:s22+$0x410] =	vst v2;
	v2 =	vadd.s32 $0xF4240, v1  }
0x97: {  	[tilespmem:s23+$0x410] =	vst v2;
	v2 =	vadd.s32 $0x10C8E0, v0  }
0x98: {  	[tilespmem:s22+$0x610] =	vst v2;
	v2 =	vadd.s32 $0x10C8E0, v1  }
0x99: {  	[tilespmem:s23+$0x610] =	vst v2;
	v2 =	vadd.s32 $0x124F80, v0  }
0x9a: {  	[tilespmem:s22+$0x810] =	vst v2;
	v2 =	vadd.s32 $0x124F80, v1  }
0x9b: {  	[tilespmem:s23+$0x810] =	vst v2;
	v2 =	vadd.s32 $0x13D620, v0  }
.Ltmp0:
0x9c: {  	[tilespmem:s22+$0xA10] =	vst v2;
	v2 =	vadd.s32 $0x13D620, v1;
	(pc) =	sbr.rel @p0 .LBB2_2-.Ltmp0, $4  }
0x9d: {  	[tilespmem:s23+$0xA10] =	vst v2;
	v2 =	vadd.s32 $0x155CC0, v0  }
0x9e: {  	[tilespmem:s22+$0xC10] =	vst v2;
	v2 =	vadd.s32 $0x155CC0, v1  }
0x9f: {  	v0 =	vadd.s32 $0x16E360, v0;
	[tilespmem:s23+$0xC10] =	vst v2  }
0xa0: {  	s23 =	sadd.s32 $0x20, s23;
	[tilespmem:s22+$0xE10] =	vst v0;
	v0 =	vadd.s32 $0x16E360, v1;
	s22 =	sadd.s32 $0x20, s22  }
0xa1: {  	[tilespmem:s24+$0xE10] =	vst v0;
	s17 =	simm.s32 $0x400  }
0xa2: {  	[tilespmem:s13], [sflag:$0x1] =	stream.indirect.gather [hbm4b:s1+s11], $0x1, s17, s11, $0xb8;
	[tilespmem:$0x8400] =	vst v63  }
0xa3: {  	s20 =	simm.s32 $0x2400  }
0xa4: {  	[tilespmem:s15], [sflag:$0x2] =	stream.indirect.gather [hbm4b:s1+s11], $0x1, s20, s11, $0xb8;
	[tilespmem:$0x8400] =	vst v63  }
0xa5: {  	s22 =	simm.s32 $0x500;
	s18 =	simm.s32 $0x4500  }
0xa6: {  	[tilespmem:s18], [sflag:$0x1] =	stream.indirect.gather [hbm4b:s1+s11], $0x1, s22, s11, $0xb8;
	[tilespmem:$0x8400] =	vst v63  }
0xa7: {  	s23 =	simm.s32 $0x2500;
	s24 =	simm.s32 $0x6500  }
0xa8: {  	[tilespmem:s24], [sflag:$0x2] =	stream.indirect.gather [hbm4b:s1+s11], $0x1, s23, s11, $0xb8;
	[tilespmem:$0x8400] =	vst v63  }
0xa9: {  	s20 =	simm.s32 $0x600;
	s22 =	simm.s32 $0x4600  }
0xaa: {  	[tilespmem:s22], [sflag:$0x1] =	stream.indirect.gather [hbm4b:s1+s11], $0x1, s20, s11, $0xb8;
	[tilespmem:$0x8400] =	vst v63  }
0xab: {  	s23 =	simm.s32 $0x2600;
	s24 =	simm.s32 $0x6600  }
0xac: {  	[tilespmem:s24], [sflag:$0x2] =	stream.indirect.gather [hbm4b:s1+s11], $0x1, s23, s11, $0xb8;
	[tilespmem:$0x8400] =	vst v63  }
0xad: {  	s20 =	simm.s32 $0x700;
	s22 =	simm.s32 $0x4700  }
0xae: {  	[tilespmem:s22], [sflag:$0x1] =	stream.indirect.gather [hbm4b:s1+s11], $0x1, s20, s11, $0xb8;
	[tilespmem:$0x8400] =	vst v63  }
0xaf: {  	s23 =	simm.s32 $0x2700;
	s24 =	simm.s32 $0x6700  }
0xb0: {  	[tilespmem:s24], [sflag:$0x2] =	stream.indirect.gather [hbm4b:s1+s11], $0x1, s23, s11, $0xb8;
	[tilespmem:$0x8400] =	vst v63  }
0xb1: {  	s20 =	simm.s32 $0x800;
	s22 =	simm.s32 $0x4800  }
0xb2: {  	[tilespmem:s22], [sflag:$0x1] =	stream.indirect.gather [hbm4b:s1+s11], $0x1, s20, s11, $0xb8;
	[tilespmem:$0x8400] =	vst v63  }
0xb3: {  	s23 =	simm.s32 $0x2800;
	s24 =	simm.s32 $0x6800  }
0xb4: {  	[tilespmem:s24], [sflag:$0x2] =	stream.indirect.gather [hbm4b:s1+s11], $0x1, s23, s11, $0xb8;
	[tilespmem:$0x8400] =	vst v63  }
0xb5: {  	s20 =	simm.s32 $0x900;
	s22 =	simm.s32 $0x4900  }
0xb6: {  	[tilespmem:s22], [sflag:$0x1] =	stream.indirect.gather [hbm4b:s1+s11], $0x1, s20, s11, $0xb8;
	[tilespmem:$0x8400] =	vst v63  }
0xb7: {  	s23 =	simm.s32 $0x2900;
	s24 =	simm.s32 $0x6900  }
0xb8: {  	[tilespmem:s24], [sflag:$0x2] =	stream.indirect.gather [hbm4b:s1+s11], $0x1, s23, s11, $0xb8;
	[tilespmem:$0x8400] =	vst v63  }
0xb9: {  	s20 =	simm.s32 $0xA00;
	s22 =	simm.s32 $0x4A00  }
0xba: {  	[tilespmem:s22], [sflag:$0x1] =	stream.indirect.gather [hbm4b:s1+s11], $0x1, s20, s11, $0xb8;
	[tilespmem:$0x8400] =	vst v63  }
0xbb: {  	s23 =	simm.s32 $0x2A00;
	s24 =	simm.s32 $0x6A00  }
0xbc: {  	[tilespmem:s24], [sflag:$0x2] =	stream.indirect.gather [hbm4b:s1+s11], $0x1, s23, s11, $0xb8;
	[tilespmem:$0x8400] =	vst v63  }
0xbd: {  	s20 =	simm.s32 $0xB00;
	s22 =	simm.s32 $0x4B00  }
0xbe: {  	[tilespmem:s22], [sflag:$0x1] =	stream.indirect.gather [hbm4b:s1+s11], $0x1, s20, s11, $0xb8;
	[tilespmem:$0x8400] =	vst v63  }
0xbf: {  	s23 =	simm.s32 $0x2B00;
	s24 =	simm.s32 $0x6B00  }
0xc0: {  	[tilespmem:s24], [sflag:$0x2] =	stream.indirect.gather [hbm4b:s1+s11], $0x1, s23, s11, $0xb8;
	[tilespmem:$0x8400] =	vst v63  }
0xc1: {  	s20 =	simm.s32 $0xC00;
	s22 =	simm.s32 $0x4C00  }
0xc2: {  	[tilespmem:s22], [sflag:$0x1] =	stream.indirect.gather [hbm4b:s1+s11], $0x1, s20, s11, $0xb8;
	[tilespmem:$0x8400] =	vst v63  }
0xc3: {  	s23 =	simm.s32 $0x2C00;
	s24 =	simm.s32 $0x6C00  }
0xc4: {  	[tilespmem:s24], [sflag:$0x2] =	stream.indirect.gather [hbm4b:s1+s11], $0x1, s23, s11, $0xb8;
	[tilespmem:$0x8400] =	vst v63  }
0xc5: {  	s20 =	simm.s32 $0xD00;
	s22 =	simm.s32 $0x4D00  }
0xc6: {  	[tilespmem:s22], [sflag:$0x1] =	stream.indirect.gather [hbm4b:s1+s11], $0x1, s20, s11, $0xb8;
	[tilespmem:$0x8400] =	vst v63  }
0xc7: {  	s23 =	simm.s32 $0x2D00;
	s24 =	simm.s32 $0x6D00  }
0xc8: {  	[tilespmem:s24], [sflag:$0x2] =	stream.indirect.gather [hbm4b:s1+s11], $0x1, s23, s11, $0xb8;
	[tilespmem:$0x8400] =	vst v63  }
0xc9: {  	s20 =	simm.s32 $0xE00;
	s22 =	simm.s32 $0x4E00  }
0xca: {  	[tilespmem:s22], [sflag:$0x1] =	stream.indirect.gather [hbm4b:s1+s11], $0x1, s20, s11, $0xb8;
	[tilespmem:$0x8400] =	vst v63  }
0xcb: {  	s23 =	simm.s32 $0x2E00;
	s24 =	simm.s32 $0x6E00  }
0xcc: {  	[tilespmem:s24], [sflag:$0x2] =	stream.indirect.gather [hbm4b:s1+s11], $0x1, s23, s11, $0xb8;
	[tilespmem:$0x8400] =	vst v63  }
0xcd: {  	s20 =	simm.s32 $0xF00;
	s22 =	simm.s32 $0x4F00  }
0xce: {  	[tilespmem:s22], [sflag:$0x1] =	stream.indirect.gather [hbm4b:s1+s11], $0x1, s20, s11, $0xb8;
	[tilespmem:$0x8400] =	vst v63  }
0xcf: {  	s23 =	simm.s32 $0x2F00;
	s24 =	simm.s32 $0x6F00  }
0xd0: {  	[tilespmem:s24], [sflag:$0x2] =	stream.indirect.gather [hbm4b:s1+s11], $0x1, s23, s11, $0xb8;
	[tilespmem:$0x8400] =	vst v63  }
0xd1: {  	s20 =	simm.s32 $0x1000;
	s22 =	simm.s32 $0x5000  }
0xd2: {  	[tilespmem:s22], [sflag:$0x1] =	stream.indirect.gather [hbm4b:s1+s11], $0x1, s20, s11, $0xb8;
	[tilespmem:$0x8400] =	vst v63  }
0xd3: {  	s23 =	simm.s32 $0x3000;
	s24 =	simm.s32 $0x7000  }
0xd4: {  	[tilespmem:s24], [sflag:$0x2] =	stream.indirect.gather [hbm4b:s1+s11], $0x1, s23, s11, $0xb8;
	[tilespmem:$0x8400] =	vst v63  }
0xd5: {  	s20 =	simm.s32 $0x1100;
	s22 =	simm.s32 $0x5100  }
0xd6: {  	[tilespmem:s22], [sflag:$0x1] =	stream.indirect.gather [hbm4b:s1+s11], $0x1, s20, s11, $0xb8;
	[tilespmem:$0x8400] =	vst v63  }
0xd7: {  	s23 =	simm.s32 $0x3100;
	s24 =	simm.s32 $0x7100  }
0xd8: {  	[tilespmem:s24], [sflag:$0x2] =	stream.indirect.gather [hbm4b:s1+s11], $0x1, s23, s11, $0xb8;
	[tilespmem:$0x8400] =	vst v63  }
0xd9: {  	s20 =	simm.s32 $0x1200;
	s22 =	simm.s32 $0x5200  }
0xda: {  	[tilespmem:s22], [sflag:$0x1] =	stream.indirect.gather [hbm4b:s1+s11], $0x1, s20, s11, $0xb8;
	[tilespmem:$0x8400] =	vst v63  }
0xdb: {  	s23 =	simm.s32 $0x3200;
	s24 =	simm.s32 $0x7200  }
0xdc: {  	[tilespmem:s24], [sflag:$0x2] =	stream.indirect.gather [hbm4b:s1+s11], $0x1, s23, s11, $0xb8;
	[tilespmem:$0x8400] =	vst v63  }
0xdd: {  	s20 =	simm.s32 $0x1300;
	s22 =	simm.s32 $0x5300  }
0xde: {  	[tilespmem:s22], [sflag:$0x1] =	stream.indirect.gather [hbm4b:s1+s11], $0x1, s20, s11, $0xb8;
	[tilespmem:$0x8400] =	vst v63  }
0xdf: {  	s23 =	simm.s32 $0x3300;
	s24 =	simm.s32 $0x7300  }
0xe0: {  	[tilespmem:s24], [sflag:$0x2] =	stream.indirect.gather [hbm4b:s1+s11], $0x1, s23, s11, $0xb8;
	[tilespmem:$0x8400] =	vst v63  }
0xe1: {  	s20 =	simm.s32 $0x5400  }
0xe2: {  	[tilespmem:s20], [sflag:$0x1] =	stream.indirect.gather [hbm4b:s1+s11], $0x1, s19, s11, $0xb8;
	[tilespmem:$0x8400] =	vst v63  }
0xe3: {  	s22 =	simm.s32 $0x7400  }
0xe4: {  	[tilespmem:s22], [sflag:$0x2] =	stream.indirect.gather [hbm4b:s1+s11], $0x1, s21, s11, $0xb8;
	[tilespmem:$0x8400] =	vst v63  }
0xe5: {  	s23 =	simm.s32 $0x1500;
	s24 =	simm.s32 $0x5500  }
0xe6: {  	[tilespmem:s24], [sflag:$0x1] =	stream.indirect.gather [hbm4b:s1+s11], $0x1, s23, s11, $0xb8;
	[tilespmem:$0x8400] =	vst v63  }
0xe7: {  	s20 =	simm.s32 $0x3500;
	s22 =	simm.s32 $0x7500  }
0xe8: {  	[tilespmem:s22], [sflag:$0x2] =	stream.indirect.gather [hbm4b:s1+s11], $0x1, s20, s11, $0xb8;
	[tilespmem:$0x8400] =	vst v63  }
0xe9: {  	s23 =	simm.s32 $0x1600;
	s24 =	simm.s32 $0x5600  }
0xea: {  	[tilespmem:s24], [sflag:$0x1] =	stream.indirect.gather [hbm4b:s1+s11], $0x1, s23, s11, $0xb8;
	[tilespmem:$0x8400] =	vst v63  }
0xeb: {  	s20 =	simm.s32 $0x3600;
	s22 =	simm.s32 $0x7600  }
0xec: {  	[tilespmem:s22], [sflag:$0x2] =	stream.indirect.gather [hbm4b:s1+s11], $0x1, s20, s11, $0xb8;
	[tilespmem:$0x8400] =	vst v63  }
0xed: {  	s23 =	simm.s32 $0x1700;
	s24 =	simm.s32 $0x5700  }
0xee: {  	[tilespmem:s24], [sflag:$0x1] =	stream.indirect.gather [hbm4b:s1+s11], $0x1, s23, s11, $0xb8;
	[tilespmem:$0x8400] =	vst v63  }
0xef: {  	s20 =	simm.s32 $0x3700;
	s22 =	simm.s32 $0x7700  }
0xf0: {  	[tilespmem:s22], [sflag:$0x2] =	stream.indirect.gather [hbm4b:s1+s11], $0x1, s20, s11, $0xb8;
	[tilespmem:$0x8400] =	vst v63  }
0xf1: {  	s23 =	simm.s32 $0x1800;
	s24 =	simm.s32 $0x5800  }
0xf2: {  	[tilespmem:s24], [sflag:$0x1] =	stream.indirect.gather [hbm4b:s1+s11], $0x1, s23, s11, $0xb8;
	[tilespmem:$0x8400] =	vst v63  }
0xf3: {  	s20 =	simm.s32 $0x3800;
	s22 =	simm.s32 $0x7800  }
0xf4: {  	[tilespmem:s22], [sflag:$0x2] =	stream.indirect.gather [hbm4b:s1+s11], $0x1, s20, s11, $0xb8;
	[tilespmem:$0x8400] =	vst v63  }
0xf5: {  	s23 =	simm.s32 $0x1900;
	s24 =	simm.s32 $0x5900  }
0xf6: {  	[tilespmem:s24], [sflag:$0x1] =	stream.indirect.gather [hbm4b:s1+s11], $0x1, s23, s11, $0xb8;
	[tilespmem:$0x8400] =	vst v63  }
0xf7: {  	s20 =	simm.s32 $0x3900;
	s22 =	simm.s32 $0x7900  }
0xf8: {  	[tilespmem:s22], [sflag:$0x2] =	stream.indirect.gather [hbm4b:s1+s11], $0x1, s20, s11, $0xb8;
	[tilespmem:$0x8400] =	vst v63  }
0xf9: {  	s23 =	simm.s32 $0x1A00;
	s24 =	simm.s32 $0x5A00  }
0xfa: {  	[tilespmem:s24], [sflag:$0x1] =	stream.indirect.gather [hbm4b:s1+s11], $0x1, s23, s11, $0xb8;
	[tilespmem:$0x8400] =	vst v63  }
0xfb: {  	s20 =	simm.s32 $0x3A00;
	s22 =	simm.s32 $0x7A00  }
0xfc: {  	[tilespmem:s22], [sflag:$0x2] =	stream.indirect.gather [hbm4b:s1+s11], $0x1, s20, s11, $0xb8;
	[tilespmem:$0x8400] =	vst v63  }
0xfd: {  	s23 =	simm.s32 $0x1B00;
	s24 =	simm.s32 $0x5B00  }
0xfe: {  	[tilespmem:s24], [sflag:$0x1] =	stream.indirect.gather [hbm4b:s1+s11], $0x1, s23, s11, $0xb8;
	[tilespmem:$0x8400] =	vst v63  }
0xff: {  	s20 =	simm.s32 $0x3B00;
	s22 =	simm.s32 $0x7B00  }
0x100: {  	[tilespmem:s22], [sflag:$0x2] =	stream.indirect.gather [hbm4b:s1+s11], $0x1, s20, s11, $0xb8;
	[tilespmem:$0x8400] =	vst v63  }
0x101: {  	s23 =	simm.s32 $0x1C00;
	s24 =	simm.s32 $0x5C00  }
0x102: {  	[tilespmem:s24], [sflag:$0x1] =	stream.indirect.gather [hbm4b:s1+s11], $0x1, s23, s11, $0xb8;
	[tilespmem:$0x8400] =	vst v63  }
0x103: {  	s20 =	simm.s32 $0x3C00;
	s22 =	simm.s32 $0x7C00  }
0x104: {  	[tilespmem:s22], [sflag:$0x2] =	stream.indirect.gather [hbm4b:s1+s11], $0x1, s20, s11, $0xb8;
	[tilespmem:$0x8400] =	vst v63  }
0x105: {  	s23 =	simm.s32 $0x1D00;
	s24 =	simm.s32 $0x5D00  }
0x106: {  	[tilespmem:s24], [sflag:$0x1] =	stream.indirect.gather [hbm4b:s1+s11], $0x1, s23, s11, $0xb8;
	[tilespmem:$0x8400] =	vst v63  }
0x107: {  	s20 =	simm.s32 $0x3D00;
	s22 =	simm.s32 $0x7D00  }
0x108: {  	[tilespmem:s22], [sflag:$0x2] =	stream.indirect.gather [hbm4b:s1+s11], $0x1, s20, s11, $0xb8;
	[tilespmem:$0x8400] =	vst v63  }
0x109: {  	s23 =	simm.s32 $0x1E00;
	s24 =	simm.s32 $0x5E00  }
0x10a: {  	[tilespmem:s24], [sflag:$0x1] =	stream.indirect.gather [hbm4b:s1+s11], $0x1, s23, s11, $0xb8;
	[tilespmem:$0x8400] =	vst v63  }
0x10b: {  	s20 =	simm.s32 $0x3E00;
	s22 =	simm.s32 $0x7E00  }
0x10c: {  	[tilespmem:s22], [sflag:$0x2] =	stream.indirect.gather [hbm4b:s1+s11], $0x1, s20, s11, $0xb8;
	[tilespmem:$0x8400] =	vst v63  }
0x10d: {  	s23 =	simm.s32 $0x1F00;
	s24 =	simm.s32 $0x5F00  }
0x10e: {  	[tilespmem:s24], [sflag:$0x1] =	stream.indirect.gather [hbm4b:s1+s11], $0x1, s23, s11, $0xb8;
	[tilespmem:$0x8400] =	vst v63  }
0x10f: {  	s18 =	simm.s32 $0x3F00;
	s20 =	simm.s32 $0x7F00  }
0x110: {  	[tilespmem:s20], [sflag:$0x2] =	stream.indirect.gather [hbm4b:s1+s11], $0x1, s18, s11, $0xb8;
	[tilespmem:$0x8400] =	vst v63  }
0x111: {  	s22 =	simm.s32 $0x2000;
	s23 =	simm.s32 $0x6000  }
0x112: {  	[tilespmem:s23], [sflag:$0x1] =	stream.indirect.gather [hbm4b:s1+s11], $0x1, s22, s11, $0xb8;
	[tilespmem:$0x8400] =	vst v63  }
0x113: {  	s24 =	simm.s32 $0x8000  }
0x114: {  	[tilespmem:s24], [sflag:$0x2] =	stream.indirect.gather [hbm4b:s1+s11], $0x1, s16, s11, $0xb8;
	[tilespmem:$0x8400] =	vst v63  }
0x115: {  	s18 =	simm.s32 $0x2100;
	s20 =	simm.s32 $0x6100  }
0x116: {  	[tilespmem:s20], [sflag:$0x1] =	stream.indirect.gather [hbm4b:s1+s11], $0x1, s18, s11, $0xb8;
	[tilespmem:$0x8400] =	vst v63  }
0x117: {  	s22 =	simm.s32 $0x4100;
	s23 =	simm.s32 $0x8100  }
0x118: {  	[tilespmem:s23], [sflag:$0x2] =	stream.indirect.gather [hbm4b:s1+s11], $0x1, s22, s11, $0xb8;
	[tilespmem:$0x8400] =	vst v63  }
0x119: {  	s24 =	simm.s32 $0x2200  }
0x11a: {  	[tilespmem:s25], [sflag:$0x1] =	stream.indirect.gather [hbm4b:s1+s11], $0x1, s24, s11, $0xb8;
	[tilespmem:$0x8400] =	vst v63  }
0x11b: {  	_ = 	snop  }
0x11c: {  	[tilespmem:s28], [sflag:$0x2] =	stream.indirect.gather [hbm4b:s1+s11], $0x1, s26, s11, $0xb8;
	[tilespmem:$0x8400] =	vst v63  }
0x11d: {  	_ = 	snop  }
0x11e: {  	[tilespmem:s30], [sflag:$0x1] =	stream.indirect.gather [hbm4b:s1+s11], $0x1, s29, s11, $0xb8;
	[tilespmem:$0x8400] =	vst v63  }
0x11f: {  	_ = 	snop  }
0x120: {  	[tilespmem:s0], [sflag:$0x2] =	stream.indirect.gather [hbm4b:s1+s11], $0x1, s31, s11, $0xb8;
	[tilespmem:$0x8400] =	vst v63  }
0x121: {  	_ =	swait.ge [sflag:s2], $0x100  }
0x122: {  	[sflag:s2] =	ssyncset.done $0x0  }
0x123: {  	[sflag:s2] =	ssyncadd.s32 $0xFFFFFF00  }
0x124: {  	_ =	swait.ge [sflag:s12], $0x100  }
0x125: {  	[sflag:s12] =	ssyncset.done $0x0  }
0x126: {  	[sflag:s12] =	ssyncadd.s32 $0xFFFFFF00  }
0x127: {  	_ =	swait.ge [sflag:s2], $0x100  }
0x128: {  	[sflag:s2] =	ssyncset.done $0x0  }
0x129: {  	[sflag:s2] =	ssyncadd.s32 $0xFFFFFF00  }
0x12a: {  	_ =	swait.ge [sflag:s12], $0x100  }
0x12b: {  	[sflag:s12] =	ssyncset.done $0x0  }
0x12c: {  	[sflag:s12] =	ssyncadd.s32 $0xFFFFFF00  }
0x12d: {  	_ =	swait.ge [sflag:s2], $0x100  }
0x12e: {  	[sflag:s2] =	ssyncset.done $0x0  }
0x12f: {  	[sflag:s2] =	ssyncadd.s32 $0xFFFFFF00  }
0x130: {  	_ =	swait.ge [sflag:s12], $0x100  }
0x131: {  	[sflag:s12] =	ssyncset.done $0x0  }
0x132: {  	[sflag:s12] =	ssyncadd.s32 $0xFFFFFF00  }
0x133: {  	_ =	swait.ge [sflag:s2], $0x100  }
0x134: {  	[sflag:s2] =	ssyncset.done $0x0  }
0x135: {  	[sflag:s2] =	ssyncadd.s32 $0xFFFFFF00  }
0x136: {  	_ =	swait.ge [sflag:s12], $0x100  }
0x137: {  	[sflag:s12] =	ssyncset.done $0x0  }
0x138: {  	[sflag:s12] =	ssyncadd.s32 $0xFFFFFF00  }
0x139: {  	_ =	swait.ge [sflag:s2], $0x100  }
0x13a: {  	[sflag:s2] =	ssyncset.done $0x0  }
0x13b: {  	[sflag:s2] =	ssyncadd.s32 $0xFFFFFF00  }
0x13c: {  	_ =	swait.ge [sflag:s12], $0x100  }
0x13d: {  	[sflag:s12] =	ssyncset.done $0x0  }
0x13e: {  	[sflag:s12] =	ssyncadd.s32 $0xFFFFFF00  }
0x13f: {  	_ =	swait.ge [sflag:s2], $0x100  }
0x140: {  	[sflag:s2] =	ssyncset.done $0x0  }
0x141: {  	[sflag:s2] =	ssyncadd.s32 $0xFFFFFF00  }
0x142: {  	_ =	swait.ge [sflag:s12], $0x100  }
0x143: {  	[sflag:s12] =	ssyncset.done $0x0  }
0x144: {  	[sflag:s12] =	ssyncadd.s32 $0xFFFFFF00  }
0x145: {  	_ =	swait.ge [sflag:s2], $0x100  }
0x146: {  	[sflag:s2] =	ssyncset.done $0x0  }
0x147: {  	[sflag:s2] =	ssyncadd.s32 $0xFFFFFF00  }
0x148: {  	_ =	swait.ge [sflag:s12], $0x100  }
0x149: {  	[sflag:s12] =	ssyncset.done $0x0  }
0x14a: {  	[sflag:s12] =	ssyncadd.s32 $0xFFFFFF00  }
0x14b: {  	_ =	swait.ge [sflag:s2], $0x100  }
0x14c: {  	[sflag:s2] =	ssyncset.done $0x0  }
0x14d: {  	[sflag:s2] =	ssyncadd.s32 $0xFFFFFF00  }
0x14e: {  	_ =	swait.ge [sflag:s12], $0x100  }
0x14f: {  	[sflag:s12] =	ssyncset.done $0x0  }
0x150: {  	[sflag:s12] =	ssyncadd.s32 $0xFFFFFF00  }
0x151: {  	_ =	swait.ge [sflag:s2], $0x100  }
0x152: {  	[sflag:s2] =	ssyncset.done $0x0  }
0x153: {  	[sflag:s2] =	ssyncadd.s32 $0xFFFFFF00  }
0x154: {  	_ =	swait.ge [sflag:s12], $0x100  }
0x155: {  	[sflag:s12] =	ssyncset.done $0x0  }
0x156: {  	[sflag:s12] =	ssyncadd.s32 $0xFFFFFF00  }
0x157: {  	_ =	swait.ge [sflag:s2], $0x100  }
0x158: {  	[sflag:s2] =	ssyncset.done $0x0  }
0x159: {  	[sflag:s2] =	ssyncadd.s32 $0xFFFFFF00  }
0x15a: {  	_ =	swait.ge [sflag:s12], $0x100  }
0x15b: {  	[sflag:s12] =	ssyncset.done $0x0  }
0x15c: {  	[sflag:s12] =	ssyncadd.s32 $0xFFFFFF00  }
0x15d: {  	_ =	swait.ge [sflag:s2], $0x100  }
0x15e: {  	[sflag:s2] =	ssyncset.done $0x0  }
0x15f: {  	[sflag:s2] =	ssyncadd.s32 $0xFFFFFF00  }
0x160: {  	_ =	swait.ge [sflag:s12], $0x100  }
0x161: {  	[sflag:s12] =	ssyncset.done $0x0  }
0x162: {  	[sflag:s12] =	ssyncadd.s32 $0xFFFFFF00  }
0x163: {  	_ =	swait.ge [sflag:s2], $0x100  }
0x164: {  	[sflag:s2] =	ssyncset.done $0x0  }
0x165: {  	[sflag:s2] =	ssyncadd.s32 $0xFFFFFF00  }
0x166: {  	_ =	swait.ge [sflag:s12], $0x100  }
0x167: {  	[sflag:s12] =	ssyncset.done $0x0  }
0x168: {  	[sflag:s12] =	ssyncadd.s32 $0xFFFFFF00  }
0x169: {  	_ =	swait.ge [sflag:s2], $0x100  }
0x16a: {  	[sflag:s2] =	ssyncset.done $0x0  }
0x16b: {  	[sflag:s2] =	ssyncadd.s32 $0xFFFFFF00  }
0x16c: {  	_ =	swait.ge [sflag:s12], $0x100  }
0x16d: {  	[sflag:s12] =	ssyncset.done $0x0  }
0x16e: {  	[sflag:s12] =	ssyncadd.s32 $0xFFFFFF00  }
0x16f: {  	_ =	swait.ge [sflag:s2], $0x100  }
0x170: {  	[sflag:s2] =	ssyncset.done $0x0  }
0x171: {  	[sflag:s2] =	ssyncadd.s32 $0xFFFFFF00  }
0x172: {  	_ =	swait.ge [sflag:s12], $0x100  }
0x173: {  	[sflag:s12] =	ssyncset.done $0x0  }
0x174: {  	[sflag:s12] =	ssyncadd.s32 $0xFFFFFF00  }
0x175: {  	_ =	swait.ge [sflag:s2], $0x100  }
0x176: {  	[sflag:s2] =	ssyncset.done $0x0  }
0x177: {  	[sflag:s2] =	ssyncadd.s32 $0xFFFFFF00  }
0x178: {  	_ =	swait.ge [sflag:s12], $0x100  }
0x179: {  	[sflag:s12] =	ssyncset.done $0x0  }
0x17a: {  	[sflag:s12] =	ssyncadd.s32 $0xFFFFFF00  }
0x17b: {  	_ =	swait.ge [sflag:s2], $0x100  }
0x17c: {  	[sflag:s2] =	ssyncset.done $0x0  }
0x17d: {  	[sflag:s2] =	ssyncadd.s32 $0xFFFFFF00  }
0x17e: {  	_ =	swait.ge [sflag:s12], $0x100  }
0x17f: {  	[sflag:s12] =	ssyncset.done $0x0  }
0x180: {  	[sflag:s12] =	ssyncadd.s32 $0xFFFFFF00  }
0x181: {  	_ =	swait.ge [sflag:s2], $0x100  }
0x182: {  	[sflag:s2] =	ssyncset.done $0x0  }
0x183: {  	[sflag:s2] =	ssyncadd.s32 $0xFFFFFF00  }
0x184: {  	_ =	swait.ge [sflag:s12], $0x100  }
0x185: {  	[sflag:s12] =	ssyncset.done $0x0  }
0x186: {  	[sflag:s12] =	ssyncadd.s32 $0xFFFFFF00  }
0x187: {  	_ =	swait.ge [sflag:s2], $0x100  }
0x188: {  	[sflag:s2] =	ssyncset.done $0x0  }
0x189: {  	[sflag:s2] =	ssyncadd.s32 $0xFFFFFF00  }
0x18a: {  	_ =	swait.ge [sflag:s12], $0x100  }
0x18b: {  	[sflag:s12] =	ssyncset.done $0x0  }
0x18c: {  	[sflag:s12] =	ssyncadd.s32 $0xFFFFFF00  }
0x18d: {  	_ =	swait.ge [sflag:s2], $0x100  }
0x18e: {  	[sflag:s2] =	ssyncset.done $0x0  }
0x18f: {  	[sflag:s2] =	ssyncadd.s32 $0xFFFFFF00  }
0x190: {  	_ =	swait.ge [sflag:s12], $0x100  }
0x191: {  	[sflag:s12] =	ssyncset.done $0x0  }
0x192: {  	[sflag:s12] =	ssyncadd.s32 $0xFFFFFF00  }
0x193: {  	_ =	swait.ge [sflag:s2], $0x100  }
0x194: {  	[sflag:s2] =	ssyncset.done $0x0  }
0x195: {  	[sflag:s2] =	ssyncadd.s32 $0xFFFFFF00  }
0x196: {  	_ =	swait.ge [sflag:s12], $0x100  }
0x197: {  	[sflag:s12] =	ssyncset.done $0x0  }
0x198: {  	[sflag:s12] =	ssyncadd.s32 $0xFFFFFF00  }
0x199: {  	_ =	swait.ge [sflag:s2], $0x100  }
0x19a: {  	[sflag:s2] =	ssyncset.done $0x0  }
0x19b: {  	[sflag:s2] =	ssyncadd.s32 $0xFFFFFF00  }
0x19c: {  	_ =	swait.ge [sflag:s12], $0x100  }
0x19d: {  	[sflag:s12] =	ssyncset.done $0x0  }
0x19e: {  	[sflag:s12] =	ssyncadd.s32 $0xFFFFFF00  }
0x19f: {  	_ =	swait.ge [sflag:s2], $0x100  }
0x1a0: {  	[sflag:s2] =	ssyncset.done $0x0  }
0x1a1: {  	[sflag:s2] =	ssyncadd.s32 $0xFFFFFF00  }
0x1a2: {  	_ =	swait.ge [sflag:s12], $0x100  }
0x1a3: {  	[sflag:s12] =	ssyncset.done $0x0  }
0x1a4: {  	[sflag:s12] =	ssyncadd.s32 $0xFFFFFF00  }
0x1a5: {  	_ =	swait.ge [sflag:s2], $0x100  }
0x1a6: {  	[sflag:s2] =	ssyncset.done $0x0  }
0x1a7: {  	[sflag:s2] =	ssyncadd.s32 $0xFFFFFF00  }
0x1a8: {  	_ =	swait.ge [sflag:s12], $0x100  }
0x1a9: {  	[sflag:s12] =	ssyncset.done $0x0  }
0x1aa: {  	[sflag:s12] =	ssyncadd.s32 $0xFFFFFF00  }
0x1ab: {  	_ =	swait.ge [sflag:s2], $0x100  }
0x1ac: {  	[sflag:s2] =	ssyncset.done $0x0  }
0x1ad: {  	[sflag:s2] =	ssyncadd.s32 $0xFFFFFF00  }
0x1ae: {  	_ =	swait.ge [sflag:s12], $0x100  }
0x1af: {  	[sflag:s12] =	ssyncset.done $0x0  }
0x1b0: {  	[sflag:s12] =	ssyncadd.s32 $0xFFFFFF00  }
0x1b1: {  	_ =	swait.ge [sflag:s2], $0x100  }
0x1b2: {  	[sflag:s2] =	ssyncset.done $0x0  }
0x1b3: {  	[sflag:s2] =	ssyncadd.s32 $0xFFFFFF00  }
0x1b4: {  	_ =	swait.ge [sflag:s12], $0x100  }
0x1b5: {  	[sflag:s12] =	ssyncset.done $0x0  }
0x1b6: {  	[sflag:s12] =	ssyncadd.s32 $0xFFFFFF00  }
0x1b7: {  	_ =	swait.ge [sflag:s2], $0x100  }
0x1b8: {  	[sflag:s2] =	ssyncset.done $0x0  }
0x1b9: {  	[sflag:s2] =	ssyncadd.s32 $0xFFFFFF00  }
0x1ba: {  	_ =	swait.ge [sflag:s12], $0x100  }
0x1bb: {  	[sflag:s12] =	ssyncset.done $0x0  }
0x1bc: {  	[sflag:s12] =	ssyncadd.s32 $0xFFFFFF00  }
0x1bd: {  	_ =	swait.ge [sflag:s2], $0x100  }
0x1be: {  	[sflag:s2] =	ssyncset.done $0x0  }
0x1bf: {  	[sflag:s2] =	ssyncadd.s32 $0xFFFFFF00  }
0x1c0: {  	_ =	swait.ge [sflag:s12], $0x100  }
0x1c1: {  	[sflag:s12] =	ssyncset.done $0x0  }
0x1c2: {  	[sflag:s12] =	ssyncadd.s32 $0xFFFFFF00  }
0x1c3: {  	_ =	swait.ge [sflag:s2], $0x100  }
0x1c4: {  	[sflag:s2] =	ssyncset.done $0x0  }
0x1c5: {  	[sflag:s2] =	ssyncadd.s32 $0xFFFFFF00  }
0x1c6: {  	_ =	swait.ge [sflag:s12], $0x100  }
0x1c7: {  	[sflag:s12] =	ssyncset.done $0x0  }
0x1c8: {  	[sflag:s12] =	ssyncadd.s32 $0xFFFFFF00  }
0x1c9: {  	_ =	swait.ge [sflag:s2], $0x100  }
0x1ca: {  	[sflag:s2] =	ssyncset.done $0x0  }
0x1cb: {  	[sflag:s2] =	ssyncadd.s32 $0xFFFFFF00  }
0x1cc: {  	_ =	swait.ge [sflag:s12], $0x100  }
0x1cd: {  	[sflag:s12] =	ssyncset.done $0x0  }
0x1ce: {  	[sflag:s12] =	ssyncadd.s32 $0xFFFFFF00  }
0x1cf: {  	_ =	swait.ge [sflag:s2], $0x100  }
0x1d0: {  	[sflag:s2] =	ssyncset.done $0x0  }
0x1d1: {  	[sflag:s2] =	ssyncadd.s32 $0xFFFFFF00  }
0x1d2: {  	_ =	swait.ge [sflag:s12], $0x100  }
0x1d3: {  	[sflag:s12] =	ssyncset.done $0x0  }
0x1d4: {  	[sflag:s12] =	ssyncadd.s32 $0xFFFFFF00  }
0x1d5: {  	_ =	swait.ge [sflag:s2], $0x100  }
0x1d6: {  	[sflag:s2] =	ssyncset.done $0x0  }
0x1d7: {  	[sflag:s2] =	ssyncadd.s32 $0xFFFFFF00  }
0x1d8: {  	_ =	swait.ge [sflag:s12], $0x100  }
0x1d9: {  	[sflag:s12] =	ssyncset.done $0x0  }
0x1da: {  	[sflag:s12] =	ssyncadd.s32 $0xFFFFFF00  }
0x1db: {  	_ =	swait.ge [sflag:s2], $0x100  }
0x1dc: {  	[sflag:s2] =	ssyncset.done $0x0  }
0x1dd: {  	[sflag:s2] =	ssyncadd.s32 $0xFFFFFF00  }
0x1de: {  	_ =	swait.ge [sflag:s12], $0x100  }
0x1df: {  	[sflag:s12] =	ssyncset.done $0x0  }
0x1e0: {  	[sflag:s12] =	ssyncadd.s32 $0xFFFFFF00  }
0x1e1: {  	[hbm4b:s6+s10] =	stream.strided.scatter [tilespmem:s13], [sflag:$0x3], $0x2000, s16, s10, $0x38;
	[tilespmem:$0x8400] =	vst v63  }
0x1e2: {  	s14 =	sadd.s32 $0x1, s14;
	_ =	swait.ge [sflag:s9], $0x2000  }
0x1e3: {  	p0 =	sne.s32 s14, s8;
	[sflag:s9] =	ssyncset.done $0x0  }
.Ltmp1:
0x1e4: {  	[sflag:s9] =	ssyncadd.s32 $0xFFFFE000;
	(pc) =	sbr.rel @p0 .LBB2_1-.Ltmp1, $4  }
0x1e5: {  	[hbm4b:s7+s10] =	stream.strided.scatter [tilespmem:s15], [sflag:$0x3], $0x2000, s16, s10, $0x38;
	[tilespmem:$0x8400] =	vst v63  }
0x1e6: {  	_ =	swait.ge [sflag:s9], $0x2000  }
0x1e7: {  	[sflag:s9] =	ssyncset.done $0x0  }
0x1e8: {  	[sflag:s9] =	ssyncadd.s32 $0xFFFFE000  }
0x1e9: {  	_ =	sfence.sel $0x180000  }
0x1ea: {  	[bflag:$0x0] =	sbarrier.arrive $0xFFFF  }
0x1eb: {  	_ =	strace $0x90000047  }
0x1ec: {  	s0 =	stileid.u32;
	[bflag:$0x2] =	sbarrier.arrive $0xFFFF  }
0x1ed: {  	p0 =	sne.s32 s0, $0x0;
	s0 =	rddreg [dreg:$0x5]  }
0x1ee: {  	s0 =	sadd.s32 @!p0 $0x100000, s0  }
0x1ef: {  	[sflag:s0] =	ssyncadd.tile.s32 @!p0 $0x1;
	_ =	shalt  }
.Lfunc_end2:
_tile_overlayer_lowered:
.L_overlay_start_2:
0x1f0: {  	(tag) =	ssettag $0x2  }
0x1f1: {  	s0 =	rddreg [dreg:$0x0];
	s2 =	stileid.u32  }
0x1f2: {  	s1 =	rddreg [dreg:$0x1];
	p0 =	sne.s32 s2, $0x0  }
0x1f3: {  	s3 =	rddreg [dreg:$0x2];
	[bflag:$0x3] =	sbarrier.arrive $0xFFFF;
	s2 =	simm.s32 @!p0 $0x1C03  }
0x1f4: {  	[timem:s3], [sflag:s2] =	dma.local @!p0 [hbm:s0], s1  }
0x1f5: {  	s0 =	simm.s32 @!p0 $0x3  }
0x1f6: {  	_ =	swait.ge @!p0 [sflag:s0], s1  }
0x1f7: {  	s1 =	ssub.s32 @!p0 $0x0, s1;
	[sflag:s0] =	ssyncset.done @!p0 $0x0  }
0x1f8: {  	[sflag:s0] =	ssyncadd.s32 @!p0 s1  }
0x1f9: {  	[bflag:$0x3] =	sbarrier.arrive $0xFFFF  }
0x1fa: {  	_ =	shalt  }

</sc_bundles>
